<compile_context>
chip_gen: v7x
topology: tpu7x:2x2x1
jax: 0.10.2.dev20260603
libtpu: 0.0.44.dev20260713+nightly
codegen_flags: <defaults>
</compile_context>

<pallas_src>
import functools

import jax
import jax.numpy as jnp
from jax import lax
from jax.experimental import pallas as pl
from jax.experimental.pallas import tpu as pltpu
from jax.experimental.pallas import tpu_sc as plsc

_H = 8
_D = 32
_LB = 128
_N = 100000
_V = _N * _H
_B = 16384
_NB = _B // _LB
_VB = _V // _LB
_RPW = _V // 32
_WBLK = 208
_NCH = 13
_KB = 16
_CR = _KB * _LB
_BATCH = 512
_CAND = _B


@functools.cache
def _build():
    info = plsc.get_sparse_core_info()
    NC, NS, L = info.num_cores, info.num_subcores, info.num_lanes
    mesh = plsc.VectorSubcoreMesh(core_axis_name="c", subcore_axis_name="s")
    DB = _D // 8

    @functools.partial(
        pl.kernel,
        mesh=mesh,
        compiler_params=pltpu.CompilerParams(
            use_tc_tiling_on_sc=False, needs_layout_passes=False),
        out_type=(
            jax.ShapeDtypeStruct((_H * DB * _NB * 8 * _LB,), jnp.float32),
            jax.ShapeDtypeStruct((_B * _H + 32, _D), jnp.float32),
        ),
        scratch_types=[
            pltpu.VMEM((_CAND,), jnp.int32),
            pltpu.VMEM((_CAND + _BATCH,), jnp.int32),
            pltpu.VMEM((16,), jnp.int32),
            pltpu.VMEM((16,), jnp.int32),
            pltpu.VMEM((16,), jnp.int32),
            pltpu.VMEM((4 * _KB * 1024,), jnp.float32),
            pltpu.VMEM((_BATCH, _D), jnp.float32),
            pltpu.VMEM((_BATCH,), jnp.int32),
            pltpu.VMEM((8 * _H * _LB,), jnp.int32),
            pltpu.VMEM((_H,), jnp.int32),
            pltpu.SemaphoreType.DMA,
        ],
    )
    def k(ids_hbm, off_hbm, tnat_hbm, out_hbm, rows_hbm,
          cand_v, hits_v, hist_v, beg_v, cur_v, cbuf_v, srow_v, spos_v,
          idsl_v, off_v, sem):
        w = lax.axis_index("c") * NS + lax.axis_index("s")
        hw = w // 4
        sub = w % 4
        lo = w * _RPW
        hi = lo + _RPW
        blk_lo = jnp.minimum(lo // _LB, _VB - _WBLK)
        row0 = blk_lo * _LB
        iota = lax.iota(jnp.int32, L)
        ones = jnp.zeros((L,), jnp.int32) + 1

        pltpu.sync_copy(off_hbm, off_v)
        off_vec = plsc.load_gather(off_v, [jnp.zeros((L,), jnp.int32) + hw])

        hist_v[...] = jnp.zeros((16,), jnp.int32)

        def p1(chunk, _):
            pltpu.sync_copy(
                ids_hbm.at[pl.ds(chunk * (8 * _H * _LB), 8 * _H * _LB)], idsl_v)
            def p1b(ibl, _):
                for g in range(_LB // L):
                    src = (ibl * _H + hw) * _LB + g * L
                    r = idsl_v[pl.ds(src, L)] + off_vec
                    dst = (chunk * 8 + ibl) * _LB + g * L
                    cand_v[pl.ds(dst, L)] = r
                    m = (r >= lo) & (r < hi)
                    bkt = lax.shift_right_logical(r - row0, 11) & 15
                    plsc.addupdate_scatter(hist_v, [bkt], ones, mask=m)
                return 0
            lax.fori_loop(0, 8, p1b, 0)
            return 0

        lax.fori_loop(0, _CAND // (8 * _LB), p1, 0)

        hvec = hist_v[...]
        hpad = (hvec + 15) & (-16)
        cum = plsc.cumsum(hpad)
        beg_v[...] = cum - hpad
        cur_v[...] = cum - hpad

        def p2(vi, _):
            r = cand_v[pl.ds(vi * L, L)]
            m = (r >= lo) & (r < hi)
            rloc = r - row0
            bkt = lax.shift_right_logical(rloc, 11) & 15
            base = plsc.load_gather(cur_v, [bkt])
            rank, _last = plsc.scan_count(bkt, m)
            slot = jnp.clip(base + rank - 1, 0, _CAND + _BATCH - 1)
            packed = rloc | ((iota + vi * L) * 32768)
            plsc.store_scatter(hits_v, [slot], packed, mask=m)
            plsc.addupdate_scatter(cur_v, [bkt], ones, mask=m)
            return 0

        lax.fori_loop(0, _CAND // L, p2, 0)

        dummy = _B * _H + w

        def chunk_body(c, _):
            for db in range(DB):
                src = (db * _VB + blk_lo + c * _KB) * 1024
                pltpu.sync_copy(tnat_hbm.at[pl.ds(src, _KB * 1024)],
                                cbuf_v.at[pl.ds(db * (_KB * 1024), _KB * 1024)])
            cvec = jnp.zeros((L,), jnp.int32) + c
            cntv = plsc.load_gather(hist_v, [cvec])
            cnt = jnp.max(jnp.where(iota == c, hist_v[...], 0))
            beg = jnp.max(jnp.where(iota == c, beg_v[...], 0))
            crow0 = c * _CR

            def batch_body(b, _):
                gvs = jnp.minimum(
                    lax.shift_right_logical(
                        cnt - b * _BATCH + (L - 1), 4), _BATCH // L)

                def group_body(gv, _):
                    goff = b * (_BATCH // L) + gv
                    start = pl.multiple_of(beg, 16) + goff * L
                    s = hits_v[pl.ds(start, L)]
                    mk = (iota + goff * L) < cntv
                    rloc = s & 32767
                    pos = lax.shift_right_logical(s, 15)
                    base = rloc - crow0
                    widx = (lax.shift_right_logical(base, 7) * 1024
                            + (base & 127)) & (_KB * 1024 - 1)
                    rowi = iota + gv * L
                    for d in range(_D):
                        gidx = widx + ((d & 7) * _LB
                                       + (d >> 3) * (_KB * 1024))
                        vals = plsc.load_gather(cbuf_v, [gidx], mask=mk)
                        plsc.store_scatter(
                            srow_v, [rowi, jnp.zeros((L,), jnp.int32) + d],
                            vals)
                    spos_v[pl.ds(gv * L, L)] = jnp.where(
                        mk, hw * _B + pos, dummy)
                    return 0

                lax.fori_loop(0, gvs, group_body, 0)

                def padgrp(gv, _):
                    spos_v[pl.ds(gv * L, L)] = jnp.zeros((L,), jnp.int32) + dummy
                    return 0

                lax.fori_loop(gvs, _BATCH // L, padgrp, 0)
                pltpu.async_copy(srow_v, rows_hbm.at[spos_v], sem).wait()
                return 0

            nb = lax.shift_right_logical(cnt + _BATCH - 1, 9)
            lax.fori_loop(0, nb, batch_body, 0)
            return 0

        lax.fori_loop(0, _NCH, chunk_body, 0)

        plsc.subcore_barrier()

        ib0 = sub * (_NB // 4)
        pat2 = lax.shift_right_logical(iota, 3) * 4096 + (iota & 7) * _LB

        def outer(bb, _):
            rstart = hw * _B + (ib0 + bb * 4) * _LB
            pltpu.sync_copy(rows_hbm.at[pl.ds(rstart, _BATCH)], srow_v)

            def rowloop(ii, _):
                v0 = srow_v[ii, pl.ds(0, L)]
                v1 = srow_v[ii, pl.ds(L, L)]
                o = pat2 + (lax.shift_right_logical(ii, 7) * 1024 + (ii & 127))
                plsc.store_scatter(cbuf_v, [o], v0)
                plsc.store_scatter(cbuf_v, [o + 2 * 4096], v1)
                return 0

            lax.fori_loop(0, _BATCH, rowloop, 0)
            for db in range(DB):
                dst = ((hw * DB + db) * _NB + ib0 + bb * 4) * 1024
                pltpu.sync_copy(cbuf_v.at[pl.ds(db * 4096, 4096)],
                                out_hbm.at[pl.ds(dst, 4096)])
            return 0

        lax.fori_loop(0, (_NB // 4) // 4, outer, 0)

    return k


def kernel(input_ids, offsets, table):
    B, H = input_ids.shape
    V, D = table.shape
    assert (B, H, V, D) == (_B, _H, _V, _D)
    NB = B // _LB
    DB = D // 8
    ids_n = input_ids.T.reshape(H, NB, _LB).transpose(1, 0, 2).reshape(-1)
    tnat = (table.reshape(_VB, _LB, DB, 8)
            .transpose(2, 0, 3, 1)
            .reshape(-1))
    out1, _rows = _build()(ids_n, offsets, tnat)
    return (out1.reshape(H, DB, NB, 8, _LB)
            .transpose(2, 4, 0, 1, 3)
            .reshape(B, H, D))

# --- scband reference (transcript-rebuilt; emitter-appended) ---
"""Pipeline reference for scband-engram-32633161515032 (READ-ONLY COPY).

The authoritative reference and input builder live on the scoring server;
editing this copy changes nothing except your own understanding.
"""

import jax, jax.numpy as jnp
import numpy as np

NUM_HEADS = 8
N_PER_HEAD = 100000
EMBED_D = 32
BATCH = 16384


def setup_inputs(seed: int = 0) -> dict:
    key = jax.random.key(seed)
    k1, k2 = jax.random.split(key)
    # forward arg: input_ids [B, num_heads], each value in [0, N_per_head)
    input_ids = jax.random.randint(k1, (BATCH, NUM_HEADS), 0, N_PER_HEAD, dtype=jnp.int32)
    # buffer: per-head offsets into the concatenated embedding table
    # offsets[0]=0, offsets[h] = sum(list_of_N[:h]) ; all N equal here
    offsets = (jnp.arange(NUM_HEADS, dtype=jnp.int32) * N_PER_HEAD)
    # learned parameter: single concatenated embedding table [sum(list_of_N), D]
    table = jax.random.normal(k2, (N_PER_HEAD * NUM_HEADS, EMBED_D), dtype=jnp.float32) * 0.02
    return {"input_ids": input_ids, "offsets": offsets, "table": table}


def reference(input_ids, offsets, table):
    # MultiHeadEmbedding.forward: shift per-head ids by offsets, then one big lookup
    shifted_input_ids = input_ids + offsets  # broadcast [B, H] + [H]
    output = jnp.take(table, shifted_input_ids, axis=0)  # [B, H, D]
    return output

if __name__ == "__main__":
    import jax
    _d = setup_inputs()
    print(jax.jit(kernel)(*tuple(_d.values())))

</pallas_src>

<mosaic_0001>
#map = affine_map<(d0, d1) -> (0)>
#map1 = affine_map<(d0, d1) -> (0, 0)>
module attributes {stable_mosaic.version = 14 : i64} {
  func.func @k(%arg0: i32, %arg1: i32, %arg2: memref<131072xi32, #tpu.memory_space<hbm>>, %arg3: memref<8xi32, #tpu.memory_space<hbm>>, %arg4: memref<25600000xf32, #tpu.memory_space<hbm>>, %arg5: memref<4194304xf32, #tpu.memory_space<hbm>>, %arg6: memref<131104x32xf32, #tpu.memory_space<hbm>>, %arg7: memref<16384xi32, #tpu.memory_space<vmem>>, %arg8: memref<16896xi32, #tpu.memory_space<vmem>>, %arg9: memref<16xi32, #tpu.memory_space<vmem>>, %arg10: memref<16xi32, #tpu.memory_space<vmem>>, %arg11: memref<16xi32, #tpu.memory_space<vmem>>, %arg12: memref<65536xf32, #tpu.memory_space<vmem>>, %arg13: memref<512x32xf32, #tpu.memory_space<vmem>>, %arg14: memref<512xi32, #tpu.memory_space<vmem>>, %arg15: memref<8192xi32, #tpu.memory_space<vmem>>, %arg16: memref<8xi32, #tpu.memory_space<vmem>>, %arg17: memref<!tpu.dma_semaphore, #tpu.memory_space<semaphore_mem>>) attributes {dimension_semantics = [#tpu.dimension_semantics<core_parallel>, #tpu.dimension_semantics<subcore_parallel>], iteration_bounds = array<i64: 2, 16>, scalar_prefetch = 0 : i64, scratch_operands = 11 : i64, tpu.core_type = #tpu.core_type<sc_vector_subcore>, window_params = [{transform_indices = #map}, {transform_indices = #map}, {transform_indices = #map}, {transform_indices = #map}, {transform_indices = #map1}]} {
    %mul3A = arith.constant 16 : i32
    %mul3A_0 = arith.muli %arg0, %mul3A : i32
    %add3A = arith.addi %mul3A_0, %arg1 : i32
    %jit3A = arith.constant 4 : i32
    %div3A = arith.divsi %add3A, %jit3A : i32
    %sign3A = arith.constant 0 : i32
    %sign3A_1 = arith.cmpi sgt, %add3A, %sign3A : i32
    %sign3A_2 = arith.extui %sign3A_1 : i1 to i32
    %sign3A_3 = arith.constant 0 : i32
    %sign3A_4 = arith.cmpi slt, %add3A, %sign3A_3 : i32
    %sign3A_5 = arith.extui %sign3A_4 : i1 to i32
    %sign3A_6 = arith.subi %sign3A_2, %sign3A_5 : i32
    %sign3A_7 = arith.constant 0 : i32
    %sign3A_8 = arith.cmpi sgt, %jit3A, %sign3A_7 : i32
    %sign3A_9 = arith.extui %sign3A_8 : i1 to i32
    %sign3A_10 = arith.constant 0 : i32
    %sign3A_11 = arith.cmpi slt, %jit3A, %sign3A_10 : i32
    %sign3A_12 = arith.extui %sign3A_11 : i1 to i32
    %sign3A_13 = arith.subi %sign3A_9, %sign3A_12 : i32
    %ne3A = arith.cmpi ne, %sign3A_6, %sign3A_13 : i32
    %rem3A = arith.remsi %add3A, %jit3A : i32
    %ne3A_14 = arith.constant 0 : i32
    %ne3A_15 = arith.cmpi ne, %rem3A, %ne3A_14 : i32
    %and3A = arith.andi %ne3A, %ne3A_15 : i1
    %sub3A = arith.constant 1 : i32
    %sub3A_16 = arith.subi %div3A, %sub3A : i32
    %select_n3A = arith.select %and3A, %sub3A_16, %div3A : i32
    %jit3A_17 = arith.constant 4 : i32
    %eq3A = arith.constant 0 : i32
    %eq3A_18 = arith.cmpi eq, %jit3A_17, %eq3A : i32
    %jit3A_19 = arith.constant 1 : i32
    %select_n3A_20 = arith.select %eq3A_18, %jit3A_19, %jit3A_17 : i32
    %rem3A_21 = arith.remsi %add3A, %select_n3A_20 : i32
    %ne3A_22 = arith.constant 0 : i32
    %ne3A_23 = arith.cmpi ne, %rem3A_21, %ne3A_22 : i32
    %lt3A = arith.constant 0 : i32
    %lt3A_24 = arith.cmpi slt, %rem3A_21, %lt3A : i32
    %lt3A_25 = arith.constant 0 : i32
    %lt3A_26 = arith.cmpi slt, %select_n3A_20, %lt3A_25 : i32
    %ne3A_27 = arith.xori %lt3A_24, %lt3A_26 : i1
    %and3A_28 = arith.andi %ne3A_27, %ne3A_23 : i1
    %add3A_29 = arith.addi %rem3A_21, %select_n3A_20 : i32
    %select_n3A_30 = arith.select %and3A_28, %add3A_29, %rem3A_21 : i32
    %mul3A_31 = arith.constant 25000 : i32
    %mul3A_32 = arith.muli %add3A, %mul3A_31 : i32
    %add3A_33 = arith.constant 25000 : i32
    %add3A_34 = arith.addi %mul3A_32, %add3A_33 : i32
    %jit3A_35 = arith.constant 128 : i32
    %div3A_36 = arith.divsi %mul3A_32, %jit3A_35 : i32
    %sign3A_37 = arith.constant 0 : i32
    %sign3A_38 = arith.cmpi sgt, %mul3A_32, %sign3A_37 : i32
    %sign3A_39 = arith.extui %sign3A_38 : i1 to i32
    %sign3A_40 = arith.constant 0 : i32
    %sign3A_41 = arith.cmpi slt, %mul3A_32, %sign3A_40 : i32
    %sign3A_42 = arith.extui %sign3A_41 : i1 to i32
    %sign3A_43 = arith.subi %sign3A_39, %sign3A_42 : i32
    %sign3A_44 = arith.constant 0 : i32
    %sign3A_45 = arith.cmpi sgt, %jit3A_35, %sign3A_44 : i32
    %sign3A_46 = arith.extui %sign3A_45 : i1 to i32
    %sign3A_47 = arith.constant 0 : i32
    %sign3A_48 = arith.cmpi slt, %jit3A_35, %sign3A_47 : i32
    %sign3A_49 = arith.extui %sign3A_48 : i1 to i32
    %sign3A_50 = arith.subi %sign3A_46, %sign3A_49 : i32
    %ne3A_51 = arith.cmpi ne, %sign3A_43, %sign3A_50 : i32
    %rem3A_52 = arith.remsi %mul3A_32, %jit3A_35 : i32
    %ne3A_53 = arith.constant 0 : i32
    %ne3A_54 = arith.cmpi ne, %rem3A_52, %ne3A_53 : i32
    %and3A_55 = arith.andi %ne3A_51, %ne3A_54 : i1
    %sub3A_56 = arith.constant 1 : i32
    %sub3A_57 = arith.subi %div3A_36, %sub3A_56 : i32
    %select_n3A_58 = arith.select %and3A_55, %sub3A_57, %div3A_36 : i32
    %min3A = arith.constant 6042 : i32
    %min3A_59 = arith.minsi %select_n3A_58, %min3A : i32
    %mul3A_60 = arith.constant 128 : i32
    %mul3A_61 = arith.muli %min3A_59, %mul3A_60 : i32
    %iota3A = tpu.iota {dimensions = array<i32: 0>} : vector<16xi32>
    %broadcast_in_dim3A = arith.constant 0 : i32
    %broadcast_in_dim3A_62 = vector.broadcast %broadcast_in_dim3A : i32 to vector<16xi32>
    %add3A_63 = arith.constant 1 : i32
    %add3A_64 = vector.broadcast %add3A_63 : i32 to vector<16xi32>
    %add3A_65 = arith.addi %broadcast_in_dim3A_62, %add3A_64 : vector<16xi32>
    "tpu.region"() ({
      %run_scoped3A = tpu.sem_alloc : memref<!tpu.dma_semaphore, #tpu.memory_space<semaphore_mem>>
      tpu.enqueue_dma source(%arg3 : memref<8xi32, #tpu.memory_space<hbm>>) target(%arg16 : memref<8xi32, #tpu.memory_space<vmem>>) target_semaphore(%run_scoped3A : memref<!tpu.dma_semaphore, #tpu.memory_space<semaphore_mem>>)
      tpu.wait_dma2 semaphore(%run_scoped3A : memref<!tpu.dma_semaphore, #tpu.memory_space<semaphore_mem>>) src(%arg3 : memref<8xi32, #tpu.memory_space<hbm>>) dst(%arg16 : memref<8xi32, #tpu.memory_space<vmem>>)
      tpu.yield
    }) : () -> ()
    %broadcast_in_dim3A_66 = arith.constant 0 : i32
    %broadcast_in_dim3A_67 = vector.broadcast %broadcast_in_dim3A_66 : i32 to vector<16xi32>
    %add3A_68 = vector.broadcast %select_n3A : i32 to vector<16xi32>
    %add3A_69 = arith.addi %broadcast_in_dim3A_67, %add3A_68 : vector<16xi32>
    %gather3A = tpu.vector_load_idx %arg16[%add3A_69] : memref<8xi32, #tpu.memory_space<vmem>>[vector<16xi32>], vector<16xi32>,
    %broadcast_in_dim3A_70 = arith.constant 0 : i32
    %broadcast_in_dim3A_71 = vector.broadcast %broadcast_in_dim3A_70 : i32 to vector<16xi32>
    %swap3A = arith.constant 0 : index
    %swap3A_72 = tpu.vector_load %arg9[%swap3A] {strides = array<i32>} : memref<16xi32, #tpu.memory_space<vmem>>, vector<16xi32>,
    tpu.vector_store %arg9[%swap3A], %broadcast_in_dim3A_71 {strides = array<i32>} : memref<16xi32, #tpu.memory_space<vmem>>, vector<16xi32>,
    %scan3A = arith.constant 0 : i32
    %scan3A_73 = arith.constant 0 : i32
    %scan3A_74 = arith.constant 16 : i32
    %scan3A_75 = arith.addi %scan3A_73, %scan3A_74 : i32
    %scan3A_76 = arith.constant 1 : i32
    %scan3A_77 = scf.for %scan3A_131 = %scan3A_73 to %scan3A_75 step %scan3A_76 iter_args(%scan3A_132 = %scan3A) -> (i32)  : i32 {
      %mul3A_133 = arith.constant 8192 : i32
      %mul3A_134 = arith.muli %scan3A_131, %mul3A_133 : i32
      "tpu.region"() ({
        %run_scoped3A = tpu.sem_alloc : memref<!tpu.dma_semaphore, #tpu.memory_space<semaphore_mem>>
        %dma_start3A = tpu.memref_slice %arg2[%mul3A_134] : memref<131072xi32, #tpu.memory_space<hbm>> -> memref<8192xi32, #tpu.memory_space<hbm>>
        %dma_start3A_143 = tpu.memref_slice %arg2[%mul3A_134] : memref<131072xi32, #tpu.memory_space<hbm>> -> memref<8192xi32, #tpu.memory_space<hbm>>
        tpu.enqueue_dma source(%dma_start3A_143 : memref<8192xi32, #tpu.memory_space<hbm>>) target(%arg15 : memref<8192xi32, #tpu.memory_space<vmem>>) target_semaphore(%run_scoped3A : memref<!tpu.dma_semaphore, #tpu.memory_space<semaphore_mem>>)
        %dma_wait3A = tpu.memref_slice %arg2[%mul3A_134] : memref<131072xi32, #tpu.memory_space<hbm>> -> memref<8192xi32, #tpu.memory_space<hbm>>
        %dma_wait3A_144 = tpu.memref_slice %arg2[%mul3A_134] : memref<131072xi32, #tpu.memory_space<hbm>> -> memref<8192xi32, #tpu.memory_space<hbm>>
        tpu.wait_dma2 semaphore(%run_scoped3A : memref<!tpu.dma_semaphore, #tpu.memory_space<semaphore_mem>>) src(%dma_wait3A_144 : memref<8192xi32, #tpu.memory_space<hbm>>) dst(%arg15 : memref<8192xi32, #tpu.memory_space<vmem>>)
        tpu.yield
      }) : () -> ()
      %scan3A_135 = arith.constant 0 : i32
      %scan3A_136 = arith.constant 0 : i32
      %scan3A_137 = arith.constant 8 : i32
      %scan3A_138 = arith.addi %scan3A_136, %scan3A_137 : i32
      %scan3A_139 = arith.constant 1 : i32
      %scan3A_140 = scf.for %scan3A_143 = %scan3A_136 to %scan3A_138 step %scan3A_139 iter_args(%scan3A_144 = %scan3A_135) -> (i32)  : i32 {
        %mul3A_145 = arith.constant 8 : i32
        %mul3A_146 = arith.muli %scan3A_143, %mul3A_145 : i32
        %add3A_147 = arith.addi %mul3A_146, %select_n3A : i32
        %mul3A_148 = arith.constant 128 : i32
        %mul3A_149 = arith.muli %add3A_147, %mul3A_148 : i32
        %add3A_150 = arith.constant 0 : i32
        %add3A_151 = arith.addi %mul3A_149, %add3A_150 : i32
        %get3A_152 = arith.index_cast %add3A_151 : i32 to index
        %get3A_153 = tpu.vector_load %arg15[%get3A_152] {strides = array<i32>} : memref<8192xi32, #tpu.memory_space<vmem>>, vector<16xi32>,
        %add3A_154 = arith.addi %get3A_153, %gather3A : vector<16xi32>
        %mul3A_155 = arith.constant 8 : i32
        %mul3A_156 = arith.muli %scan3A_131, %mul3A_155 : i32
        %add3A_157 = arith.addi %mul3A_156, %scan3A_143 : i32
        %mul3A_158 = arith.constant 128 : i32
        %mul3A_159 = arith.muli %add3A_157, %mul3A_158 : i32
        %add3A_160 = arith.constant 0 : i32
        %add3A_161 = arith.addi %mul3A_159, %add3A_160 : i32
        %swap3A_162 = arith.index_cast %add3A_161 : i32 to index
        %swap3A_163 = tpu.vector_load %arg7[%swap3A_162] {strides = array<i32>} : memref<16384xi32, #tpu.memory_space<vmem>>, vector<16xi32>,
        tpu.vector_store %arg7[%swap3A_162], %add3A_154 {strides = array<i32>} : memref<16384xi32, #tpu.memory_space<vmem>>, vector<16xi32>,
        %ge3A = vector.broadcast %mul3A_32 : i32 to vector<16xi32>
        %ge3A_164 = arith.cmpi sge, %add3A_154, %ge3A : vector<16xi32>
        %lt3A_165 = vector.broadcast %add3A_34 : i32 to vector<16xi32>
        %lt3A_166 = arith.cmpi slt, %add3A_154, %lt3A_165 : vector<16xi32>
        %and3A_167 = arith.andi %ge3A_164, %lt3A_166 : vector<16xi1>
        %sub3A_168 = vector.broadcast %mul3A_61 : i32 to vector<16xi32>
        %sub3A_169 = arith.subi %add3A_154, %sub3A_168 : vector<16xi32>
        %shift_right_logical3A_170 = arith.constant 11 : i32
        %shift_right_logical3A_171 = vector.broadcast %shift_right_logical3A_170 : i32 to vector<16xi32>
        %shift_right_logical3A_172 = arith.shrui %sub3A_169, %shift_right_logical3A_171 : vector<16xi32>
        %and3A_173 = arith.constant 15 : i32
        %and3A_174 = vector.broadcast %and3A_173 : i32 to vector<16xi32>
        %and3A_175 = arith.andi %shift_right_logical3A_172, %and3A_174 : vector<16xi32>
        tpu.vector_store_idx %arg9[%and3A_175], %add3A_65 masked %and3A_167 {add = true} : memref<16xi32, #tpu.memory_space<vmem>>[vector<16xi32>], vector<16xi32>, vector<16xi1>
        %mul3A_176 = arith.constant 8 : i32
        %mul3A_177 = arith.muli %scan3A_143, %mul3A_176 : i32
        %add3A_178 = arith.addi %mul3A_177, %select_n3A : i32
        %mul3A_179 = arith.constant 128 : i32
        %mul3A_180 = arith.muli %add3A_178, %mul3A_179 : i32
        %add3A_181 = arith.constant 16 : i32
        %add3A_182 = arith.addi %mul3A_180, %add3A_181 : i32
        %get3A_183 = arith.index_cast %add3A_182 : i32 to index
        %get3A_184 = tpu.vector_load %arg15[%get3A_183] {strides = array<i32>} : memref<8192xi32, #tpu.memory_space<vmem>>, vector<16xi32>,
        %add3A_185 = arith.addi %get3A_184, %gather3A : vector<16xi32>
        %mul3A_186 = arith.constant 8 : i32
        %mul3A_187 = arith.muli %scan3A_131, %mul3A_186 : i32
        %add3A_188 = arith.addi %mul3A_187, %scan3A_143 : i32
        %mul3A_189 = arith.constant 128 : i32
        %mul3A_190 = arith.muli %add3A_188, %mul3A_189 : i32
        %add3A_191 = arith.constant 16 : i32
        %add3A_192 = arith.addi %mul3A_190, %add3A_191 : i32
        %swap3A_193 = arith.index_cast %add3A_192 : i32 to index
        %swap3A_194 = tpu.vector_load %arg7[%swap3A_193] {strides = array<i32>} : memref<16384xi32, #tpu.memory_space<vmem>>, vector<16xi32>,
        tpu.vector_store %arg7[%swap3A_193], %add3A_185 {strides = array<i32>} : memref<16384xi32, #tpu.memory_space<vmem>>, vector<16xi32>,
        %ge3A_195 = vector.broadcast %mul3A_32 : i32 to vector<16xi32>
        %ge3A_196 = arith.cmpi sge, %add3A_185, %ge3A_195 : vector<16xi32>
        %lt3A_197 = vector.broadcast %add3A_34 : i32 to vector<16xi32>
        %lt3A_198 = arith.cmpi slt, %add3A_185, %lt3A_197 : vector<16xi32>
        %and3A_199 = arith.andi %ge3A_196, %lt3A_198 : vector<16xi1>
        %sub3A_200 = vector.broadcast %mul3A_61 : i32 to vector<16xi32>
        %sub3A_201 = arith.subi %add3A_185, %sub3A_200 : vector<16xi32>
        %shift_right_logical3A_202 = arith.constant 11 : i32
        %shift_right_logical3A_203 = vector.broadcast %shift_right_logical3A_202 : i32 to vector<16xi32>
        %shift_right_logical3A_204 = arith.shrui %sub3A_201, %shift_right_logical3A_203 : vector<16xi32>
        %and3A_205 = arith.constant 15 : i32
        %and3A_206 = vector.broadcast %and3A_205 : i32 to vector<16xi32>
        %and3A_207 = arith.andi %shift_right_logical3A_204, %and3A_206 : vector<16xi32>
        tpu.vector_store_idx %arg9[%and3A_207], %add3A_65 masked %and3A_199 {add = true} : memref<16xi32, #tpu.memory_space<vmem>>[vector<16xi32>], vector<16xi32>, vector<16xi1>
        %mul3A_208 = arith.constant 8 : i32
        %mul3A_209 = arith.muli %scan3A_143, %mul3A_208 : i32
        %add3A_210 = arith.addi %mul3A_209, %select_n3A : i32
        %mul3A_211 = arith.constant 128 : i32
        %mul3A_212 = arith.muli %add3A_210, %mul3A_211 : i32
        %add3A_213 = arith.constant 32 : i32
        %add3A_214 = arith.addi %mul3A_212, %add3A_213 : i32
        %get3A_215 = arith.index_cast %add3A_214 : i32 to index
        %get3A_216 = tpu.vector_load %arg15[%get3A_215] {strides = array<i32>} : memref<8192xi32, #tpu.memory_space<vmem>>, vector<16xi32>,
        %add3A_217 = arith.addi %get3A_216, %gather3A : vector<16xi32>
        %mul3A_218 = arith.constant 8 : i32
        %mul3A_219 = arith.muli %scan3A_131, %mul3A_218 : i32
        %add3A_220 = arith.addi %mul3A_219, %scan3A_143 : i32
        %mul3A_221 = arith.constant 128 : i32
        %mul3A_222 = arith.muli %add3A_220, %mul3A_221 : i32
        %add3A_223 = arith.constant 32 : i32
        %add3A_224 = arith.addi %mul3A_222, %add3A_223 : i32
        %swap3A_225 = arith.index_cast %add3A_224 : i32 to index
        %swap3A_226 = tpu.vector_load %arg7[%swap3A_225] {strides = array<i32>} : memref<16384xi32, #tpu.memory_space<vmem>>, vector<16xi32>,
        tpu.vector_store %arg7[%swap3A_225], %add3A_217 {strides = array<i32>} : memref<16384xi32, #tpu.memory_space<vmem>>, vector<16xi32>,
        %ge3A_227 = vector.broadcast %mul3A_32 : i32 to vector<16xi32>
        %ge3A_228 = arith.cmpi sge, %add3A_217, %ge3A_227 : vector<16xi32>
        %lt3A_229 = vector.broadcast %add3A_34 : i32 to vector<16xi32>
        %lt3A_230 = arith.cmpi slt, %add3A_217, %lt3A_229 : vector<16xi32>
        %and3A_231 = arith.andi %ge3A_228, %lt3A_230 : vector<16xi1>
        %sub3A_232 = vector.broadcast %mul3A_61 : i32 to vector<16xi32>
        %sub3A_233 = arith.subi %add3A_217, %sub3A_232 : vector<16xi32>
        %shift_right_logical3A_234 = arith.constant 11 : i32
        %shift_right_logical3A_235 = vector.broadcast %shift_right_logical3A_234 : i32 to vector<16xi32>
        %shift_right_logical3A_236 = arith.shrui %sub3A_233, %shift_right_logical3A_235 : vector<16xi32>
        %and3A_237 = arith.constant 15 : i32
        %and3A_238 = vector.broadcast %and3A_237 : i32 to vector<16xi32>
        %and3A_239 = arith.andi %shift_right_logical3A_236, %and3A_238 : vector<16xi32>
        tpu.vector_store_idx %arg9[%and3A_239], %add3A_65 masked %and3A_231 {add = true} : memref<16xi32, #tpu.memory_space<vmem>>[vector<16xi32>], vector<16xi32>, vector<16xi1>
        %mul3A_240 = arith.constant 8 : i32
        %mul3A_241 = arith.muli %scan3A_143, %mul3A_240 : i32
        %add3A_242 = arith.addi %mul3A_241, %select_n3A : i32
        %mul3A_243 = arith.constant 128 : i32
        %mul3A_244 = arith.muli %add3A_242, %mul3A_243 : i32
        %add3A_245 = arith.constant 48 : i32
        %add3A_246 = arith.addi %mul3A_244, %add3A_245 : i32
        %get3A_247 = arith.index_cast %add3A_246 : i32 to index
        %get3A_248 = tpu.vector_load %arg15[%get3A_247] {strides = array<i32>} : memref<8192xi32, #tpu.memory_space<vmem>>, vector<16xi32>,
        %add3A_249 = arith.addi %get3A_248, %gather3A : vector<16xi32>
        %mul3A_250 = arith.constant 8 : i32
        %mul3A_251 = arith.muli %scan3A_131, %mul3A_250 : i32
        %add3A_252 = arith.addi %mul3A_251, %scan3A_143 : i32
        %mul3A_253 = arith.constant 128 : i32
        %mul3A_254 = arith.muli %add3A_252, %mul3A_253 : i32
        %add3A_255 = arith.constant 48 : i32
        %add3A_256 = arith.addi %mul3A_254, %add3A_255 : i32
        %swap3A_257 = arith.index_cast %add3A_256 : i32 to index
        %swap3A_258 = tpu.vector_load %arg7[%swap3A_257] {strides = array<i32>} : memref<16384xi32, #tpu.memory_space<vmem>>, vector<16xi32>,
        tpu.vector_store %arg7[%swap3A_257], %add3A_249 {strides = array<i32>} : memref<16384xi32, #tpu.memory_space<vmem>>, vector<16xi32>,
        %ge3A_259 = vector.broadcast %mul3A_32 : i32 to vector<16xi32>
        %ge3A_260 = arith.cmpi sge, %add3A_249, %ge3A_259 : vector<16xi32>
        %lt3A_261 = vector.broadcast %add3A_34 : i32 to vector<16xi32>
        %lt3A_262 = arith.cmpi slt, %add3A_249, %lt3A_261 : vector<16xi32>
        %and3A_263 = arith.andi %ge3A_260, %lt3A_262 : vector<16xi1>
        %sub3A_264 = vector.broadcast %mul3A_61 : i32 to vector<16xi32>
        %sub3A_265 = arith.subi %add3A_249, %sub3A_264 : vector<16xi32>
        %shift_right_logical3A_266 = arith.constant 11 : i32
        %shift_right_logical3A_267 = vector.broadcast %shift_right_logical3A_266 : i32 to vector<16xi32>
        %shift_right_logical3A_268 = arith.shrui %sub3A_265, %shift_right_logical3A_267 : vector<16xi32>
        %and3A_269 = arith.constant 15 : i32
        %and3A_270 = vector.broadcast %and3A_269 : i32 to vector<16xi32>
        %and3A_271 = arith.andi %shift_right_logical3A_268, %and3A_270 : vector<16xi32>
        tpu.vector_store_idx %arg9[%and3A_271], %add3A_65 masked %and3A_263 {add = true} : memref<16xi32, #tpu.memory_space<vmem>>[vector<16xi32>], vector<16xi32>, vector<16xi1>
        %mul3A_272 = arith.constant 8 : i32
        %mul3A_273 = arith.muli %scan3A_143, %mul3A_272 : i32
        %add3A_274 = arith.addi %mul3A_273, %select_n3A : i32
        %mul3A_275 = arith.constant 128 : i32
        %mul3A_276 = arith.muli %add3A_274, %mul3A_275 : i32
        %add3A_277 = arith.constant 64 : i32
        %add3A_278 = arith.addi %mul3A_276, %add3A_277 : i32
        %get3A_279 = arith.index_cast %add3A_278 : i32 to index
        %get3A_280 = tpu.vector_load %arg15[%get3A_279] {strides = array<i32>} : memref<8192xi32, #tpu.memory_space<vmem>>, vector<16xi32>,
        %add3A_281 = arith.addi %get3A_280, %gather3A : vector<16xi32>
        %mul3A_282 = arith.constant 8 : i32
        %mul3A_283 = arith.muli %scan3A_131, %mul3A_282 : i32
        %add3A_284 = arith.addi %mul3A_283, %scan3A_143 : i32
        %mul3A_285 = arith.constant 128 : i32
        %mul3A_286 = arith.muli %add3A_284, %mul3A_285 : i32
        %add3A_287 = arith.constant 64 : i32
        %add3A_288 = arith.addi %mul3A_286, %add3A_287 : i32
        %swap3A_289 = arith.index_cast %add3A_288 : i32 to index
        %swap3A_290 = tpu.vector_load %arg7[%swap3A_289] {strides = array<i32>} : memref<16384xi32, #tpu.memory_space<vmem>>, vector<16xi32>,
        tpu.vector_store %arg7[%swap3A_289], %add3A_281 {strides = array<i32>} : memref<16384xi32, #tpu.memory_space<vmem>>, vector<16xi32>,
        %ge3A_291 = vector.broadcast %mul3A_32 : i32 to vector<16xi32>
        %ge3A_292 = arith.cmpi sge, %add3A_281, %ge3A_291 : vector<16xi32>
        %lt3A_293 = vector.broadcast %add3A_34 : i32 to vector<16xi32>
        %lt3A_294 = arith.cmpi slt, %add3A_281, %lt3A_293 : vector<16xi32>
        %and3A_295 = arith.andi %ge3A_292, %lt3A_294 : vector<16xi1>
        %sub3A_296 = vector.broadcast %mul3A_61 : i32 to vector<16xi32>
        %sub3A_297 = arith.subi %add3A_281, %sub3A_296 : vector<16xi32>
        %shift_right_logical3A_298 = arith.constant 11 : i32
        %shift_right_logical3A_299 = vector.broadcast %shift_right_logical3A_298 : i32 to vector<16xi32>
        %shift_right_logical3A_300 = arith.shrui %sub3A_297, %shift_right_logical3A_299 : vector<16xi32>
        %and3A_301 = arith.constant 15 : i32
        %and3A_302 = vector.broadcast %and3A_301 : i32 to vector<16xi32>
        %and3A_303 = arith.andi %shift_right_logical3A_300, %and3A_302 : vector<16xi32>
        tpu.vector_store_idx %arg9[%and3A_303], %add3A_65 masked %and3A_295 {add = true} : memref<16xi32, #tpu.memory_space<vmem>>[vector<16xi32>], vector<16xi32>, vector<16xi1>
        %mul3A_304 = arith.constant 8 : i32
        %mul3A_305 = arith.muli %scan3A_143, %mul3A_304 : i32
        %add3A_306 = arith.addi %mul3A_305, %select_n3A : i32
        %mul3A_307 = arith.constant 128 : i32
        %mul3A_308 = arith.muli %add3A_306, %mul3A_307 : i32
        %add3A_309 = arith.constant 80 : i32
        %add3A_310 = arith.addi %mul3A_308, %add3A_309 : i32
        %get3A_311 = arith.index_cast %add3A_310 : i32 to index
        %get3A_312 = tpu.vector_load %arg15[%get3A_311] {strides = array<i32>} : memref<8192xi32, #tpu.memory_space<vmem>>, vector<16xi32>,
        %add3A_313 = arith.addi %get3A_312, %gather3A : vector<16xi32>
        %mul3A_314 = arith.constant 8 : i32
        %mul3A_315 = arith.muli %scan3A_131, %mul3A_314 : i32
        %add3A_316 = arith.addi %mul3A_315, %scan3A_143 : i32
        %mul3A_317 = arith.constant 128 : i32
        %mul3A_318 = arith.muli %add3A_316, %mul3A_317 : i32
        %add3A_319 = arith.constant 80 : i32
        %add3A_320 = arith.addi %mul3A_318, %add3A_319 : i32
        %swap3A_321 = arith.index_cast %add3A_320 : i32 to index
        %swap3A_322 = tpu.vector_load %arg7[%swap3A_321] {strides = array<i32>} : memref<16384xi32, #tpu.memory_space<vmem>>, vector<16xi32>,
        tpu.vector_store %arg7[%swap3A_321], %add3A_313 {strides = array<i32>} : memref<16384xi32, #tpu.memory_space<vmem>>, vector<16xi32>,
        %ge3A_323 = vector.broadcast %mul3A_32 : i32 to vector<16xi32>
        %ge3A_324 = arith.cmpi sge, %add3A_313, %ge3A_323 : vector<16xi32>
        %lt3A_325 = vector.broadcast %add3A_34 : i32 to vector<16xi32>
        %lt3A_326 = arith.cmpi slt, %add3A_313, %lt3A_325 : vector<16xi32>
        %and3A_327 = arith.andi %ge3A_324, %lt3A_326 : vector<16xi1>
        %sub3A_328 = vector.broadcast %mul3A_61 : i32 to vector<16xi32>
        %sub3A_329 = arith.subi %add3A_313, %sub3A_328 : vector<16xi32>
        %shift_right_logical3A_330 = arith.constant 11 : i32
        %shift_right_logical3A_331 = vector.broadcast %shift_right_logical3A_330 : i32 to vector<16xi32>
        %shift_right_logical3A_332 = arith.shrui %sub3A_329, %shift_right_logical3A_331 : vector<16xi32>
        %and3A_333 = arith.constant 15 : i32
        %and3A_334 = vector.broadcast %and3A_333 : i32 to vector<16xi32>
        %and3A_335 = arith.andi %shift_right_logical3A_332, %and3A_334 : vector<16xi32>
        tpu.vector_store_idx %arg9[%and3A_335], %add3A_65 masked %and3A_327 {add = true} : memref<16xi32, #tpu.memory_space<vmem>>[vector<16xi32>], vector<16xi32>, vector<16xi1>
        %mul3A_336 = arith.constant 8 : i32
        %mul3A_337 = arith.muli %scan3A_143, %mul3A_336 : i32
        %add3A_338 = arith.addi %mul3A_337, %select_n3A : i32
        %mul3A_339 = arith.constant 128 : i32
        %mul3A_340 = arith.muli %add3A_338, %mul3A_339 : i32
        %add3A_341 = arith.constant 96 : i32
        %add3A_342 = arith.addi %mul3A_340, %add3A_341 : i32
        %get3A_343 = arith.index_cast %add3A_342 : i32 to index
        %get3A_344 = tpu.vector_load %arg15[%get3A_343] {strides = array<i32>} : memref<8192xi32, #tpu.memory_space<vmem>>, vector<16xi32>,
        %add3A_345 = arith.addi %get3A_344, %gather3A : vector<16xi32>
        %mul3A_346 = arith.constant 8 : i32
        %mul3A_347 = arith.muli %scan3A_131, %mul3A_346 : i32
        %add3A_348 = arith.addi %mul3A_347, %scan3A_143 : i32
        %mul3A_349 = arith.constant 128 : i32
        %mul3A_350 = arith.muli %add3A_348, %mul3A_349 : i32
        %add3A_351 = arith.constant 96 : i32
        %add3A_352 = arith.addi %mul3A_350, %add3A_351 : i32
        %swap3A_353 = arith.index_cast %add3A_352 : i32 to index
        %swap3A_354 = tpu.vector_load %arg7[%swap3A_353] {strides = array<i32>} : memref<16384xi32, #tpu.memory_space<vmem>>, vector<16xi32>,
        tpu.vector_store %arg7[%swap3A_353], %add3A_345 {strides = array<i32>} : memref<16384xi32, #tpu.memory_space<vmem>>, vector<16xi32>,
        %ge3A_355 = vector.broadcast %mul3A_32 : i32 to vector<16xi32>
        %ge3A_356 = arith.cmpi sge, %add3A_345, %ge3A_355 : vector<16xi32>
        %lt3A_357 = vector.broadcast %add3A_34 : i32 to vector<16xi32>
        %lt3A_358 = arith.cmpi slt, %add3A_345, %lt3A_357 : vector<16xi32>
        %and3A_359 = arith.andi %ge3A_356, %lt3A_358 : vector<16xi1>
        %sub3A_360 = vector.broadcast %mul3A_61 : i32 to vector<16xi32>
        %sub3A_361 = arith.subi %add3A_345, %sub3A_360 : vector<16xi32>
        %shift_right_logical3A_362 = arith.constant 11 : i32
        %shift_right_logical3A_363 = vector.broadcast %shift_right_logical3A_362 : i32 to vector<16xi32>
        %shift_right_logical3A_364 = arith.shrui %sub3A_361, %shift_right_logical3A_363 : vector<16xi32>
        %and3A_365 = arith.constant 15 : i32
        %and3A_366 = vector.broadcast %and3A_365 : i32 to vector<16xi32>
        %and3A_367 = arith.andi %shift_right_logical3A_364, %and3A_366 : vector<16xi32>
        tpu.vector_store_idx %arg9[%and3A_367], %add3A_65 masked %and3A_359 {add = true} : memref<16xi32, #tpu.memory_space<vmem>>[vector<16xi32>], vector<16xi32>, vector<16xi1>
        %mul3A_368 = arith.constant 8 : i32
        %mul3A_369 = arith.muli %scan3A_143, %mul3A_368 : i32
        %add3A_370 = arith.addi %mul3A_369, %select_n3A : i32
        %mul3A_371 = arith.constant 128 : i32
        %mul3A_372 = arith.muli %add3A_370, %mul3A_371 : i32
        %add3A_373 = arith.constant 112 : i32
        %add3A_374 = arith.addi %mul3A_372, %add3A_373 : i32
        %get3A_375 = arith.index_cast %add3A_374 : i32 to index
        %get3A_376 = tpu.vector_load %arg15[%get3A_375] {strides = array<i32>} : memref<8192xi32, #tpu.memory_space<vmem>>, vector<16xi32>,
        %add3A_377 = arith.addi %get3A_376, %gather3A : vector<16xi32>
        %mul3A_378 = arith.constant 8 : i32
        %mul3A_379 = arith.muli %scan3A_131, %mul3A_378 : i32
        %add3A_380 = arith.addi %mul3A_379, %scan3A_143 : i32
        %mul3A_381 = arith.constant 128 : i32
        %mul3A_382 = arith.muli %add3A_380, %mul3A_381 : i32
        %add3A_383 = arith.constant 112 : i32
        %add3A_384 = arith.addi %mul3A_382, %add3A_383 : i32
        %swap3A_385 = arith.index_cast %add3A_384 : i32 to index
        %swap3A_386 = tpu.vector_load %arg7[%swap3A_385] {strides = array<i32>} : memref<16384xi32, #tpu.memory_space<vmem>>, vector<16xi32>,
        tpu.vector_store %arg7[%swap3A_385], %add3A_377 {strides = array<i32>} : memref<16384xi32, #tpu.memory_space<vmem>>, vector<16xi32>,
        %ge3A_387 = vector.broadcast %mul3A_32 : i32 to vector<16xi32>
        %ge3A_388 = arith.cmpi sge, %add3A_377, %ge3A_387 : vector<16xi32>
        %lt3A_389 = vector.broadcast %add3A_34 : i32 to vector<16xi32>
        %lt3A_390 = arith.cmpi slt, %add3A_377, %lt3A_389 : vector<16xi32>
        %and3A_391 = arith.andi %ge3A_388, %lt3A_390 : vector<16xi1>
        %sub3A_392 = vector.broadcast %mul3A_61 : i32 to vector<16xi32>
        %sub3A_393 = arith.subi %add3A_377, %sub3A_392 : vector<16xi32>
        %shift_right_logical3A_394 = arith.constant 11 : i32
        %shift_right_logical3A_395 = vector.broadcast %shift_right_logical3A_394 : i32 to vector<16xi32>
        %shift_right_logical3A_396 = arith.shrui %sub3A_393, %shift_right_logical3A_395 : vector<16xi32>
        %and3A_397 = arith.constant 15 : i32
        %and3A_398 = vector.broadcast %and3A_397 : i32 to vector<16xi32>
        %and3A_399 = arith.andi %shift_right_logical3A_396, %and3A_398 : vector<16xi32>
        tpu.vector_store_idx %arg9[%and3A_399], %add3A_65 masked %and3A_391 {add = true} : memref<16xi32, #tpu.memory_space<vmem>>[vector<16xi32>], vector<16xi32>, vector<16xi1>
        %scan3A_400 = arith.constant 0 : i32
        scf.yield %scan3A_400 : i32
      }
      %scan3A_141 = arith.constant 8 : i32
      %scan3A_142 = arith.constant 0 : i32
      scf.yield %scan3A_142 : i32
    }
    %scan3A_78 = arith.constant 16 : i32
    %get3A = arith.constant 0 : index
    %get3A_79 = tpu.vector_load %arg9[%get3A] {strides = array<i32>} : memref<16xi32, #tpu.memory_space<vmem>>, vector<16xi32>,
    %add3A_80 = arith.constant 15 : i32
    %add3A_81 = vector.broadcast %add3A_80 : i32 to vector<16xi32>
    %add3A_82 = arith.addi %get3A_79, %add3A_81 : vector<16xi32>
    %and3A_83 = arith.constant -16 : i32
    %and3A_84 = vector.broadcast %and3A_83 : i32 to vector<16xi32>
    %and3A_85 = arith.andi %add3A_82, %and3A_84 : vector<16xi32>
    %broadcast_in_dim3A_86 = arith.constant true
    %broadcast_in_dim3A_87 = vector.broadcast %broadcast_in_dim3A_86 : i1 to vector<16xi1>
    %masked_cumsum3A = tpu.scan <sum>, %and3A_85 masked %broadcast_in_dim3A_87 : vector<16xi32>, vector<16xi1> -> vector<16xi32>
    %sub3A_88 = arith.subi %masked_cumsum3A, %and3A_85 : vector<16xi32>
    %swap3A_89 = arith.constant 0 : index
    %swap3A_90 = tpu.vector_load %arg10[%swap3A_89] {strides = array<i32>} : memref<16xi32, #tpu.memory_space<vmem>>, vector<16xi32>,
    tpu.vector_store %arg10[%swap3A_89], %sub3A_88 {strides = array<i32>} : memref<16xi32, #tpu.memory_space<vmem>>, vector<16xi32>,
    %sub3A_91 = arith.subi %masked_cumsum3A, %and3A_85 : vector<16xi32>
    %swap3A_92 = arith.constant 0 : index
    %swap3A_93 = tpu.vector_load %arg11[%swap3A_92] {strides = array<i32>} : memref<16xi32, #tpu.memory_space<vmem>>, vector<16xi32>,
    tpu.vector_store %arg11[%swap3A_92], %sub3A_91 {strides = array<i32>} : memref<16xi32, #tpu.memory_space<vmem>>, vector<16xi32>,
    %scan3A_94 = arith.constant 0 : i32
    %scan3A_95 = arith.constant 0 : i32
    %scan3A_96 = arith.constant 1024 : i32
    %scan3A_97 = arith.addi %scan3A_95, %scan3A_96 : i32
    %scan3A_98 = arith.constant 1 : i32
    %scan3A_99 = scf.for %scan3A_131 = %scan3A_95 to %scan3A_97 step %scan3A_98 iter_args(%scan3A_132 = %scan3A_94) -> (i32)  : i32 {
      %mul3A_133 = arith.constant 16 : i32
      %mul3A_134 = arith.muli %scan3A_131, %mul3A_133 : i32
      %get3A_135 = arith.index_cast %mul3A_134 : i32 to index
      %get3A_136 = tpu.vector_load %arg7[%get3A_135] {strides = array<i32>} : memref<16384xi32, #tpu.memory_space<vmem>>, vector<16xi32>,
      %ge3A = vector.broadcast %mul3A_32 : i32 to vector<16xi32>
      %ge3A_137 = arith.cmpi sge, %get3A_136, %ge3A : vector<16xi32>
      %lt3A_138 = vector.broadcast %add3A_34 : i32 to vector<16xi32>
      %lt3A_139 = arith.cmpi slt, %get3A_136, %lt3A_138 : vector<16xi32>
      %and3A_140 = arith.andi %ge3A_137, %lt3A_139 : vector<16xi1>
      %sub3A_141 = vector.broadcast %mul3A_61 : i32 to vector<16xi32>
      %sub3A_142 = arith.subi %get3A_136, %sub3A_141 : vector<16xi32>
      %shift_right_logical3A_143 = arith.constant 11 : i32
      %shift_right_logical3A_144 = vector.broadcast %shift_right_logical3A_143 : i32 to vector<16xi32>
      %shift_right_logical3A_145 = arith.shrui %sub3A_142, %shift_right_logical3A_144 : vector<16xi32>
      %and3A_146 = arith.constant 15 : i32
      %and3A_147 = vector.broadcast %and3A_146 : i32 to vector<16xi32>
      %and3A_148 = arith.andi %shift_right_logical3A_145, %and3A_147 : vector<16xi32>
      %gather3A_149 = tpu.vector_load_idx %arg11[%and3A_148] : memref<16xi32, #tpu.memory_space<vmem>>[vector<16xi32>], vector<16xi32>,
      %unique3A, %unique3A_150 = tpu.scan_count mask(%and3A_140 : vector<16xi1>) value(%and3A_148 : vector<16xi32>) : vector<16xi1>, vector<16xi32>
      %add3A_151 = arith.addi %gather3A_149, %unique3A_150 : vector<16xi32>
      %sub3A_152 = arith.constant 1 : i32
      %sub3A_153 = vector.broadcast %sub3A_152 : i32 to vector<16xi32>
      %sub3A_154 = arith.subi %add3A_151, %sub3A_153 : vector<16xi32>
      %jit3A_155 = arith.constant 0 : i32
      %jit3A_156 = arith.constant 16895 : i32
      %max3A = vector.broadcast %jit3A_155 : i32 to vector<16xi32>
      %max3A_157 = arith.maxsi %max3A, %sub3A_154 : vector<16xi32>
      %min3A_158 = vector.broadcast %jit3A_156 : i32 to vector<16xi32>
      %min3A_159 = arith.minsi %min3A_158, %max3A_157 : vector<16xi32>
      %mul3A_160 = arith.constant 16 : i32
      %mul3A_161 = arith.muli %scan3A_131, %mul3A_160 : i32
      %add3A_162 = vector.broadcast %mul3A_161 : i32 to vector<16xi32>
      %add3A_163 = arith.addi %iota3A, %add3A_162 : vector<16xi32>
      %mul3A_164 = arith.constant 32768 : i32
      %mul3A_165 = vector.broadcast %mul3A_164 : i32 to vector<16xi32>
      %mul3A_166 = arith.muli %add3A_163, %mul3A_165 : vector<16xi32>
      %or3A = arith.ori %sub3A_142, %mul3A_166 : vector<16xi32>
      tpu.vector_store_idx %arg8[%min3A_159], %or3A masked %and3A_140 : memref<16896xi32, #tpu.memory_space<vmem>>[vector<16xi32>], vector<16xi32>, vector<16xi1>
      tpu.vector_store_idx %arg11[%and3A_148], %add3A_65 masked %and3A_140 {add = true} : memref<16xi32, #tpu.memory_space<vmem>>[vector<16xi32>], vector<16xi32>, vector<16xi1>
      %scan3A_167 = arith.constant 0 : i32
      scf.yield %scan3A_167 : i32
    }
    %scan3A_100 = arith.constant 1024 : i32
    %add3A_101 = arith.constant 131072 : i32
    %add3A_102 = arith.addi %add3A_101, %add3A : i32
    %scan3A_103 = arith.constant 0 : i32
    %scan3A_104 = arith.constant 0 : i32
    %scan3A_105 = arith.constant 13 : i32
    %scan3A_106 = arith.addi %scan3A_104, %scan3A_105 : i32
    %scan3A_107 = arith.constant 1 : i32
    %scan3A_108 = scf.for %scan3A_131 = %scan3A_104 to %scan3A_106 step %scan3A_107 iter_args(%scan3A_132 = %scan3A_103) -> (i32)  : i32 {
      %add3A_133 = arith.constant 0 : i32
      %add3A_134 = arith.addi %add3A_133, %min3A_59 : i32
      %mul3A_135 = arith.constant 16 : i32
      %mul3A_136 = arith.muli %scan3A_131, %mul3A_135 : i32
      %add3A_137 = arith.addi %add3A_134, %mul3A_136 : i32
      %mul3A_138 = arith.constant 1024 : i32
      %mul3A_139 = arith.muli %add3A_137, %mul3A_138 : i32
      "tpu.region"() ({
        %run_scoped3A = tpu.sem_alloc : memref<!tpu.dma_semaphore, #tpu.memory_space<semaphore_mem>>
        %dma_start3A = arith.constant 0 : i32
        %dma_start3A_215 = tpu.memref_slice %arg12[%dma_start3A] : memref<65536xf32, #tpu.memory_space<vmem>> -> memref<16384xf32, #tpu.memory_space<vmem>>
        %dma_start3A_216 = tpu.memref_slice %arg4[%mul3A_139] : memref<25600000xf32, #tpu.memory_space<hbm>> -> memref<16384xf32, #tpu.memory_space<hbm>>
        %dma_start3A_217 = arith.constant 0 : i32
        %dma_start3A_218 = tpu.memref_slice %arg12[%dma_start3A_217] : memref<65536xf32, #tpu.memory_space<vmem>> -> memref<16384xf32, #tpu.memory_space<vmem>>
        %dma_start3A_219 = tpu.memref_slice %arg4[%mul3A_139] : memref<25600000xf32, #tpu.memory_space<hbm>> -> memref<16384xf32, #tpu.memory_space<hbm>>
        tpu.enqueue_dma source(%dma_start3A_219 : memref<16384xf32, #tpu.memory_space<hbm>>) target(%dma_start3A_218 : memref<16384xf32, #tpu.memory_space<vmem>>) target_semaphore(%run_scoped3A : memref<!tpu.dma_semaphore, #tpu.memory_space<semaphore_mem>>)
        %dma_wait3A = arith.constant 0 : i32
        %dma_wait3A_220 = tpu.memref_slice %arg12[%dma_wait3A] : memref<65536xf32, #tpu.memory_space<vmem>> -> memref<16384xf32, #tpu.memory_space<vmem>>
        %dma_wait3A_221 = tpu.memref_slice %arg4[%mul3A_139] : memref<25600000xf32, #tpu.memory_space<hbm>> -> memref<16384xf32, #tpu.memory_space<hbm>>
        %dma_wait3A_222 = arith.constant 0 : i32
        %dma_wait3A_223 = tpu.memref_slice %arg12[%dma_wait3A_222] : memref<65536xf32, #tpu.memory_space<vmem>> -> memref<16384xf32, #tpu.memory_space<vmem>>
        %dma_wait3A_224 = tpu.memref_slice %arg4[%mul3A_139] : memref<25600000xf32, #tpu.memory_space<hbm>> -> memref<16384xf32, #tpu.memory_space<hbm>>
        tpu.wait_dma2 semaphore(%run_scoped3A : memref<!tpu.dma_semaphore, #tpu.memory_space<semaphore_mem>>) src(%dma_wait3A_224 : memref<16384xf32, #tpu.memory_space<hbm>>) dst(%dma_wait3A_223 : memref<16384xf32, #tpu.memory_space<vmem>>)
        tpu.yield
      }) : () -> ()
      %add3A_140 = arith.constant 6250 : i32
      %add3A_141 = arith.addi %add3A_140, %min3A_59 : i32
      %mul3A_142 = arith.constant 16 : i32
      %mul3A_143 = arith.muli %scan3A_131, %mul3A_142 : i32
      %add3A_144 = arith.addi %add3A_141, %mul3A_143 : i32
      %mul3A_145 = arith.constant 1024 : i32
      %mul3A_146 = arith.muli %add3A_144, %mul3A_145 : i32
      "tpu.region"() ({
        %run_scoped3A = tpu.sem_alloc : memref<!tpu.dma_semaphore, #tpu.memory_space<semaphore_mem>>
        %dma_start3A = arith.constant 16384 : i32
        %dma_start3A_215 = tpu.memref_slice %arg12[%dma_start3A] : memref<65536xf32, #tpu.memory_space<vmem>> -> memref<16384xf32, #tpu.memory_space<vmem>>
        %dma_start3A_216 = tpu.memref_slice %arg4[%mul3A_146] : memref<25600000xf32, #tpu.memory_space<hbm>> -> memref<16384xf32, #tpu.memory_space<hbm>>
        %dma_start3A_217 = arith.constant 16384 : i32
        %dma_start3A_218 = tpu.memref_slice %arg12[%dma_start3A_217] : memref<65536xf32, #tpu.memory_space<vmem>> -> memref<16384xf32, #tpu.memory_space<vmem>>
        %dma_start3A_219 = tpu.memref_slice %arg4[%mul3A_146] : memref<25600000xf32, #tpu.memory_space<hbm>> -> memref<16384xf32, #tpu.memory_space<hbm>>
        tpu.enqueue_dma source(%dma_start3A_219 : memref<16384xf32, #tpu.memory_space<hbm>>) target(%dma_start3A_218 : memref<16384xf32, #tpu.memory_space<vmem>>) target_semaphore(%run_scoped3A : memref<!tpu.dma_semaphore, #tpu.memory_space<semaphore_mem>>)
        %dma_wait3A = arith.constant 16384 : i32
        %dma_wait3A_220 = tpu.memref_slice %arg12[%dma_wait3A] : memref<65536xf32, #tpu.memory_space<vmem>> -> memref<16384xf32, #tpu.memory_space<vmem>>
        %dma_wait3A_221 = tpu.memref_slice %arg4[%mul3A_146] : memref<25600000xf32, #tpu.memory_space<hbm>> -> memref<16384xf32, #tpu.memory_space<hbm>>
        %dma_wait3A_222 = arith.constant 16384 : i32
        %dma_wait3A_223 = tpu.memref_slice %arg12[%dma_wait3A_222] : memref<65536xf32, #tpu.memory_space<vmem>> -> memref<16384xf32, #tpu.memory_space<vmem>>
        %dma_wait3A_224 = tpu.memref_slice %arg4[%mul3A_146] : memref<25600000xf32, #tpu.memory_space<hbm>> -> memref<16384xf32, #tpu.memory_space<hbm>>
        tpu.wait_dma2 semaphore(%run_scoped3A : memref<!tpu.dma_semaphore, #tpu.memory_space<semaphore_mem>>) src(%dma_wait3A_224 : memref<16384xf32, #tpu.memory_space<hbm>>) dst(%dma_wait3A_223 : memref<16384xf32, #tpu.memory_space<vmem>>)
        tpu.yield
      }) : () -> ()
      %add3A_147 = arith.constant 12500 : i32
      %add3A_148 = arith.addi %add3A_147, %min3A_59 : i32
      %mul3A_149 = arith.constant 16 : i32
      %mul3A_150 = arith.muli %scan3A_131, %mul3A_149 : i32
      %add3A_151 = arith.addi %add3A_148, %mul3A_150 : i32
      %mul3A_152 = arith.constant 1024 : i32
      %mul3A_153 = arith.muli %add3A_151, %mul3A_152 : i32
      "tpu.region"() ({
        %run_scoped3A = tpu.sem_alloc : memref<!tpu.dma_semaphore, #tpu.memory_space<semaphore_mem>>
        %dma_start3A = arith.constant 32768 : i32
        %dma_start3A_215 = tpu.memref_slice %arg12[%dma_start3A] : memref<65536xf32, #tpu.memory_space<vmem>> -> memref<16384xf32, #tpu.memory_space<vmem>>
        %dma_start3A_216 = tpu.memref_slice %arg4[%mul3A_153] : memref<25600000xf32, #tpu.memory_space<hbm>> -> memref<16384xf32, #tpu.memory_space<hbm>>
        %dma_start3A_217 = arith.constant 32768 : i32
        %dma_start3A_218 = tpu.memref_slice %arg12[%dma_start3A_217] : memref<65536xf32, #tpu.memory_space<vmem>> -> memref<16384xf32, #tpu.memory_space<vmem>>
        %dma_start3A_219 = tpu.memref_slice %arg4[%mul3A_153] : memref<25600000xf32, #tpu.memory_space<hbm>> -> memref<16384xf32, #tpu.memory_space<hbm>>
        tpu.enqueue_dma source(%dma_start3A_219 : memref<16384xf32, #tpu.memory_space<hbm>>) target(%dma_start3A_218 : memref<16384xf32, #tpu.memory_space<vmem>>) target_semaphore(%run_scoped3A : memref<!tpu.dma_semaphore, #tpu.memory_space<semaphore_mem>>)
        %dma_wait3A = arith.constant 32768 : i32
        %dma_wait3A_220 = tpu.memref_slice %arg12[%dma_wait3A] : memref<65536xf32, #tpu.memory_space<vmem>> -> memref<16384xf32, #tpu.memory_space<vmem>>
        %dma_wait3A_221 = tpu.memref_slice %arg4[%mul3A_153] : memref<25600000xf32, #tpu.memory_space<hbm>> -> memref<16384xf32, #tpu.memory_space<hbm>>
        %dma_wait3A_222 = arith.constant 32768 : i32
        %dma_wait3A_223 = tpu.memref_slice %arg12[%dma_wait3A_222] : memref<65536xf32, #tpu.memory_space<vmem>> -> memref<16384xf32, #tpu.memory_space<vmem>>
        %dma_wait3A_224 = tpu.memref_slice %arg4[%mul3A_153] : memref<25600000xf32, #tpu.memory_space<hbm>> -> memref<16384xf32, #tpu.memory_space<hbm>>
        tpu.wait_dma2 semaphore(%run_scoped3A : memref<!tpu.dma_semaphore, #tpu.memory_space<semaphore_mem>>) src(%dma_wait3A_224 : memref<16384xf32, #tpu.memory_space<hbm>>) dst(%dma_wait3A_223 : memref<16384xf32, #tpu.memory_space<vmem>>)
        tpu.yield
      }) : () -> ()
      %add3A_154 = arith.constant 18750 : i32
      %add3A_155 = arith.addi %add3A_154, %min3A_59 : i32
      %mul3A_156 = arith.constant 16 : i32
      %mul3A_157 = arith.muli %scan3A_131, %mul3A_156 : i32
      %add3A_158 = arith.addi %add3A_155, %mul3A_157 : i32
      %mul3A_159 = arith.constant 1024 : i32
      %mul3A_160 = arith.muli %add3A_158, %mul3A_159 : i32
      "tpu.region"() ({
        %run_scoped3A = tpu.sem_alloc : memref<!tpu.dma_semaphore, #tpu.memory_space<semaphore_mem>>
        %dma_start3A = arith.constant 49152 : i32
        %dma_start3A_215 = tpu.memref_slice %arg12[%dma_start3A] : memref<65536xf32, #tpu.memory_space<vmem>> -> memref<16384xf32, #tpu.memory_space<vmem>>
        %dma_start3A_216 = tpu.memref_slice %arg4[%mul3A_160] : memref<25600000xf32, #tpu.memory_space<hbm>> -> memref<16384xf32, #tpu.memory_space<hbm>>
        %dma_start3A_217 = arith.constant 49152 : i32
        %dma_start3A_218 = tpu.memref_slice %arg12[%dma_start3A_217] : memref<65536xf32, #tpu.memory_space<vmem>> -> memref<16384xf32, #tpu.memory_space<vmem>>
        %dma_start3A_219 = tpu.memref_slice %arg4[%mul3A_160] : memref<25600000xf32, #tpu.memory_space<hbm>> -> memref<16384xf32, #tpu.memory_space<hbm>>
        tpu.enqueue_dma source(%dma_start3A_219 : memref<16384xf32, #tpu.memory_space<hbm>>) target(%dma_start3A_218 : memref<16384xf32, #tpu.memory_space<vmem>>) target_semaphore(%run_scoped3A : memref<!tpu.dma_semaphore, #tpu.memory_space<semaphore_mem>>)
        %dma_wait3A = arith.constant 49152 : i32
        %dma_wait3A_220 = tpu.memref_slice %arg12[%dma_wait3A] : memref<65536xf32, #tpu.memory_space<vmem>> -> memref<16384xf32, #tpu.memory_space<vmem>>
        %dma_wait3A_221 = tpu.memref_slice %arg4[%mul3A_160] : memref<25600000xf32, #tpu.memory_space<hbm>> -> memref<16384xf32, #tpu.memory_space<hbm>>
        %dma_wait3A_222 = arith.constant 49152 : i32
        %dma_wait3A_223 = tpu.memref_slice %arg12[%dma_wait3A_222] : memref<65536xf32, #tpu.memory_space<vmem>> -> memref<16384xf32, #tpu.memory_space<vmem>>
        %dma_wait3A_224 = tpu.memref_slice %arg4[%mul3A_160] : memref<25600000xf32, #tpu.memory_space<hbm>> -> memref<16384xf32, #tpu.memory_space<hbm>>
        tpu.wait_dma2 semaphore(%run_scoped3A : memref<!tpu.dma_semaphore, #tpu.memory_space<semaphore_mem>>) src(%dma_wait3A_224 : memref<16384xf32, #tpu.memory_space<hbm>>) dst(%dma_wait3A_223 : memref<16384xf32, #tpu.memory_space<vmem>>)
        tpu.yield
      }) : () -> ()
      %broadcast_in_dim3A_161 = arith.constant 0 : i32
      %broadcast_in_dim3A_162 = vector.broadcast %broadcast_in_dim3A_161 : i32 to vector<16xi32>
      %add3A_163 = vector.broadcast %scan3A_131 : i32 to vector<16xi32>
      %add3A_164 = arith.addi %broadcast_in_dim3A_162, %add3A_163 : vector<16xi32>
      %gather3A_165 = tpu.vector_load_idx %arg9[%add3A_164] : memref<16xi32, #tpu.memory_space<vmem>>[vector<16xi32>], vector<16xi32>,
      %eq3A_166 = vector.broadcast %scan3A_131 : i32 to vector<16xi32>
      %eq3A_167 = arith.cmpi eq, %iota3A, %eq3A_166 : vector<16xi32>
      %get3A_168 = arith.constant 0 : index
      %get3A_169 = tpu.vector_load %arg9[%get3A_168] {strides = array<i32>} : memref<16xi32, #tpu.memory_space<vmem>>, vector<16xi32>,
      %jit3A_170 = arith.constant 0 : i32
      %broadcast_in_dim3A_171 = vector.broadcast %jit3A_170 : i32 to vector<16xi32>
      %select_n3A_172 = arith.select %eq3A_167, %get3A_169, %broadcast_in_dim3A_171 : vector<16xi1>, vector<16xi32>
      %reduce_max3A = arith.constant true
      %reduce_max3A_173 = vector.broadcast %reduce_max3A : i1 to vector<16xi1>
      %reduce_max3A_174 = arith.constant -2147483648 : i32
      %reduce_max3A_175 = vector.broadcast %reduce_max3A_174 : i32 to vector<16xi32>
      %reduce_max3A_176 = arith.xori %select_n3A_172, %reduce_max3A_175 : vector<16xi32>
      %reduce_max3A_177 = tpu.scan <max>, %reduce_max3A_176 masked %reduce_max3A_173 : vector<16xi32>, vector<16xi1> -> vector<16xi32>
      %reduce_max3A_178 = arith.xori %reduce_max3A_177, %reduce_max3A_175 : vector<16xi32>
      %reduce_max3A_179 = vector.extract %reduce_max3A_178[15] : i32 from vector<16xi32>
      %eq3A_180 = vector.broadcast %scan3A_131 : i32 to vector<16xi32>
      %eq3A_181 = arith.cmpi eq, %iota3A, %eq3A_180 : vector<16xi32>
      %get3A_182 = arith.constant 0 : index
      %get3A_183 = tpu.vector_load %arg10[%get3A_182] {strides = array<i32>} : memref<16xi32, #tpu.memory_space<vmem>>, vector<16xi32>,
      %jit3A_184 = arith.constant 0 : i32
      %broadcast_in_dim3A_185 = vector.broadcast %jit3A_184 : i32 to vector<16xi32>
      %select_n3A_186 = arith.select %eq3A_181, %get3A_183, %broadcast_in_dim3A_185 : vector<16xi1>, vector<16xi32>
      %reduce_max3A_187 = arith.constant true
      %reduce_max3A_188 = vector.broadcast %reduce_max3A_187 : i1 to vector<16xi1>
      %reduce_max3A_189 = arith.constant -2147483648 : i32
      %reduce_max3A_190 = vector.broadcast %reduce_max3A_189 : i32 to vector<16xi32>
      %reduce_max3A_191 = arith.xori %select_n3A_186, %reduce_max3A_190 : vector<16xi32>
      %reduce_max3A_192 = tpu.scan <max>, %reduce_max3A_191 masked %reduce_max3A_188 : vector<16xi32>, vector<16xi1> -> vector<16xi32>
      %reduce_max3A_193 = arith.xori %reduce_max3A_192, %reduce_max3A_190 : vector<16xi32>
      %reduce_max3A_194 = vector.extract %reduce_max3A_193[15] : i32 from vector<16xi32>
      %mul3A_195 = arith.constant 2048 : i32
      %mul3A_196 = arith.muli %scan3A_131, %mul3A_195 : i32
      %add3A_197 = arith.constant 512 : i32
      %add3A_198 = arith.addi %reduce_max3A_179, %add3A_197 : i32
      %sub3A_199 = arith.constant 1 : i32
      %sub3A_200 = arith.subi %add3A_198, %sub3A_199 : i32
      %shift_right_logical3A_201 = arith.constant 9 : i32
      %shift_right_logical3A_202 = arith.shrui %sub3A_200, %shift_right_logical3A_201 : i32
      %while3A = arith.constant 0 : i32
      %while3A_203 = arith.constant 0 : i32
      %while3A_204 = arith.subi %shift_right_logical3A_202, %while3A : i32
      %while3A_205 = arith.addi %while3A, %while3A_204 : i32
      %while3A_206 = arith.constant 1 : i32
      %while3A_207 = arith.divsi %while3A_204, %while3A_206 : i32
      %while3A_208 = arith.muli %while3A_207, %while3A_206 : i32
      %while3A_209 = arith.addi %while3A, %while3A_208 : i32
      %while3A_210 = arith.constant 1 : i32
      %while3A_211 = scf.for %while3A_215 = %while3A to %while3A_209 step %while3A_210 iter_args(%while3A_216 = %while3A_203) -> (i32)  : i32 {
        %mul3A_217 = arith.constant 512 : i32
        %mul3A_218 = arith.muli %while3A_215, %mul3A_217 : i32
        %sub3A_219 = arith.subi %reduce_max3A_179, %mul3A_218 : i32
        %add3A_220 = arith.constant 15 : i32
        %add3A_221 = arith.addi %sub3A_219, %add3A_220 : i32
        %shift_right_logical3A_222 = arith.constant 4 : i32
        %shift_right_logical3A_223 = arith.shrui %add3A_221, %shift_right_logical3A_222 : i32
        %min3A_224 = arith.constant 32 : i32
        %min3A_225 = arith.minsi %shift_right_logical3A_223, %min3A_224 : i32
        %while3A_226 = arith.constant 0 : i32
        %while3A_227 = arith.constant 0 : i32
        %while3A_228 = arith.subi %min3A_225, %while3A_226 : i32
        %while3A_229 = arith.addi %while3A_226, %while3A_228 : i32
        %while3A_230 = arith.constant 1 : i32
        %while3A_231 = arith.divsi %while3A_228, %while3A_230 : i32
        %while3A_232 = arith.muli %while3A_231, %while3A_230 : i32
        %while3A_233 = arith.addi %while3A_226, %while3A_232 : i32
        %while3A_234 = arith.constant 1 : i32
        %while3A_235 = scf.for %while3A_255 = %while3A_226 to %while3A_233 step %while3A_234 iter_args(%while3A_256 = %while3A_227) -> (i32)  : i32 {
          %mul3A_257 = arith.constant 32 : i32
          %mul3A_258 = arith.muli %while3A_215, %mul3A_257 : i32
          %add3A_259 = arith.addi %mul3A_258, %while3A_255 : i32
          %multiple_of3A = tpu.assume_multiple %reduce_max3A_194, 16 : i32
          %mul3A_260 = arith.constant 16 : i32
          %mul3A_261 = arith.muli %add3A_259, %mul3A_260 : i32
          %add3A_262 = arith.addi %multiple_of3A, %mul3A_261 : i32
          %get3A_263 = arith.index_cast %add3A_262 : i32 to index
          %get3A_264 = tpu.vector_load %arg8[%get3A_263] {strides = array<i32>} : memref<16896xi32, #tpu.memory_space<vmem>>, vector<16xi32>,
          %mul3A_265 = arith.constant 16 : i32
          %mul3A_266 = arith.muli %add3A_259, %mul3A_265 : i32
          %add3A_267 = vector.broadcast %mul3A_266 : i32 to vector<16xi32>
          %add3A_268 = arith.addi %iota3A, %add3A_267 : vector<16xi32>
          %lt3A_269 = arith.cmpi slt, %add3A_268, %gather3A_165 : vector<16xi32>
          %and3A_270 = arith.constant 32767 : i32
          %and3A_271 = vector.broadcast %and3A_270 : i32 to vector<16xi32>
          %and3A_272 = arith.andi %get3A_264, %and3A_271 : vector<16xi32>
          %shift_right_logical3A_273 = arith.constant 15 : i32
          %shift_right_logical3A_274 = vector.broadcast %shift_right_logical3A_273 : i32 to vector<16xi32>
          %shift_right_logical3A_275 = arith.shrui %get3A_264, %shift_right_logical3A_274 : vector<16xi32>
          %sub3A_276 = vector.broadcast %mul3A_196 : i32 to vector<16xi32>
          %sub3A_277 = arith.subi %and3A_272, %sub3A_276 : vector<16xi32>
          %shift_right_logical3A_278 = arith.constant 7 : i32
          %shift_right_logical3A_279 = vector.broadcast %shift_right_logical3A_278 : i32 to vector<16xi32>
          %shift_right_logical3A_280 = arith.shrui %sub3A_277, %shift_right_logical3A_279 : vector<16xi32>
          %mul3A_281 = arith.constant 1024 : i32
          %mul3A_282 = vector.broadcast %mul3A_281 : i32 to vector<16xi32>
          %mul3A_283 = arith.muli %shift_right_logical3A_280, %mul3A_282 : vector<16xi32>
          %and3A_284 = arith.constant 127 : i32
          %and3A_285 = vector.broadcast %and3A_284 : i32 to vector<16xi32>
          %and3A_286 = arith.andi %sub3A_277, %and3A_285 : vector<16xi32>
          %add3A_287 = arith.addi %mul3A_283, %and3A_286 : vector<16xi32>
          %and3A_288 = arith.constant 16383 : i32
          %and3A_289 = vector.broadcast %and3A_288 : i32 to vector<16xi32>
          %and3A_290 = arith.andi %add3A_287, %and3A_289 : vector<16xi32>
          %mul3A_291 = arith.constant 16 : i32
          %mul3A_292 = arith.muli %while3A_255, %mul3A_291 : i32
          %add3A_293 = vector.broadcast %mul3A_292 : i32 to vector<16xi32>
          %add3A_294 = arith.addi %iota3A, %add3A_293 : vector<16xi32>
          %add3A_295 = arith.constant 0 : i32
          %add3A_296 = vector.broadcast %add3A_295 : i32 to vector<16xi32>
          %add3A_297 = arith.addi %and3A_290, %add3A_296 : vector<16xi32>
          %gather3A_298 = tpu.vector_load_idx %arg12[%add3A_297] masked %lt3A_269 : memref<65536xf32, #tpu.memory_space<vmem>>[vector<16xi32>], vector<16xf32>, vector<16xi1>
          %broadcast_in_dim3A_299 = arith.constant 0 : i32
          %broadcast_in_dim3A_300 = vector.broadcast %broadcast_in_dim3A_299 : i32 to vector<16xi32>
          %add3A_301 = arith.constant 0 : i32
          %add3A_302 = vector.broadcast %add3A_301 : i32 to vector<16xi32>
          %add3A_303 = arith.addi %broadcast_in_dim3A_300, %add3A_302 : vector<16xi32>
          tpu.vector_store_idx %arg13[%add3A_294, %add3A_303], %gather3A_298 : memref<512x32xf32, #tpu.memory_space<vmem>>[vector<16xi32>, vector<16xi32>], vector<16xf32>,
          %add3A_304 = arith.constant 128 : i32
          %add3A_305 = vector.broadcast %add3A_304 : i32 to vector<16xi32>
          %add3A_306 = arith.addi %and3A_290, %add3A_305 : vector<16xi32>
          %gather3A_307 = tpu.vector_load_idx %arg12[%add3A_306] masked %lt3A_269 : memref<65536xf32, #tpu.memory_space<vmem>>[vector<16xi32>], vector<16xf32>, vector<16xi1>
          %broadcast_in_dim3A_308 = arith.constant 0 : i32
          %broadcast_in_dim3A_309 = vector.broadcast %broadcast_in_dim3A_308 : i32 to vector<16xi32>
          %add3A_310 = arith.constant 1 : i32
          %add3A_311 = vector.broadcast %add3A_310 : i32 to vector<16xi32>
          %add3A_312 = arith.addi %broadcast_in_dim3A_309, %add3A_311 : vector<16xi32>
          tpu.vector_store_idx %arg13[%add3A_294, %add3A_312], %gather3A_307 : memref<512x32xf32, #tpu.memory_space<vmem>>[vector<16xi32>, vector<16xi32>], vector<16xf32>,
          %add3A_313 = arith.constant 256 : i32
          %add3A_314 = vector.broadcast %add3A_313 : i32 to vector<16xi32>
          %add3A_315 = arith.addi %and3A_290, %add3A_314 : vector<16xi32>
          %gather3A_316 = tpu.vector_load_idx %arg12[%add3A_315] masked %lt3A_269 : memref<65536xf32, #tpu.memory_space<vmem>>[vector<16xi32>], vector<16xf32>, vector<16xi1>
          %broadcast_in_dim3A_317 = arith.constant 0 : i32
          %broadcast_in_dim3A_318 = vector.broadcast %broadcast_in_dim3A_317 : i32 to vector<16xi32>
          %add3A_319 = arith.constant 2 : i32
          %add3A_320 = vector.broadcast %add3A_319 : i32 to vector<16xi32>
          %add3A_321 = arith.addi %broadcast_in_dim3A_318, %add3A_320 : vector<16xi32>
          tpu.vector_store_idx %arg13[%add3A_294, %add3A_321], %gather3A_316 : memref<512x32xf32, #tpu.memory_space<vmem>>[vector<16xi32>, vector<16xi32>], vector<16xf32>,
          %add3A_322 = arith.constant 384 : i32
          %add3A_323 = vector.broadcast %add3A_322 : i32 to vector<16xi32>
          %add3A_324 = arith.addi %and3A_290, %add3A_323 : vector<16xi32>
          %gather3A_325 = tpu.vector_load_idx %arg12[%add3A_324] masked %lt3A_269 : memref<65536xf32, #tpu.memory_space<vmem>>[vector<16xi32>], vector<16xf32>, vector<16xi1>
          %broadcast_in_dim3A_326 = arith.constant 0 : i32
          %broadcast_in_dim3A_327 = vector.broadcast %broadcast_in_dim3A_326 : i32 to vector<16xi32>
          %add3A_328 = arith.constant 3 : i32
          %add3A_329 = vector.broadcast %add3A_328 : i32 to vector<16xi32>
          %add3A_330 = arith.addi %broadcast_in_dim3A_327, %add3A_329 : vector<16xi32>
          tpu.vector_store_idx %arg13[%add3A_294, %add3A_330], %gather3A_325 : memref<512x32xf32, #tpu.memory_space<vmem>>[vector<16xi32>, vector<16xi32>], vector<16xf32>,
          %add3A_331 = arith.constant 512 : i32
          %add3A_332 = vector.broadcast %add3A_331 : i32 to vector<16xi32>
          %add3A_333 = arith.addi %and3A_290, %add3A_332 : vector<16xi32>
          %gather3A_334 = tpu.vector_load_idx %arg12[%add3A_333] masked %lt3A_269 : memref<65536xf32, #tpu.memory_space<vmem>>[vector<16xi32>], vector<16xf32>, vector<16xi1>
          %broadcast_in_dim3A_335 = arith.constant 0 : i32
          %broadcast_in_dim3A_336 = vector.broadcast %broadcast_in_dim3A_335 : i32 to vector<16xi32>
          %add3A_337 = arith.constant 4 : i32
          %add3A_338 = vector.broadcast %add3A_337 : i32 to vector<16xi32>
          %add3A_339 = arith.addi %broadcast_in_dim3A_336, %add3A_338 : vector<16xi32>
          tpu.vector_store_idx %arg13[%add3A_294, %add3A_339], %gather3A_334 : memref<512x32xf32, #tpu.memory_space<vmem>>[vector<16xi32>, vector<16xi32>], vector<16xf32>,
          %add3A_340 = arith.constant 640 : i32
          %add3A_341 = vector.broadcast %add3A_340 : i32 to vector<16xi32>
          %add3A_342 = arith.addi %and3A_290, %add3A_341 : vector<16xi32>
          %gather3A_343 = tpu.vector_load_idx %arg12[%add3A_342] masked %lt3A_269 : memref<65536xf32, #tpu.memory_space<vmem>>[vector<16xi32>], vector<16xf32>, vector<16xi1>
          %broadcast_in_dim3A_344 = arith.constant 0 : i32
          %broadcast_in_dim3A_345 = vector.broadcast %broadcast_in_dim3A_344 : i32 to vector<16xi32>
          %add3A_346 = arith.constant 5 : i32
          %add3A_347 = vector.broadcast %add3A_346 : i32 to vector<16xi32>
          %add3A_348 = arith.addi %broadcast_in_dim3A_345, %add3A_347 : vector<16xi32>
          tpu.vector_store_idx %arg13[%add3A_294, %add3A_348], %gather3A_343 : memref<512x32xf32, #tpu.memory_space<vmem>>[vector<16xi32>, vector<16xi32>], vector<16xf32>,
          %add3A_349 = arith.constant 768 : i32
          %add3A_350 = vector.broadcast %add3A_349 : i32 to vector<16xi32>
          %add3A_351 = arith.addi %and3A_290, %add3A_350 : vector<16xi32>
          %gather3A_352 = tpu.vector_load_idx %arg12[%add3A_351] masked %lt3A_269 : memref<65536xf32, #tpu.memory_space<vmem>>[vector<16xi32>], vector<16xf32>, vector<16xi1>
          %broadcast_in_dim3A_353 = arith.constant 0 : i32
          %broadcast_in_dim3A_354 = vector.broadcast %broadcast_in_dim3A_353 : i32 to vector<16xi32>
          %add3A_355 = arith.constant 6 : i32
          %add3A_356 = vector.broadcast %add3A_355 : i32 to vector<16xi32>
          %add3A_357 = arith.addi %broadcast_in_dim3A_354, %add3A_356 : vector<16xi32>
          tpu.vector_store_idx %arg13[%add3A_294, %add3A_357], %gather3A_352 : memref<512x32xf32, #tpu.memory_space<vmem>>[vector<16xi32>, vector<16xi32>], vector<16xf32>,
          %add3A_358 = arith.constant 896 : i32
          %add3A_359 = vector.broadcast %add3A_358 : i32 to vector<16xi32>
          %add3A_360 = arith.addi %and3A_290, %add3A_359 : vector<16xi32>
          %gather3A_361 = tpu.vector_load_idx %arg12[%add3A_360] masked %lt3A_269 : memref<65536xf32, #tpu.memory_space<vmem>>[vector<16xi32>], vector<16xf32>, vector<16xi1>
          %broadcast_in_dim3A_362 = arith.constant 0 : i32
          %broadcast_in_dim3A_363 = vector.broadcast %broadcast_in_dim3A_362 : i32 to vector<16xi32>
          %add3A_364 = arith.constant 7 : i32
          %add3A_365 = vector.broadcast %add3A_364 : i32 to vector<16xi32>
          %add3A_366 = arith.addi %broadcast_in_dim3A_363, %add3A_365 : vector<16xi32>
          tpu.vector_store_idx %arg13[%add3A_294, %add3A_366], %gather3A_361 : memref<512x32xf32, #tpu.memory_space<vmem>>[vector<16xi32>, vector<16xi32>], vector<16xf32>,
          %add3A_367 = arith.constant 16384 : i32
          %add3A_368 = vector.broadcast %add3A_367 : i32 to vector<16xi32>
          %add3A_369 = arith.addi %and3A_290, %add3A_368 : vector<16xi32>
          %gather3A_370 = tpu.vector_load_idx %arg12[%add3A_369] masked %lt3A_269 : memref<65536xf32, #tpu.memory_space<vmem>>[vector<16xi32>], vector<16xf32>, vector<16xi1>
          %broadcast_in_dim3A_371 = arith.constant 0 : i32
          %broadcast_in_dim3A_372 = vector.broadcast %broadcast_in_dim3A_371 : i32 to vector<16xi32>
          %add3A_373 = arith.constant 8 : i32
          %add3A_374 = vector.broadcast %add3A_373 : i32 to vector<16xi32>
          %add3A_375 = arith.addi %broadcast_in_dim3A_372, %add3A_374 : vector<16xi32>
          tpu.vector_store_idx %arg13[%add3A_294, %add3A_375], %gather3A_370 : memref<512x32xf32, #tpu.memory_space<vmem>>[vector<16xi32>, vector<16xi32>], vector<16xf32>,
          %add3A_376 = arith.constant 16512 : i32
          %add3A_377 = vector.broadcast %add3A_376 : i32 to vector<16xi32>
          %add3A_378 = arith.addi %and3A_290, %add3A_377 : vector<16xi32>
          %gather3A_379 = tpu.vector_load_idx %arg12[%add3A_378] masked %lt3A_269 : memref<65536xf32, #tpu.memory_space<vmem>>[vector<16xi32>], vector<16xf32>, vector<16xi1>
          %broadcast_in_dim3A_380 = arith.constant 0 : i32
          %broadcast_in_dim3A_381 = vector.broadcast %broadcast_in_dim3A_380 : i32 to vector<16xi32>
          %add3A_382 = arith.constant 9 : i32
          %add3A_383 = vector.broadcast %add3A_382 : i32 to vector<16xi32>
          %add3A_384 = arith.addi %broadcast_in_dim3A_381, %add3A_383 : vector<16xi32>
          tpu.vector_store_idx %arg13[%add3A_294, %add3A_384], %gather3A_379 : memref<512x32xf32, #tpu.memory_space<vmem>>[vector<16xi32>, vector<16xi32>], vector<16xf32>,
          %add3A_385 = arith.constant 16640 : i32
          %add3A_386 = vector.broadcast %add3A_385 : i32 to vector<16xi32>
          %add3A_387 = arith.addi %and3A_290, %add3A_386 : vector<16xi32>
          %gather3A_388 = tpu.vector_load_idx %arg12[%add3A_387] masked %lt3A_269 : memref<65536xf32, #tpu.memory_space<vmem>>[vector<16xi32>], vector<16xf32>, vector<16xi1>
          %broadcast_in_dim3A_389 = arith.constant 0 : i32
          %broadcast_in_dim3A_390 = vector.broadcast %broadcast_in_dim3A_389 : i32 to vector<16xi32>
          %add3A_391 = arith.constant 10 : i32
          %add3A_392 = vector.broadcast %add3A_391 : i32 to vector<16xi32>
          %add3A_393 = arith.addi %broadcast_in_dim3A_390, %add3A_392 : vector<16xi32>
          tpu.vector_store_idx %arg13[%add3A_294, %add3A_393], %gather3A_388 : memref<512x32xf32, #tpu.memory_space<vmem>>[vector<16xi32>, vector<16xi32>], vector<16xf32>,
          %add3A_394 = arith.constant 16768 : i32
          %add3A_395 = vector.broadcast %add3A_394 : i32 to vector<16xi32>
          %add3A_396 = arith.addi %and3A_290, %add3A_395 : vector<16xi32>
          %gather3A_397 = tpu.vector_load_idx %arg12[%add3A_396] masked %lt3A_269 : memref<65536xf32, #tpu.memory_space<vmem>>[vector<16xi32>], vector<16xf32>, vector<16xi1>
          %broadcast_in_dim3A_398 = arith.constant 0 : i32
          %broadcast_in_dim3A_399 = vector.broadcast %broadcast_in_dim3A_398 : i32 to vector<16xi32>
          %add3A_400 = arith.constant 11 : i32
          %add3A_401 = vector.broadcast %add3A_400 : i32 to vector<16xi32>
          %add3A_402 = arith.addi %broadcast_in_dim3A_399, %add3A_401 : vector<16xi32>
          tpu.vector_store_idx %arg13[%add3A_294, %add3A_402], %gather3A_397 : memref<512x32xf32, #tpu.memory_space<vmem>>[vector<16xi32>, vector<16xi32>], vector<16xf32>,
          %add3A_403 = arith.constant 16896 : i32
          %add3A_404 = vector.broadcast %add3A_403 : i32 to vector<16xi32>
          %add3A_405 = arith.addi %and3A_290, %add3A_404 : vector<16xi32>
          %gather3A_406 = tpu.vector_load_idx %arg12[%add3A_405] masked %lt3A_269 : memref<65536xf32, #tpu.memory_space<vmem>>[vector<16xi32>], vector<16xf32>, vector<16xi1>
          %broadcast_in_dim3A_407 = arith.constant 0 : i32
          %broadcast_in_dim3A_408 = vector.broadcast %broadcast_in_dim3A_407 : i32 to vector<16xi32>
          %add3A_409 = arith.constant 12 : i32
          %add3A_410 = vector.broadcast %add3A_409 : i32 to vector<16xi32>
          %add3A_411 = arith.addi %broadcast_in_dim3A_408, %add3A_410 : vector<16xi32>
          tpu.vector_store_idx %arg13[%add3A_294, %add3A_411], %gather3A_406 : memref<512x32xf32, #tpu.memory_space<vmem>>[vector<16xi32>, vector<16xi32>], vector<16xf32>,
          %add3A_412 = arith.constant 17024 : i32
          %add3A_413 = vector.broadcast %add3A_412 : i32 to vector<16xi32>
          %add3A_414 = arith.addi %and3A_290, %add3A_413 : vector<16xi32>
          %gather3A_415 = tpu.vector_load_idx %arg12[%add3A_414] masked %lt3A_269 : memref<65536xf32, #tpu.memory_space<vmem>>[vector<16xi32>], vector<16xf32>, vector<16xi1>
          %broadcast_in_dim3A_416 = arith.constant 0 : i32
          %broadcast_in_dim3A_417 = vector.broadcast %broadcast_in_dim3A_416 : i32 to vector<16xi32>
          %add3A_418 = arith.constant 13 : i32
          %add3A_419 = vector.broadcast %add3A_418 : i32 to vector<16xi32>
          %add3A_420 = arith.addi %broadcast_in_dim3A_417, %add3A_419 : vector<16xi32>
          tpu.vector_store_idx %arg13[%add3A_294, %add3A_420], %gather3A_415 : memref<512x32xf32, #tpu.memory_space<vmem>>[vector<16xi32>, vector<16xi32>], vector<16xf32>,
          %add3A_421 = arith.constant 17152 : i32
          %add3A_422 = vector.broadcast %add3A_421 : i32 to vector<16xi32>
          %add3A_423 = arith.addi %and3A_290, %add3A_422 : vector<16xi32>
          %gather3A_424 = tpu.vector_load_idx %arg12[%add3A_423] masked %lt3A_269 : memref<65536xf32, #tpu.memory_space<vmem>>[vector<16xi32>], vector<16xf32>, vector<16xi1>
          %broadcast_in_dim3A_425 = arith.constant 0 : i32
          %broadcast_in_dim3A_426 = vector.broadcast %broadcast_in_dim3A_425 : i32 to vector<16xi32>
          %add3A_427 = arith.constant 14 : i32
          %add3A_428 = vector.broadcast %add3A_427 : i32 to vector<16xi32>
          %add3A_429 = arith.addi %broadcast_in_dim3A_426, %add3A_428 : vector<16xi32>
          tpu.vector_store_idx %arg13[%add3A_294, %add3A_429], %gather3A_424 : memref<512x32xf32, #tpu.memory_space<vmem>>[vector<16xi32>, vector<16xi32>], vector<16xf32>,
          %add3A_430 = arith.constant 17280 : i32
          %add3A_431 = vector.broadcast %add3A_430 : i32 to vector<16xi32>
          %add3A_432 = arith.addi %and3A_290, %add3A_431 : vector<16xi32>
          %gather3A_433 = tpu.vector_load_idx %arg12[%add3A_432] masked %lt3A_269 : memref<65536xf32, #tpu.memory_space<vmem>>[vector<16xi32>], vector<16xf32>, vector<16xi1>
          %broadcast_in_dim3A_434 = arith.constant 0 : i32
          %broadcast_in_dim3A_435 = vector.broadcast %broadcast_in_dim3A_434 : i32 to vector<16xi32>
          %add3A_436 = arith.constant 15 : i32
          %add3A_437 = vector.broadcast %add3A_436 : i32 to vector<16xi32>
          %add3A_438 = arith.addi %broadcast_in_dim3A_435, %add3A_437 : vector<16xi32>
          tpu.vector_store_idx %arg13[%add3A_294, %add3A_438], %gather3A_433 : memref<512x32xf32, #tpu.memory_space<vmem>>[vector<16xi32>, vector<16xi32>], vector<16xf32>,
          %add3A_439 = arith.constant 32768 : i32
          %add3A_440 = vector.broadcast %add3A_439 : i32 to vector<16xi32>
          %add3A_441 = arith.addi %and3A_290, %add3A_440 : vector<16xi32>
          %gather3A_442 = tpu.vector_load_idx %arg12[%add3A_441] masked %lt3A_269 : memref<65536xf32, #tpu.memory_space<vmem>>[vector<16xi32>], vector<16xf32>, vector<16xi1>
          %broadcast_in_dim3A_443 = arith.constant 0 : i32
          %broadcast_in_dim3A_444 = vector.broadcast %broadcast_in_dim3A_443 : i32 to vector<16xi32>
          %add3A_445 = arith.constant 16 : i32
          %add3A_446 = vector.broadcast %add3A_445 : i32 to vector<16xi32>
          %add3A_447 = arith.addi %broadcast_in_dim3A_444, %add3A_446 : vector<16xi32>
          tpu.vector_store_idx %arg13[%add3A_294, %add3A_447], %gather3A_442 : memref<512x32xf32, #tpu.memory_space<vmem>>[vector<16xi32>, vector<16xi32>], vector<16xf32>,
          %add3A_448 = arith.constant 32896 : i32
          %add3A_449 = vector.broadcast %add3A_448 : i32 to vector<16xi32>
          %add3A_450 = arith.addi %and3A_290, %add3A_449 : vector<16xi32>
          %gather3A_451 = tpu.vector_load_idx %arg12[%add3A_450] masked %lt3A_269 : memref<65536xf32, #tpu.memory_space<vmem>>[vector<16xi32>], vector<16xf32>, vector<16xi1>
          %broadcast_in_dim3A_452 = arith.constant 0 : i32
          %broadcast_in_dim3A_453 = vector.broadcast %broadcast_in_dim3A_452 : i32 to vector<16xi32>
          %add3A_454 = arith.constant 17 : i32
          %add3A_455 = vector.broadcast %add3A_454 : i32 to vector<16xi32>
          %add3A_456 = arith.addi %broadcast_in_dim3A_453, %add3A_455 : vector<16xi32>
          tpu.vector_store_idx %arg13[%add3A_294, %add3A_456], %gather3A_451 : memref<512x32xf32, #tpu.memory_space<vmem>>[vector<16xi32>, vector<16xi32>], vector<16xf32>,
          %add3A_457 = arith.constant 33024 : i32
          %add3A_458 = vector.broadcast %add3A_457 : i32 to vector<16xi32>
          %add3A_459 = arith.addi %and3A_290, %add3A_458 : vector<16xi32>
          %gather3A_460 = tpu.vector_load_idx %arg12[%add3A_459] masked %lt3A_269 : memref<65536xf32, #tpu.memory_space<vmem>>[vector<16xi32>], vector<16xf32>, vector<16xi1>
          %broadcast_in_dim3A_461 = arith.constant 0 : i32
          %broadcast_in_dim3A_462 = vector.broadcast %broadcast_in_dim3A_461 : i32 to vector<16xi32>
          %add3A_463 = arith.constant 18 : i32
          %add3A_464 = vector.broadcast %add3A_463 : i32 to vector<16xi32>
          %add3A_465 = arith.addi %broadcast_in_dim3A_462, %add3A_464 : vector<16xi32>
          tpu.vector_store_idx %arg13[%add3A_294, %add3A_465], %gather3A_460 : memref<512x32xf32, #tpu.memory_space<vmem>>[vector<16xi32>, vector<16xi32>], vector<16xf32>,
          %add3A_466 = arith.constant 33152 : i32
          %add3A_467 = vector.broadcast %add3A_466 : i32 to vector<16xi32>
          %add3A_468 = arith.addi %and3A_290, %add3A_467 : vector<16xi32>
          %gather3A_469 = tpu.vector_load_idx %arg12[%add3A_468] masked %lt3A_269 : memref<65536xf32, #tpu.memory_space<vmem>>[vector<16xi32>], vector<16xf32>, vector<16xi1>
          %broadcast_in_dim3A_470 = arith.constant 0 : i32
          %broadcast_in_dim3A_471 = vector.broadcast %broadcast_in_dim3A_470 : i32 to vector<16xi32>
          %add3A_472 = arith.constant 19 : i32
          %add3A_473 = vector.broadcast %add3A_472 : i32 to vector<16xi32>
          %add3A_474 = arith.addi %broadcast_in_dim3A_471, %add3A_473 : vector<16xi32>
          tpu.vector_store_idx %arg13[%add3A_294, %add3A_474], %gather3A_469 : memref<512x32xf32, #tpu.memory_space<vmem>>[vector<16xi32>, vector<16xi32>], vector<16xf32>,
          %add3A_475 = arith.constant 33280 : i32
          %add3A_476 = vector.broadcast %add3A_475 : i32 to vector<16xi32>
          %add3A_477 = arith.addi %and3A_290, %add3A_476 : vector<16xi32>
          %gather3A_478 = tpu.vector_load_idx %arg12[%add3A_477] masked %lt3A_269 : memref<65536xf32, #tpu.memory_space<vmem>>[vector<16xi32>], vector<16xf32>, vector<16xi1>
          %broadcast_in_dim3A_479 = arith.constant 0 : i32
          %broadcast_in_dim3A_480 = vector.broadcast %broadcast_in_dim3A_479 : i32 to vector<16xi32>
          %add3A_481 = arith.constant 20 : i32
          %add3A_482 = vector.broadcast %add3A_481 : i32 to vector<16xi32>
          %add3A_483 = arith.addi %broadcast_in_dim3A_480, %add3A_482 : vector<16xi32>
          tpu.vector_store_idx %arg13[%add3A_294, %add3A_483], %gather3A_478 : memref<512x32xf32, #tpu.memory_space<vmem>>[vector<16xi32>, vector<16xi32>], vector<16xf32>,
          %add3A_484 = arith.constant 33408 : i32
          %add3A_485 = vector.broadcast %add3A_484 : i32 to vector<16xi32>
          %add3A_486 = arith.addi %and3A_290, %add3A_485 : vector<16xi32>
          %gather3A_487 = tpu.vector_load_idx %arg12[%add3A_486] masked %lt3A_269 : memref<65536xf32, #tpu.memory_space<vmem>>[vector<16xi32>], vector<16xf32>, vector<16xi1>
          %broadcast_in_dim3A_488 = arith.constant 0 : i32
          %broadcast_in_dim3A_489 = vector.broadcast %broadcast_in_dim3A_488 : i32 to vector<16xi32>
          %add3A_490 = arith.constant 21 : i32
          %add3A_491 = vector.broadcast %add3A_490 : i32 to vector<16xi32>
          %add3A_492 = arith.addi %broadcast_in_dim3A_489, %add3A_491 : vector<16xi32>
          tpu.vector_store_idx %arg13[%add3A_294, %add3A_492], %gather3A_487 : memref<512x32xf32, #tpu.memory_space<vmem>>[vector<16xi32>, vector<16xi32>], vector<16xf32>,
          %add3A_493 = arith.constant 33536 : i32
          %add3A_494 = vector.broadcast %add3A_493 : i32 to vector<16xi32>
          %add3A_495 = arith.addi %and3A_290, %add3A_494 : vector<16xi32>
          %gather3A_496 = tpu.vector_load_idx %arg12[%add3A_495] masked %lt3A_269 : memref<65536xf32, #tpu.memory_space<vmem>>[vector<16xi32>], vector<16xf32>, vector<16xi1>
          %broadcast_in_dim3A_497 = arith.constant 0 : i32
          %broadcast_in_dim3A_498 = vector.broadcast %broadcast_in_dim3A_497 : i32 to vector<16xi32>
          %add3A_499 = arith.constant 22 : i32
          %add3A_500 = vector.broadcast %add3A_499 : i32 to vector<16xi32>
          %add3A_501 = arith.addi %broadcast_in_dim3A_498, %add3A_500 : vector<16xi32>
          tpu.vector_store_idx %arg13[%add3A_294, %add3A_501], %gather3A_496 : memref<512x32xf32, #tpu.memory_space<vmem>>[vector<16xi32>, vector<16xi32>], vector<16xf32>,
          %add3A_502 = arith.constant 33664 : i32
          %add3A_503 = vector.broadcast %add3A_502 : i32 to vector<16xi32>
          %add3A_504 = arith.addi %and3A_290, %add3A_503 : vector<16xi32>
          %gather3A_505 = tpu.vector_load_idx %arg12[%add3A_504] masked %lt3A_269 : memref<65536xf32, #tpu.memory_space<vmem>>[vector<16xi32>], vector<16xf32>, vector<16xi1>
          %broadcast_in_dim3A_506 = arith.constant 0 : i32
          %broadcast_in_dim3A_507 = vector.broadcast %broadcast_in_dim3A_506 : i32 to vector<16xi32>
          %add3A_508 = arith.constant 23 : i32
          %add3A_509 = vector.broadcast %add3A_508 : i32 to vector<16xi32>
          %add3A_510 = arith.addi %broadcast_in_dim3A_507, %add3A_509 : vector<16xi32>
          tpu.vector_store_idx %arg13[%add3A_294, %add3A_510], %gather3A_505 : memref<512x32xf32, #tpu.memory_space<vmem>>[vector<16xi32>, vector<16xi32>], vector<16xf32>,
          %add3A_511 = arith.constant 49152 : i32
          %add3A_512 = vector.broadcast %add3A_511 : i32 to vector<16xi32>
          %add3A_513 = arith.addi %and3A_290, %add3A_512 : vector<16xi32>
          %gather3A_514 = tpu.vector_load_idx %arg12[%add3A_513] masked %lt3A_269 : memref<65536xf32, #tpu.memory_space<vmem>>[vector<16xi32>], vector<16xf32>, vector<16xi1>
          %broadcast_in_dim3A_515 = arith.constant 0 : i32
          %broadcast_in_dim3A_516 = vector.broadcast %broadcast_in_dim3A_515 : i32 to vector<16xi32>
          %add3A_517 = arith.constant 24 : i32
          %add3A_518 = vector.broadcast %add3A_517 : i32 to vector<16xi32>
          %add3A_519 = arith.addi %broadcast_in_dim3A_516, %add3A_518 : vector<16xi32>
          tpu.vector_store_idx %arg13[%add3A_294, %add3A_519], %gather3A_514 : memref<512x32xf32, #tpu.memory_space<vmem>>[vector<16xi32>, vector<16xi32>], vector<16xf32>,
          %add3A_520 = arith.constant 49280 : i32
          %add3A_521 = vector.broadcast %add3A_520 : i32 to vector<16xi32>
          %add3A_522 = arith.addi %and3A_290, %add3A_521 : vector<16xi32>
          %gather3A_523 = tpu.vector_load_idx %arg12[%add3A_522] masked %lt3A_269 : memref<65536xf32, #tpu.memory_space<vmem>>[vector<16xi32>], vector<16xf32>, vector<16xi1>
          %broadcast_in_dim3A_524 = arith.constant 0 : i32
          %broadcast_in_dim3A_525 = vector.broadcast %broadcast_in_dim3A_524 : i32 to vector<16xi32>
          %add3A_526 = arith.constant 25 : i32
          %add3A_527 = vector.broadcast %add3A_526 : i32 to vector<16xi32>
          %add3A_528 = arith.addi %broadcast_in_dim3A_525, %add3A_527 : vector<16xi32>
          tpu.vector_store_idx %arg13[%add3A_294, %add3A_528], %gather3A_523 : memref<512x32xf32, #tpu.memory_space<vmem>>[vector<16xi32>, vector<16xi32>], vector<16xf32>,
          %add3A_529 = arith.constant 49408 : i32
          %add3A_530 = vector.broadcast %add3A_529 : i32 to vector<16xi32>
          %add3A_531 = arith.addi %and3A_290, %add3A_530 : vector<16xi32>
          %gather3A_532 = tpu.vector_load_idx %arg12[%add3A_531] masked %lt3A_269 : memref<65536xf32, #tpu.memory_space<vmem>>[vector<16xi32>], vector<16xf32>, vector<16xi1>
          %broadcast_in_dim3A_533 = arith.constant 0 : i32
          %broadcast_in_dim3A_534 = vector.broadcast %broadcast_in_dim3A_533 : i32 to vector<16xi32>
          %add3A_535 = arith.constant 26 : i32
          %add3A_536 = vector.broadcast %add3A_535 : i32 to vector<16xi32>
          %add3A_537 = arith.addi %broadcast_in_dim3A_534, %add3A_536 : vector<16xi32>
          tpu.vector_store_idx %arg13[%add3A_294, %add3A_537], %gather3A_532 : memref<512x32xf32, #tpu.memory_space<vmem>>[vector<16xi32>, vector<16xi32>], vector<16xf32>,
          %add3A_538 = arith.constant 49536 : i32
          %add3A_539 = vector.broadcast %add3A_538 : i32 to vector<16xi32>
          %add3A_540 = arith.addi %and3A_290, %add3A_539 : vector<16xi32>
          %gather3A_541 = tpu.vector_load_idx %arg12[%add3A_540] masked %lt3A_269 : memref<65536xf32, #tpu.memory_space<vmem>>[vector<16xi32>], vector<16xf32>, vector<16xi1>
          %broadcast_in_dim3A_542 = arith.constant 0 : i32
          %broadcast_in_dim3A_543 = vector.broadcast %broadcast_in_dim3A_542 : i32 to vector<16xi32>
          %add3A_544 = arith.constant 27 : i32
          %add3A_545 = vector.broadcast %add3A_544 : i32 to vector<16xi32>
          %add3A_546 = arith.addi %broadcast_in_dim3A_543, %add3A_545 : vector<16xi32>
          tpu.vector_store_idx %arg13[%add3A_294, %add3A_546], %gather3A_541 : memref<512x32xf32, #tpu.memory_space<vmem>>[vector<16xi32>, vector<16xi32>], vector<16xf32>,
          %add3A_547 = arith.constant 49664 : i32
          %add3A_548 = vector.broadcast %add3A_547 : i32 to vector<16xi32>
          %add3A_549 = arith.addi %and3A_290, %add3A_548 : vector<16xi32>
          %gather3A_550 = tpu.vector_load_idx %arg12[%add3A_549] masked %lt3A_269 : memref<65536xf32, #tpu.memory_space<vmem>>[vector<16xi32>], vector<16xf32>, vector<16xi1>
          %broadcast_in_dim3A_551 = arith.constant 0 : i32
          %broadcast_in_dim3A_552 = vector.broadcast %broadcast_in_dim3A_551 : i32 to vector<16xi32>
          %add3A_553 = arith.constant 28 : i32
          %add3A_554 = vector.broadcast %add3A_553 : i32 to vector<16xi32>
          %add3A_555 = arith.addi %broadcast_in_dim3A_552, %add3A_554 : vector<16xi32>
          tpu.vector_store_idx %arg13[%add3A_294, %add3A_555], %gather3A_550 : memref<512x32xf32, #tpu.memory_space<vmem>>[vector<16xi32>, vector<16xi32>], vector<16xf32>,
          %add3A_556 = arith.constant 49792 : i32
          %add3A_557 = vector.broadcast %add3A_556 : i32 to vector<16xi32>
          %add3A_558 = arith.addi %and3A_290, %add3A_557 : vector<16xi32>
          %gather3A_559 = tpu.vector_load_idx %arg12[%add3A_558] masked %lt3A_269 : memref<65536xf32, #tpu.memory_space<vmem>>[vector<16xi32>], vector<16xf32>, vector<16xi1>
          %broadcast_in_dim3A_560 = arith.constant 0 : i32
          %broadcast_in_dim3A_561 = vector.broadcast %broadcast_in_dim3A_560 : i32 to vector<16xi32>
          %add3A_562 = arith.constant 29 : i32
          %add3A_563 = vector.broadcast %add3A_562 : i32 to vector<16xi32>
          %add3A_564 = arith.addi %broadcast_in_dim3A_561, %add3A_563 : vector<16xi32>
          tpu.vector_store_idx %arg13[%add3A_294, %add3A_564], %gather3A_559 : memref<512x32xf32, #tpu.memory_space<vmem>>[vector<16xi32>, vector<16xi32>], vector<16xf32>,
          %add3A_565 = arith.constant 49920 : i32
          %add3A_566 = vector.broadcast %add3A_565 : i32 to vector<16xi32>
          %add3A_567 = arith.addi %and3A_290, %add3A_566 : vector<16xi32>
          %gather3A_568 = tpu.vector_load_idx %arg12[%add3A_567] masked %lt3A_269 : memref<65536xf32, #tpu.memory_space<vmem>>[vector<16xi32>], vector<16xf32>, vector<16xi1>
          %broadcast_in_dim3A_569 = arith.constant 0 : i32
          %broadcast_in_dim3A_570 = vector.broadcast %broadcast_in_dim3A_569 : i32 to vector<16xi32>
          %add3A_571 = arith.constant 30 : i32
          %add3A_572 = vector.broadcast %add3A_571 : i32 to vector<16xi32>
          %add3A_573 = arith.addi %broadcast_in_dim3A_570, %add3A_572 : vector<16xi32>
          tpu.vector_store_idx %arg13[%add3A_294, %add3A_573], %gather3A_568 : memref<512x32xf32, #tpu.memory_space<vmem>>[vector<16xi32>, vector<16xi32>], vector<16xf32>,
          %add3A_574 = arith.constant 50048 : i32
          %add3A_575 = vector.broadcast %add3A_574 : i32 to vector<16xi32>
          %add3A_576 = arith.addi %and3A_290, %add3A_575 : vector<16xi32>
          %gather3A_577 = tpu.vector_load_idx %arg12[%add3A_576] masked %lt3A_269 : memref<65536xf32, #tpu.memory_space<vmem>>[vector<16xi32>], vector<16xf32>, vector<16xi1>
          %broadcast_in_dim3A_578 = arith.constant 0 : i32
          %broadcast_in_dim3A_579 = vector.broadcast %broadcast_in_dim3A_578 : i32 to vector<16xi32>
          %add3A_580 = arith.constant 31 : i32
          %add3A_581 = vector.broadcast %add3A_580 : i32 to vector<16xi32>
          %add3A_582 = arith.addi %broadcast_in_dim3A_579, %add3A_581 : vector<16xi32>
          tpu.vector_store_idx %arg13[%add3A_294, %add3A_582], %gather3A_577 : memref<512x32xf32, #tpu.memory_space<vmem>>[vector<16xi32>, vector<16xi32>], vector<16xf32>,
          %mul3A_583 = arith.constant 16384 : i32
          %mul3A_584 = arith.muli %select_n3A, %mul3A_583 : i32
          %add3A_585 = vector.broadcast %mul3A_584 : i32 to vector<16xi32>
          %add3A_586 = arith.addi %add3A_585, %shift_right_logical3A_275 : vector<16xi32>
          %broadcast_in_dim3A_587 = vector.broadcast %add3A_102 : i32 to vector<16xi32>
          %select_n3A_588 = arith.select %lt3A_269, %add3A_586, %broadcast_in_dim3A_587 : vector<16xi1>, vector<16xi32>
          %mul3A_589 = arith.constant 16 : i32
          %mul3A_590 = arith.muli %while3A_255, %mul3A_589 : i32
          %swap3A_591 = arith.index_cast %mul3A_590 : i32 to index
          %swap3A_592 = tpu.vector_load %arg14[%swap3A_591] {strides = array<i32>} : memref<512xi32, #tpu.memory_space<vmem>>, vector<16xi32>,
          tpu.vector_store %arg14[%swap3A_591], %select_n3A_588 {strides = array<i32>} : memref<512xi32, #tpu.memory_space<vmem>>, vector<16xi32>,
          %while3A_593 = arith.constant 0 : i32
          scf.yield %while3A_593 : i32
        }
        %while3A_236 = arith.constant 1 : i32
        %while3A_237 = scf.for %while3A_255 = %while3A_233 to %while3A_229 step %while3A_236 iter_args(%while3A_256 = %while3A_235) -> (i32)  : i32 {
          %mul3A_257 = arith.constant 32 : i32
          %mul3A_258 = arith.muli %while3A_215, %mul3A_257 : i32
          %add3A_259 = arith.addi %mul3A_258, %while3A_255 : i32
          %multiple_of3A = tpu.assume_multiple %reduce_max3A_194, 16 : i32
          %mul3A_260 = arith.constant 16 : i32
          %mul3A_261 = arith.muli %add3A_259, %mul3A_260 : i32
          %add3A_262 = arith.addi %multiple_of3A, %mul3A_261 : i32
          %get3A_263 = arith.index_cast %add3A_262 : i32 to index
          %get3A_264 = tpu.vector_load %arg8[%get3A_263] {strides = array<i32>} : memref<16896xi32, #tpu.memory_space<vmem>>, vector<16xi32>,
          %mul3A_265 = arith.constant 16 : i32
          %mul3A_266 = arith.muli %add3A_259, %mul3A_265 : i32
          %add3A_267 = vector.broadcast %mul3A_266 : i32 to vector<16xi32>
          %add3A_268 = arith.addi %iota3A, %add3A_267 : vector<16xi32>
          %lt3A_269 = arith.cmpi slt, %add3A_268, %gather3A_165 : vector<16xi32>
          %and3A_270 = arith.constant 32767 : i32
          %and3A_271 = vector.broadcast %and3A_270 : i32 to vector<16xi32>
          %and3A_272 = arith.andi %get3A_264, %and3A_271 : vector<16xi32>
          %shift_right_logical3A_273 = arith.constant 15 : i32
          %shift_right_logical3A_274 = vector.broadcast %shift_right_logical3A_273 : i32 to vector<16xi32>
          %shift_right_logical3A_275 = arith.shrui %get3A_264, %shift_right_logical3A_274 : vector<16xi32>
          %sub3A_276 = vector.broadcast %mul3A_196 : i32 to vector<16xi32>
          %sub3A_277 = arith.subi %and3A_272, %sub3A_276 : vector<16xi32>
          %shift_right_logical3A_278 = arith.constant 7 : i32
          %shift_right_logical3A_279 = vector.broadcast %shift_right_logical3A_278 : i32 to vector<16xi32>
          %shift_right_logical3A_280 = arith.shrui %sub3A_277, %shift_right_logical3A_279 : vector<16xi32>
          %mul3A_281 = arith.constant 1024 : i32
          %mul3A_282 = vector.broadcast %mul3A_281 : i32 to vector<16xi32>
          %mul3A_283 = arith.muli %shift_right_logical3A_280, %mul3A_282 : vector<16xi32>
          %and3A_284 = arith.constant 127 : i32
          %and3A_285 = vector.broadcast %and3A_284 : i32 to vector<16xi32>
          %and3A_286 = arith.andi %sub3A_277, %and3A_285 : vector<16xi32>
          %add3A_287 = arith.addi %mul3A_283, %and3A_286 : vector<16xi32>
          %and3A_288 = arith.constant 16383 : i32
          %and3A_289 = vector.broadcast %and3A_288 : i32 to vector<16xi32>
          %and3A_290 = arith.andi %add3A_287, %and3A_289 : vector<16xi32>
          %mul3A_291 = arith.constant 16 : i32
          %mul3A_292 = arith.muli %while3A_255, %mul3A_291 : i32
          %add3A_293 = vector.broadcast %mul3A_292 : i32 to vector<16xi32>
          %add3A_294 = arith.addi %iota3A, %add3A_293 : vector<16xi32>
          %add3A_295 = arith.constant 0 : i32
          %add3A_296 = vector.broadcast %add3A_295 : i32 to vector<16xi32>
          %add3A_297 = arith.addi %and3A_290, %add3A_296 : vector<16xi32>
          %gather3A_298 = tpu.vector_load_idx %arg12[%add3A_297] masked %lt3A_269 : memref<65536xf32, #tpu.memory_space<vmem>>[vector<16xi32>], vector<16xf32>, vector<16xi1>
          %broadcast_in_dim3A_299 = arith.constant 0 : i32
          %broadcast_in_dim3A_300 = vector.broadcast %broadcast_in_dim3A_299 : i32 to vector<16xi32>
          %add3A_301 = arith.constant 0 : i32
          %add3A_302 = vector.broadcast %add3A_301 : i32 to vector<16xi32>
          %add3A_303 = arith.addi %broadcast_in_dim3A_300, %add3A_302 : vector<16xi32>
          tpu.vector_store_idx %arg13[%add3A_294, %add3A_303], %gather3A_298 : memref<512x32xf32, #tpu.memory_space<vmem>>[vector<16xi32>, vector<16xi32>], vector<16xf32>,
          %add3A_304 = arith.constant 128 : i32
          %add3A_305 = vector.broadcast %add3A_304 : i32 to vector<16xi32>
          %add3A_306 = arith.addi %and3A_290, %add3A_305 : vector<16xi32>
          %gather3A_307 = tpu.vector_load_idx %arg12[%add3A_306] masked %lt3A_269 : memref<65536xf32, #tpu.memory_space<vmem>>[vector<16xi32>], vector<16xf32>, vector<16xi1>
          %broadcast_in_dim3A_308 = arith.constant 0 : i32
          %broadcast_in_dim3A_309 = vector.broadcast %broadcast_in_dim3A_308 : i32 to vector<16xi32>
          %add3A_310 = arith.constant 1 : i32
          %add3A_311 = vector.broadcast %add3A_310 : i32 to vector<16xi32>
          %add3A_312 = arith.addi %broadcast_in_dim3A_309, %add3A_311 : vector<16xi32>
          tpu.vector_store_idx %arg13[%add3A_294, %add3A_312], %gather3A_307 : memref<512x32xf32, #tpu.memory_space<vmem>>[vector<16xi32>, vector<16xi32>], vector<16xf32>,
          %add3A_313 = arith.constant 256 : i32
          %add3A_314 = vector.broadcast %add3A_313 : i32 to vector<16xi32>
          %add3A_315 = arith.addi %and3A_290, %add3A_314 : vector<16xi32>
          %gather3A_316 = tpu.vector_load_idx %arg12[%add3A_315] masked %lt3A_269 : memref<65536xf32, #tpu.memory_space<vmem>>[vector<16xi32>], vector<16xf32>, vector<16xi1>
          %broadcast_in_dim3A_317 = arith.constant 0 : i32
          %broadcast_in_dim3A_318 = vector.broadcast %broadcast_in_dim3A_317 : i32 to vector<16xi32>
          %add3A_319 = arith.constant 2 : i32
          %add3A_320 = vector.broadcast %add3A_319 : i32 to vector<16xi32>
          %add3A_321 = arith.addi %broadcast_in_dim3A_318, %add3A_320 : vector<16xi32>
          tpu.vector_store_idx %arg13[%add3A_294, %add3A_321], %gather3A_316 : memref<512x32xf32, #tpu.memory_space<vmem>>[vector<16xi32>, vector<16xi32>], vector<16xf32>,
          %add3A_322 = arith.constant 384 : i32
          %add3A_323 = vector.broadcast %add3A_322 : i32 to vector<16xi32>
          %add3A_324 = arith.addi %and3A_290, %add3A_323 : vector<16xi32>
          %gather3A_325 = tpu.vector_load_idx %arg12[%add3A_324] masked %lt3A_269 : memref<65536xf32, #tpu.memory_space<vmem>>[vector<16xi32>], vector<16xf32>, vector<16xi1>
          %broadcast_in_dim3A_326 = arith.constant 0 : i32
          %broadcast_in_dim3A_327 = vector.broadcast %broadcast_in_dim3A_326 : i32 to vector<16xi32>
          %add3A_328 = arith.constant 3 : i32
          %add3A_329 = vector.broadcast %add3A_328 : i32 to vector<16xi32>
          %add3A_330 = arith.addi %broadcast_in_dim3A_327, %add3A_329 : vector<16xi32>
          tpu.vector_store_idx %arg13[%add3A_294, %add3A_330], %gather3A_325 : memref<512x32xf32, #tpu.memory_space<vmem>>[vector<16xi32>, vector<16xi32>], vector<16xf32>,
          %add3A_331 = arith.constant 512 : i32
          %add3A_332 = vector.broadcast %add3A_331 : i32 to vector<16xi32>
          %add3A_333 = arith.addi %and3A_290, %add3A_332 : vector<16xi32>
          %gather3A_334 = tpu.vector_load_idx %arg12[%add3A_333] masked %lt3A_269 : memref<65536xf32, #tpu.memory_space<vmem>>[vector<16xi32>], vector<16xf32>, vector<16xi1>
          %broadcast_in_dim3A_335 = arith.constant 0 : i32
          %broadcast_in_dim3A_336 = vector.broadcast %broadcast_in_dim3A_335 : i32 to vector<16xi32>
          %add3A_337 = arith.constant 4 : i32
          %add3A_338 = vector.broadcast %add3A_337 : i32 to vector<16xi32>
          %add3A_339 = arith.addi %broadcast_in_dim3A_336, %add3A_338 : vector<16xi32>
          tpu.vector_store_idx %arg13[%add3A_294, %add3A_339], %gather3A_334 : memref<512x32xf32, #tpu.memory_space<vmem>>[vector<16xi32>, vector<16xi32>], vector<16xf32>,
          %add3A_340 = arith.constant 640 : i32
          %add3A_341 = vector.broadcast %add3A_340 : i32 to vector<16xi32>
          %add3A_342 = arith.addi %and3A_290, %add3A_341 : vector<16xi32>
          %gather3A_343 = tpu.vector_load_idx %arg12[%add3A_342] masked %lt3A_269 : memref<65536xf32, #tpu.memory_space<vmem>>[vector<16xi32>], vector<16xf32>, vector<16xi1>
          %broadcast_in_dim3A_344 = arith.constant 0 : i32
          %broadcast_in_dim3A_345 = vector.broadcast %broadcast_in_dim3A_344 : i32 to vector<16xi32>
          %add3A_346 = arith.constant 5 : i32
          %add3A_347 = vector.broadcast %add3A_346 : i32 to vector<16xi32>
          %add3A_348 = arith.addi %broadcast_in_dim3A_345, %add3A_347 : vector<16xi32>
          tpu.vector_store_idx %arg13[%add3A_294, %add3A_348], %gather3A_343 : memref<512x32xf32, #tpu.memory_space<vmem>>[vector<16xi32>, vector<16xi32>], vector<16xf32>,
          %add3A_349 = arith.constant 768 : i32
          %add3A_350 = vector.broadcast %add3A_349 : i32 to vector<16xi32>
          %add3A_351 = arith.addi %and3A_290, %add3A_350 : vector<16xi32>
          %gather3A_352 = tpu.vector_load_idx %arg12[%add3A_351] masked %lt3A_269 : memref<65536xf32, #tpu.memory_space<vmem>>[vector<16xi32>], vector<16xf32>, vector<16xi1>
          %broadcast_in_dim3A_353 = arith.constant 0 : i32
          %broadcast_in_dim3A_354 = vector.broadcast %broadcast_in_dim3A_353 : i32 to vector<16xi32>
          %add3A_355 = arith.constant 6 : i32
          %add3A_356 = vector.broadcast %add3A_355 : i32 to vector<16xi32>
          %add3A_357 = arith.addi %broadcast_in_dim3A_354, %add3A_356 : vector<16xi32>
          tpu.vector_store_idx %arg13[%add3A_294, %add3A_357], %gather3A_352 : memref<512x32xf32, #tpu.memory_space<vmem>>[vector<16xi32>, vector<16xi32>], vector<16xf32>,
          %add3A_358 = arith.constant 896 : i32
          %add3A_359 = vector.broadcast %add3A_358 : i32 to vector<16xi32>
          %add3A_360 = arith.addi %and3A_290, %add3A_359 : vector<16xi32>
          %gather3A_361 = tpu.vector_load_idx %arg12[%add3A_360] masked %lt3A_269 : memref<65536xf32, #tpu.memory_space<vmem>>[vector<16xi32>], vector<16xf32>, vector<16xi1>
          %broadcast_in_dim3A_362 = arith.constant 0 : i32
          %broadcast_in_dim3A_363 = vector.broadcast %broadcast_in_dim3A_362 : i32 to vector<16xi32>
          %add3A_364 = arith.constant 7 : i32
          %add3A_365 = vector.broadcast %add3A_364 : i32 to vector<16xi32>
          %add3A_366 = arith.addi %broadcast_in_dim3A_363, %add3A_365 : vector<16xi32>
          tpu.vector_store_idx %arg13[%add3A_294, %add3A_366], %gather3A_361 : memref<512x32xf32, #tpu.memory_space<vmem>>[vector<16xi32>, vector<16xi32>], vector<16xf32>,
          %add3A_367 = arith.constant 16384 : i32
          %add3A_368 = vector.broadcast %add3A_367 : i32 to vector<16xi32>
          %add3A_369 = arith.addi %and3A_290, %add3A_368 : vector<16xi32>
          %gather3A_370 = tpu.vector_load_idx %arg12[%add3A_369] masked %lt3A_269 : memref<65536xf32, #tpu.memory_space<vmem>>[vector<16xi32>], vector<16xf32>, vector<16xi1>
          %broadcast_in_dim3A_371 = arith.constant 0 : i32
          %broadcast_in_dim3A_372 = vector.broadcast %broadcast_in_dim3A_371 : i32 to vector<16xi32>
          %add3A_373 = arith.constant 8 : i32
          %add3A_374 = vector.broadcast %add3A_373 : i32 to vector<16xi32>
          %add3A_375 = arith.addi %broadcast_in_dim3A_372, %add3A_374 : vector<16xi32>
          tpu.vector_store_idx %arg13[%add3A_294, %add3A_375], %gather3A_370 : memref<512x32xf32, #tpu.memory_space<vmem>>[vector<16xi32>, vector<16xi32>], vector<16xf32>,
          %add3A_376 = arith.constant 16512 : i32
          %add3A_377 = vector.broadcast %add3A_376 : i32 to vector<16xi32>
          %add3A_378 = arith.addi %and3A_290, %add3A_377 : vector<16xi32>
          %gather3A_379 = tpu.vector_load_idx %arg12[%add3A_378] masked %lt3A_269 : memref<65536xf32, #tpu.memory_space<vmem>>[vector<16xi32>], vector<16xf32>, vector<16xi1>
          %broadcast_in_dim3A_380 = arith.constant 0 : i32
          %broadcast_in_dim3A_381 = vector.broadcast %broadcast_in_dim3A_380 : i32 to vector<16xi32>
          %add3A_382 = arith.constant 9 : i32
          %add3A_383 = vector.broadcast %add3A_382 : i32 to vector<16xi32>
          %add3A_384 = arith.addi %broadcast_in_dim3A_381, %add3A_383 : vector<16xi32>
          tpu.vector_store_idx %arg13[%add3A_294, %add3A_384], %gather3A_379 : memref<512x32xf32, #tpu.memory_space<vmem>>[vector<16xi32>, vector<16xi32>], vector<16xf32>,
          %add3A_385 = arith.constant 16640 : i32
          %add3A_386 = vector.broadcast %add3A_385 : i32 to vector<16xi32>
          %add3A_387 = arith.addi %and3A_290, %add3A_386 : vector<16xi32>
          %gather3A_388 = tpu.vector_load_idx %arg12[%add3A_387] masked %lt3A_269 : memref<65536xf32, #tpu.memory_space<vmem>>[vector<16xi32>], vector<16xf32>, vector<16xi1>
          %broadcast_in_dim3A_389 = arith.constant 0 : i32
          %broadcast_in_dim3A_390 = vector.broadcast %broadcast_in_dim3A_389 : i32 to vector<16xi32>
          %add3A_391 = arith.constant 10 : i32
          %add3A_392 = vector.broadcast %add3A_391 : i32 to vector<16xi32>
          %add3A_393 = arith.addi %broadcast_in_dim3A_390, %add3A_392 : vector<16xi32>
          tpu.vector_store_idx %arg13[%add3A_294, %add3A_393], %gather3A_388 : memref<512x32xf32, #tpu.memory_space<vmem>>[vector<16xi32>, vector<16xi32>], vector<16xf32>,
          %add3A_394 = arith.constant 16768 : i32
          %add3A_395 = vector.broadcast %add3A_394 : i32 to vector<16xi32>
          %add3A_396 = arith.addi %and3A_290, %add3A_395 : vector<16xi32>
          %gather3A_397 = tpu.vector_load_idx %arg12[%add3A_396] masked %lt3A_269 : memref<65536xf32, #tpu.memory_space<vmem>>[vector<16xi32>], vector<16xf32>, vector<16xi1>
          %broadcast_in_dim3A_398 = arith.constant 0 : i32
          %broadcast_in_dim3A_399 = vector.broadcast %broadcast_in_dim3A_398 : i32 to vector<16xi32>
          %add3A_400 = arith.constant 11 : i32
          %add3A_401 = vector.broadcast %add3A_400 : i32 to vector<16xi32>
          %add3A_402 = arith.addi %broadcast_in_dim3A_399, %add3A_401 : vector<16xi32>
          tpu.vector_store_idx %arg13[%add3A_294, %add3A_402], %gather3A_397 : memref<512x32xf32, #tpu.memory_space<vmem>>[vector<16xi32>, vector<16xi32>], vector<16xf32>,
          %add3A_403 = arith.constant 16896 : i32
          %add3A_404 = vector.broadcast %add3A_403 : i32 to vector<16xi32>
          %add3A_405 = arith.addi %and3A_290, %add3A_404 : vector<16xi32>
          %gather3A_406 = tpu.vector_load_idx %arg12[%add3A_405] masked %lt3A_269 : memref<65536xf32, #tpu.memory_space<vmem>>[vector<16xi32>], vector<16xf32>, vector<16xi1>
          %broadcast_in_dim3A_407 = arith.constant 0 : i32
          %broadcast_in_dim3A_408 = vector.broadcast %broadcast_in_dim3A_407 : i32 to vector<16xi32>
          %add3A_409 = arith.constant 12 : i32
          %add3A_410 = vector.broadcast %add3A_409 : i32 to vector<16xi32>
          %add3A_411 = arith.addi %broadcast_in_dim3A_408, %add3A_410 : vector<16xi32>
          tpu.vector_store_idx %arg13[%add3A_294, %add3A_411], %gather3A_406 : memref<512x32xf32, #tpu.memory_space<vmem>>[vector<16xi32>, vector<16xi32>], vector<16xf32>,
          %add3A_412 = arith.constant 17024 : i32
          %add3A_413 = vector.broadcast %add3A_412 : i32 to vector<16xi32>
          %add3A_414 = arith.addi %and3A_290, %add3A_413 : vector<16xi32>
          %gather3A_415 = tpu.vector_load_idx %arg12[%add3A_414] masked %lt3A_269 : memref<65536xf32, #tpu.memory_space<vmem>>[vector<16xi32>], vector<16xf32>, vector<16xi1>
          %broadcast_in_dim3A_416 = arith.constant 0 : i32
          %broadcast_in_dim3A_417 = vector.broadcast %broadcast_in_dim3A_416 : i32 to vector<16xi32>
          %add3A_418 = arith.constant 13 : i32
          %add3A_419 = vector.broadcast %add3A_418 : i32 to vector<16xi32>
          %add3A_420 = arith.addi %broadcast_in_dim3A_417, %add3A_419 : vector<16xi32>
          tpu.vector_store_idx %arg13[%add3A_294, %add3A_420], %gather3A_415 : memref<512x32xf32, #tpu.memory_space<vmem>>[vector<16xi32>, vector<16xi32>], vector<16xf32>,
          %add3A_421 = arith.constant 17152 : i32
          %add3A_422 = vector.broadcast %add3A_421 : i32 to vector<16xi32>
          %add3A_423 = arith.addi %and3A_290, %add3A_422 : vector<16xi32>
          %gather3A_424 = tpu.vector_load_idx %arg12[%add3A_423] masked %lt3A_269 : memref<65536xf32, #tpu.memory_space<vmem>>[vector<16xi32>], vector<16xf32>, vector<16xi1>
          %broadcast_in_dim3A_425 = arith.constant 0 : i32
          %broadcast_in_dim3A_426 = vector.broadcast %broadcast_in_dim3A_425 : i32 to vector<16xi32>
          %add3A_427 = arith.constant 14 : i32
          %add3A_428 = vector.broadcast %add3A_427 : i32 to vector<16xi32>
          %add3A_429 = arith.addi %broadcast_in_dim3A_426, %add3A_428 : vector<16xi32>
          tpu.vector_store_idx %arg13[%add3A_294, %add3A_429], %gather3A_424 : memref<512x32xf32, #tpu.memory_space<vmem>>[vector<16xi32>, vector<16xi32>], vector<16xf32>,
          %add3A_430 = arith.constant 17280 : i32
          %add3A_431 = vector.broadcast %add3A_430 : i32 to vector<16xi32>
          %add3A_432 = arith.addi %and3A_290, %add3A_431 : vector<16xi32>
          %gather3A_433 = tpu.vector_load_idx %arg12[%add3A_432] masked %lt3A_269 : memref<65536xf32, #tpu.memory_space<vmem>>[vector<16xi32>], vector<16xf32>, vector<16xi1>
          %broadcast_in_dim3A_434 = arith.constant 0 : i32
          %broadcast_in_dim3A_435 = vector.broadcast %broadcast_in_dim3A_434 : i32 to vector<16xi32>
          %add3A_436 = arith.constant 15 : i32
          %add3A_437 = vector.broadcast %add3A_436 : i32 to vector<16xi32>
          %add3A_438 = arith.addi %broadcast_in_dim3A_435, %add3A_437 : vector<16xi32>
          tpu.vector_store_idx %arg13[%add3A_294, %add3A_438], %gather3A_433 : memref<512x32xf32, #tpu.memory_space<vmem>>[vector<16xi32>, vector<16xi32>], vector<16xf32>,
          %add3A_439 = arith.constant 32768 : i32
          %add3A_440 = vector.broadcast %add3A_439 : i32 to vector<16xi32>
          %add3A_441 = arith.addi %and3A_290, %add3A_440 : vector<16xi32>
          %gather3A_442 = tpu.vector_load_idx %arg12[%add3A_441] masked %lt3A_269 : memref<65536xf32, #tpu.memory_space<vmem>>[vector<16xi32>], vector<16xf32>, vector<16xi1>
          %broadcast_in_dim3A_443 = arith.constant 0 : i32
          %broadcast_in_dim3A_444 = vector.broadcast %broadcast_in_dim3A_443 : i32 to vector<16xi32>
          %add3A_445 = arith.constant 16 : i32
          %add3A_446 = vector.broadcast %add3A_445 : i32 to vector<16xi32>
          %add3A_447 = arith.addi %broadcast_in_dim3A_444, %add3A_446 : vector<16xi32>
          tpu.vector_store_idx %arg13[%add3A_294, %add3A_447], %gather3A_442 : memref<512x32xf32, #tpu.memory_space<vmem>>[vector<16xi32>, vector<16xi32>], vector<16xf32>,
          %add3A_448 = arith.constant 32896 : i32
          %add3A_449 = vector.broadcast %add3A_448 : i32 to vector<16xi32>
          %add3A_450 = arith.addi %and3A_290, %add3A_449 : vector<16xi32>
          %gather3A_451 = tpu.vector_load_idx %arg12[%add3A_450] masked %lt3A_269 : memref<65536xf32, #tpu.memory_space<vmem>>[vector<16xi32>], vector<16xf32>, vector<16xi1>
          %broadcast_in_dim3A_452 = arith.constant 0 : i32
          %broadcast_in_dim3A_453 = vector.broadcast %broadcast_in_dim3A_452 : i32 to vector<16xi32>
          %add3A_454 = arith.constant 17 : i32
          %add3A_455 = vector.broadcast %add3A_454 : i32 to vector<16xi32>
          %add3A_456 = arith.addi %broadcast_in_dim3A_453, %add3A_455 : vector<16xi32>
          tpu.vector_store_idx %arg13[%add3A_294, %add3A_456], %gather3A_451 : memref<512x32xf32, #tpu.memory_space<vmem>>[vector<16xi32>, vector<16xi32>], vector<16xf32>,
          %add3A_457 = arith.constant 33024 : i32
          %add3A_458 = vector.broadcast %add3A_457 : i32 to vector<16xi32>
          %add3A_459 = arith.addi %and3A_290, %add3A_458 : vector<16xi32>
          %gather3A_460 = tpu.vector_load_idx %arg12[%add3A_459] masked %lt3A_269 : memref<65536xf32, #tpu.memory_space<vmem>>[vector<16xi32>], vector<16xf32>, vector<16xi1>
          %broadcast_in_dim3A_461 = arith.constant 0 : i32
          %broadcast_in_dim3A_462 = vector.broadcast %broadcast_in_dim3A_461 : i32 to vector<16xi32>
          %add3A_463 = arith.constant 18 : i32
          %add3A_464 = vector.broadcast %add3A_463 : i32 to vector<16xi32>
          %add3A_465 = arith.addi %broadcast_in_dim3A_462, %add3A_464 : vector<16xi32>
          tpu.vector_store_idx %arg13[%add3A_294, %add3A_465], %gather3A_460 : memref<512x32xf32, #tpu.memory_space<vmem>>[vector<16xi32>, vector<16xi32>], vector<16xf32>,
          %add3A_466 = arith.constant 33152 : i32
          %add3A_467 = vector.broadcast %add3A_466 : i32 to vector<16xi32>
          %add3A_468 = arith.addi %and3A_290, %add3A_467 : vector<16xi32>
          %gather3A_469 = tpu.vector_load_idx %arg12[%add3A_468] masked %lt3A_269 : memref<65536xf32, #tpu.memory_space<vmem>>[vector<16xi32>], vector<16xf32>, vector<16xi1>
          %broadcast_in_dim3A_470 = arith.constant 0 : i32
          %broadcast_in_dim3A_471 = vector.broadcast %broadcast_in_dim3A_470 : i32 to vector<16xi32>
          %add3A_472 = arith.constant 19 : i32
          %add3A_473 = vector.broadcast %add3A_472 : i32 to vector<16xi32>
          %add3A_474 = arith.addi %broadcast_in_dim3A_471, %add3A_473 : vector<16xi32>
          tpu.vector_store_idx %arg13[%add3A_294, %add3A_474], %gather3A_469 : memref<512x32xf32, #tpu.memory_space<vmem>>[vector<16xi32>, vector<16xi32>], vector<16xf32>,
          %add3A_475 = arith.constant 33280 : i32
          %add3A_476 = vector.broadcast %add3A_475 : i32 to vector<16xi32>
          %add3A_477 = arith.addi %and3A_290, %add3A_476 : vector<16xi32>
          %gather3A_478 = tpu.vector_load_idx %arg12[%add3A_477] masked %lt3A_269 : memref<65536xf32, #tpu.memory_space<vmem>>[vector<16xi32>], vector<16xf32>, vector<16xi1>
          %broadcast_in_dim3A_479 = arith.constant 0 : i32
          %broadcast_in_dim3A_480 = vector.broadcast %broadcast_in_dim3A_479 : i32 to vector<16xi32>
          %add3A_481 = arith.constant 20 : i32
          %add3A_482 = vector.broadcast %add3A_481 : i32 to vector<16xi32>
          %add3A_483 = arith.addi %broadcast_in_dim3A_480, %add3A_482 : vector<16xi32>
          tpu.vector_store_idx %arg13[%add3A_294, %add3A_483], %gather3A_478 : memref<512x32xf32, #tpu.memory_space<vmem>>[vector<16xi32>, vector<16xi32>], vector<16xf32>,
          %add3A_484 = arith.constant 33408 : i32
          %add3A_485 = vector.broadcast %add3A_484 : i32 to vector<16xi32>
          %add3A_486 = arith.addi %and3A_290, %add3A_485 : vector<16xi32>
          %gather3A_487 = tpu.vector_load_idx %arg12[%add3A_486] masked %lt3A_269 : memref<65536xf32, #tpu.memory_space<vmem>>[vector<16xi32>], vector<16xf32>, vector<16xi1>
          %broadcast_in_dim3A_488 = arith.constant 0 : i32
          %broadcast_in_dim3A_489 = vector.broadcast %broadcast_in_dim3A_488 : i32 to vector<16xi32>
          %add3A_490 = arith.constant 21 : i32
          %add3A_491 = vector.broadcast %add3A_490 : i32 to vector<16xi32>
          %add3A_492 = arith.addi %broadcast_in_dim3A_489, %add3A_491 : vector<16xi32>
          tpu.vector_store_idx %arg13[%add3A_294, %add3A_492], %gather3A_487 : memref<512x32xf32, #tpu.memory_space<vmem>>[vector<16xi32>, vector<16xi32>], vector<16xf32>,
          %add3A_493 = arith.constant 33536 : i32
          %add3A_494 = vector.broadcast %add3A_493 : i32 to vector<16xi32>
          %add3A_495 = arith.addi %and3A_290, %add3A_494 : vector<16xi32>
          %gather3A_496 = tpu.vector_load_idx %arg12[%add3A_495] masked %lt3A_269 : memref<65536xf32, #tpu.memory_space<vmem>>[vector<16xi32>], vector<16xf32>, vector<16xi1>
          %broadcast_in_dim3A_497 = arith.constant 0 : i32
          %broadcast_in_dim3A_498 = vector.broadcast %broadcast_in_dim3A_497 : i32 to vector<16xi32>
          %add3A_499 = arith.constant 22 : i32
          %add3A_500 = vector.broadcast %add3A_499 : i32 to vector<16xi32>
          %add3A_501 = arith.addi %broadcast_in_dim3A_498, %add3A_500 : vector<16xi32>
          tpu.vector_store_idx %arg13[%add3A_294, %add3A_501], %gather3A_496 : memref<512x32xf32, #tpu.memory_space<vmem>>[vector<16xi32>, vector<16xi32>], vector<16xf32>,
          %add3A_502 = arith.constant 33664 : i32
          %add3A_503 = vector.broadcast %add3A_502 : i32 to vector<16xi32>
          %add3A_504 = arith.addi %and3A_290, %add3A_503 : vector<16xi32>
          %gather3A_505 = tpu.vector_load_idx %arg12[%add3A_504] masked %lt3A_269 : memref<65536xf32, #tpu.memory_space<vmem>>[vector<16xi32>], vector<16xf32>, vector<16xi1>
          %broadcast_in_dim3A_506 = arith.constant 0 : i32
          %broadcast_in_dim3A_507 = vector.broadcast %broadcast_in_dim3A_506 : i32 to vector<16xi32>
          %add3A_508 = arith.constant 23 : i32
          %add3A_509 = vector.broadcast %add3A_508 : i32 to vector<16xi32>
          %add3A_510 = arith.addi %broadcast_in_dim3A_507, %add3A_509 : vector<16xi32>
          tpu.vector_store_idx %arg13[%add3A_294, %add3A_510], %gather3A_505 : memref<512x32xf32, #tpu.memory_space<vmem>>[vector<16xi32>, vector<16xi32>], vector<16xf32>,
          %add3A_511 = arith.constant 49152 : i32
          %add3A_512 = vector.broadcast %add3A_511 : i32 to vector<16xi32>
          %add3A_513 = arith.addi %and3A_290, %add3A_512 : vector<16xi32>
          %gather3A_514 = tpu.vector_load_idx %arg12[%add3A_513] masked %lt3A_269 : memref<65536xf32, #tpu.memory_space<vmem>>[vector<16xi32>], vector<16xf32>, vector<16xi1>
          %broadcast_in_dim3A_515 = arith.constant 0 : i32
          %broadcast_in_dim3A_516 = vector.broadcast %broadcast_in_dim3A_515 : i32 to vector<16xi32>
          %add3A_517 = arith.constant 24 : i32
          %add3A_518 = vector.broadcast %add3A_517 : i32 to vector<16xi32>
          %add3A_519 = arith.addi %broadcast_in_dim3A_516, %add3A_518 : vector<16xi32>
          tpu.vector_store_idx %arg13[%add3A_294, %add3A_519], %gather3A_514 : memref<512x32xf32, #tpu.memory_space<vmem>>[vector<16xi32>, vector<16xi32>], vector<16xf32>,
          %add3A_520 = arith.constant 49280 : i32
          %add3A_521 = vector.broadcast %add3A_520 : i32 to vector<16xi32>
          %add3A_522 = arith.addi %and3A_290, %add3A_521 : vector<16xi32>
          %gather3A_523 = tpu.vector_load_idx %arg12[%add3A_522] masked %lt3A_269 : memref<65536xf32, #tpu.memory_space<vmem>>[vector<16xi32>], vector<16xf32>, vector<16xi1>
          %broadcast_in_dim3A_524 = arith.constant 0 : i32
          %broadcast_in_dim3A_525 = vector.broadcast %broadcast_in_dim3A_524 : i32 to vector<16xi32>
          %add3A_526 = arith.constant 25 : i32
          %add3A_527 = vector.broadcast %add3A_526 : i32 to vector<16xi32>
          %add3A_528 = arith.addi %broadcast_in_dim3A_525, %add3A_527 : vector<16xi32>
          tpu.vector_store_idx %arg13[%add3A_294, %add3A_528], %gather3A_523 : memref<512x32xf32, #tpu.memory_space<vmem>>[vector<16xi32>, vector<16xi32>], vector<16xf32>,
          %add3A_529 = arith.constant 49408 : i32
          %add3A_530 = vector.broadcast %add3A_529 : i32 to vector<16xi32>
          %add3A_531 = arith.addi %and3A_290, %add3A_530 : vector<16xi32>
          %gather3A_532 = tpu.vector_load_idx %arg12[%add3A_531] masked %lt3A_269 : memref<65536xf32, #tpu.memory_space<vmem>>[vector<16xi32>], vector<16xf32>, vector<16xi1>
          %broadcast_in_dim3A_533 = arith.constant 0 : i32
          %broadcast_in_dim3A_534 = vector.broadcast %broadcast_in_dim3A_533 : i32 to vector<16xi32>
          %add3A_535 = arith.constant 26 : i32
          %add3A_536 = vector.broadcast %add3A_535 : i32 to vector<16xi32>
          %add3A_537 = arith.addi %broadcast_in_dim3A_534, %add3A_536 : vector<16xi32>
          tpu.vector_store_idx %arg13[%add3A_294, %add3A_537], %gather3A_532 : memref<512x32xf32, #tpu.memory_space<vmem>>[vector<16xi32>, vector<16xi32>], vector<16xf32>,
          %add3A_538 = arith.constant 49536 : i32
          %add3A_539 = vector.broadcast %add3A_538 : i32 to vector<16xi32>
          %add3A_540 = arith.addi %and3A_290, %add3A_539 : vector<16xi32>
          %gather3A_541 = tpu.vector_load_idx %arg12[%add3A_540] masked %lt3A_269 : memref<65536xf32, #tpu.memory_space<vmem>>[vector<16xi32>], vector<16xf32>, vector<16xi1>
          %broadcast_in_dim3A_542 = arith.constant 0 : i32
          %broadcast_in_dim3A_543 = vector.broadcast %broadcast_in_dim3A_542 : i32 to vector<16xi32>
          %add3A_544 = arith.constant 27 : i32
          %add3A_545 = vector.broadcast %add3A_544 : i32 to vector<16xi32>
          %add3A_546 = arith.addi %broadcast_in_dim3A_543, %add3A_545 : vector<16xi32>
          tpu.vector_store_idx %arg13[%add3A_294, %add3A_546], %gather3A_541 : memref<512x32xf32, #tpu.memory_space<vmem>>[vector<16xi32>, vector<16xi32>], vector<16xf32>,
          %add3A_547 = arith.constant 49664 : i32
          %add3A_548 = vector.broadcast %add3A_547 : i32 to vector<16xi32>
          %add3A_549 = arith.addi %and3A_290, %add3A_548 : vector<16xi32>
          %gather3A_550 = tpu.vector_load_idx %arg12[%add3A_549] masked %lt3A_269 : memref<65536xf32, #tpu.memory_space<vmem>>[vector<16xi32>], vector<16xf32>, vector<16xi1>
          %broadcast_in_dim3A_551 = arith.constant 0 : i32
          %broadcast_in_dim3A_552 = vector.broadcast %broadcast_in_dim3A_551 : i32 to vector<16xi32>
          %add3A_553 = arith.constant 28 : i32
          %add3A_554 = vector.broadcast %add3A_553 : i32 to vector<16xi32>
          %add3A_555 = arith.addi %broadcast_in_dim3A_552, %add3A_554 : vector<16xi32>
          tpu.vector_store_idx %arg13[%add3A_294, %add3A_555], %gather3A_550 : memref<512x32xf32, #tpu.memory_space<vmem>>[vector<16xi32>, vector<16xi32>], vector<16xf32>,
          %add3A_556 = arith.constant 49792 : i32
          %add3A_557 = vector.broadcast %add3A_556 : i32 to vector<16xi32>
          %add3A_558 = arith.addi %and3A_290, %add3A_557 : vector<16xi32>
          %gather3A_559 = tpu.vector_load_idx %arg12[%add3A_558] masked %lt3A_269 : memref<65536xf32, #tpu.memory_space<vmem>>[vector<16xi32>], vector<16xf32>, vector<16xi1>
          %broadcast_in_dim3A_560 = arith.constant 0 : i32
          %broadcast_in_dim3A_561 = vector.broadcast %broadcast_in_dim3A_560 : i32 to vector<16xi32>
          %add3A_562 = arith.constant 29 : i32
          %add3A_563 = vector.broadcast %add3A_562 : i32 to vector<16xi32>
          %add3A_564 = arith.addi %broadcast_in_dim3A_561, %add3A_563 : vector<16xi32>
          tpu.vector_store_idx %arg13[%add3A_294, %add3A_564], %gather3A_559 : memref<512x32xf32, #tpu.memory_space<vmem>>[vector<16xi32>, vector<16xi32>], vector<16xf32>,
          %add3A_565 = arith.constant 49920 : i32
          %add3A_566 = vector.broadcast %add3A_565 : i32 to vector<16xi32>
          %add3A_567 = arith.addi %and3A_290, %add3A_566 : vector<16xi32>
          %gather3A_568 = tpu.vector_load_idx %arg12[%add3A_567] masked %lt3A_269 : memref<65536xf32, #tpu.memory_space<vmem>>[vector<16xi32>], vector<16xf32>, vector<16xi1>
          %broadcast_in_dim3A_569 = arith.constant 0 : i32
          %broadcast_in_dim3A_570 = vector.broadcast %broadcast_in_dim3A_569 : i32 to vector<16xi32>
          %add3A_571 = arith.constant 30 : i32
          %add3A_572 = vector.broadcast %add3A_571 : i32 to vector<16xi32>
          %add3A_573 = arith.addi %broadcast_in_dim3A_570, %add3A_572 : vector<16xi32>
          tpu.vector_store_idx %arg13[%add3A_294, %add3A_573], %gather3A_568 : memref<512x32xf32, #tpu.memory_space<vmem>>[vector<16xi32>, vector<16xi32>], vector<16xf32>,
          %add3A_574 = arith.constant 50048 : i32
          %add3A_575 = vector.broadcast %add3A_574 : i32 to vector<16xi32>
          %add3A_576 = arith.addi %and3A_290, %add3A_575 : vector<16xi32>
          %gather3A_577 = tpu.vector_load_idx %arg12[%add3A_576] masked %lt3A_269 : memref<65536xf32, #tpu.memory_space<vmem>>[vector<16xi32>], vector<16xf32>, vector<16xi1>
          %broadcast_in_dim3A_578 = arith.constant 0 : i32
          %broadcast_in_dim3A_579 = vector.broadcast %broadcast_in_dim3A_578 : i32 to vector<16xi32>
          %add3A_580 = arith.constant 31 : i32
          %add3A_581 = vector.broadcast %add3A_580 : i32 to vector<16xi32>
          %add3A_582 = arith.addi %broadcast_in_dim3A_579, %add3A_581 : vector<16xi32>
          tpu.vector_store_idx %arg13[%add3A_294, %add3A_582], %gather3A_577 : memref<512x32xf32, #tpu.memory_space<vmem>>[vector<16xi32>, vector<16xi32>], vector<16xf32>,
          %mul3A_583 = arith.constant 16384 : i32
          %mul3A_584 = arith.muli %select_n3A, %mul3A_583 : i32
          %add3A_585 = vector.broadcast %mul3A_584 : i32 to vector<16xi32>
          %add3A_586 = arith.addi %add3A_585, %shift_right_logical3A_275 : vector<16xi32>
          %broadcast_in_dim3A_587 = vector.broadcast %add3A_102 : i32 to vector<16xi32>
          %select_n3A_588 = arith.select %lt3A_269, %add3A_586, %broadcast_in_dim3A_587 : vector<16xi1>, vector<16xi32>
          %mul3A_589 = arith.constant 16 : i32
          %mul3A_590 = arith.muli %while3A_255, %mul3A_589 : i32
          %swap3A_591 = arith.index_cast %mul3A_590 : i32 to index
          %swap3A_592 = tpu.vector_load %arg14[%swap3A_591] {strides = array<i32>} : memref<512xi32, #tpu.memory_space<vmem>>, vector<16xi32>,
          tpu.vector_store %arg14[%swap3A_591], %select_n3A_588 {strides = array<i32>} : memref<512xi32, #tpu.memory_space<vmem>>, vector<16xi32>,
          %while3A_593 = arith.constant 0 : i32
          scf.yield %while3A_593 : i32
        }
        %while3A_238 = arith.constant 32 : i32
        %while3A_239 = arith.constant 0 : i32
        %while3A_240 = arith.subi %while3A_238, %min3A_225 : i32
        %while3A_241 = arith.addi %min3A_225, %while3A_240 : i32
        %while3A_242 = arith.constant 1 : i32
        %while3A_243 = arith.divsi %while3A_240, %while3A_242 : i32
        %while3A_244 = arith.muli %while3A_243, %while3A_242 : i32
        %while3A_245 = arith.addi %min3A_225, %while3A_244 : i32
        %while3A_246 = arith.constant 1 : i32
        %while3A_247 = scf.for %while3A_255 = %min3A_225 to %while3A_245 step %while3A_246 iter_args(%while3A_256 = %while3A_239) -> (i32)  : i32 {
          %broadcast_in_dim3A_257 = arith.constant 0 : i32
          %broadcast_in_dim3A_258 = vector.broadcast %broadcast_in_dim3A_257 : i32 to vector<16xi32>
          %add3A_259 = vector.broadcast %add3A_102 : i32 to vector<16xi32>
          %add3A_260 = arith.addi %broadcast_in_dim3A_258, %add3A_259 : vector<16xi32>
          %mul3A_261 = arith.constant 16 : i32
          %mul3A_262 = arith.muli %while3A_255, %mul3A_261 : i32
          %swap3A_263 = arith.index_cast %mul3A_262 : i32 to index
          %swap3A_264 = tpu.vector_load %arg14[%swap3A_263] {strides = array<i32>} : memref<512xi32, #tpu.memory_space<vmem>>, vector<16xi32>,
          tpu.vector_store %arg14[%swap3A_263], %add3A_260 {strides = array<i32>} : memref<512xi32, #tpu.memory_space<vmem>>, vector<16xi32>,
          %while3A_265 = arith.constant 0 : i32
          scf.yield %while3A_265 : i32
        }
        %while3A_248 = arith.constant 1 : i32
        %while3A_249 = scf.for %while3A_255 = %while3A_245 to %while3A_241 step %while3A_248 iter_args(%while3A_256 = %while3A_247) -> (i32)  : i32 {
          %broadcast_in_dim3A_257 = arith.constant 0 : i32
          %broadcast_in_dim3A_258 = vector.broadcast %broadcast_in_dim3A_257 : i32 to vector<16xi32>
          %add3A_259 = vector.broadcast %add3A_102 : i32 to vector<16xi32>
          %add3A_260 = arith.addi %broadcast_in_dim3A_258, %add3A_259 : vector<16xi32>
          %mul3A_261 = arith.constant 16 : i32
          %mul3A_262 = arith.muli %while3A_255, %mul3A_261 : i32
          %swap3A_263 = arith.index_cast %mul3A_262 : i32 to index
          %swap3A_264 = tpu.vector_load %arg14[%swap3A_263] {strides = array<i32>} : memref<512xi32, #tpu.memory_space<vmem>>, vector<16xi32>,
          tpu.vector_store %arg14[%swap3A_263], %add3A_260 {strides = array<i32>} : memref<512xi32, #tpu.memory_space<vmem>>, vector<16xi32>,
          %while3A_265 = arith.constant 0 : i32
          scf.yield %while3A_265 : i32
        }
        %dma_start3A = arith.constant 0 : i32
        %dma_start3A_250 = arith.constant 0 : i32
        %dma_start3A_251 = tpu.memref_slice %arg6[%dma_start3A, %dma_start3A_250] : memref<131104x32xf32, #tpu.memory_space<hbm>> -> memref<131104x32xf32, #tpu.memory_space<hbm>>
        tpu.enqueue_indirect_dma source(%arg13 : memref<512x32xf32, #tpu.memory_space<vmem>>) target(%dma_start3A_251 : memref<131104x32xf32, #tpu.memory_space<hbm>>) offsets(%arg14 : memref<512xi32, #tpu.memory_space<vmem>>) semaphore(%arg17 : memref<!tpu.dma_semaphore, #tpu.memory_space<semaphore_mem>>)
        %dma_wait3A = arith.constant 0 : i32
        %dma_wait3A_252 = arith.constant 0 : i32
        %dma_wait3A_253 = tpu.memref_slice %arg6[%dma_wait3A, %dma_wait3A_252] : memref<131104x32xf32, #tpu.memory_space<hbm>> -> memref<131104x32xf32, #tpu.memory_space<hbm>>
        tpu.wait_indirect_dma semaphore(%arg17 : memref<!tpu.dma_semaphore, #tpu.memory_space<semaphore_mem>>) src(%arg13 : memref<512x32xf32, #tpu.memory_space<vmem>>) dst(%dma_wait3A_253 : memref<131104x32xf32, #tpu.memory_space<hbm>>)
        %while3A_254 = arith.constant 0 : i32
        scf.yield %while3A_254 : i32
      }
      %while3A_212 = arith.constant 1 : i32
      %while3A_213 = scf.for %while3A_215 = %while3A_209 to %while3A_205 step %while3A_212 iter_args(%while3A_216 = %while3A_211) -> (i32)  : i32 {
        %mul3A_217 = arith.constant 512 : i32
        %mul3A_218 = arith.muli %while3A_215, %mul3A_217 : i32
        %sub3A_219 = arith.subi %reduce_max3A_179, %mul3A_218 : i32
        %add3A_220 = arith.constant 15 : i32
        %add3A_221 = arith.addi %sub3A_219, %add3A_220 : i32
        %shift_right_logical3A_222 = arith.constant 4 : i32
        %shift_right_logical3A_223 = arith.shrui %add3A_221, %shift_right_logical3A_222 : i32
        %min3A_224 = arith.constant 32 : i32
        %min3A_225 = arith.minsi %shift_right_logical3A_223, %min3A_224 : i32
        %while3A_226 = arith.constant 0 : i32
        %while3A_227 = arith.constant 0 : i32
        %while3A_228 = arith.subi %min3A_225, %while3A_226 : i32
        %while3A_229 = arith.addi %while3A_226, %while3A_228 : i32
        %while3A_230 = arith.constant 1 : i32
        %while3A_231 = arith.divsi %while3A_228, %while3A_230 : i32
        %while3A_232 = arith.muli %while3A_231, %while3A_230 : i32
        %while3A_233 = arith.addi %while3A_226, %while3A_232 : i32
        %while3A_234 = arith.constant 1 : i32
        %while3A_235 = scf.for %while3A_255 = %while3A_226 to %while3A_233 step %while3A_234 iter_args(%while3A_256 = %while3A_227) -> (i32)  : i32 {
          %mul3A_257 = arith.constant 32 : i32
          %mul3A_258 = arith.muli %while3A_215, %mul3A_257 : i32
          %add3A_259 = arith.addi %mul3A_258, %while3A_255 : i32
          %multiple_of3A = tpu.assume_multiple %reduce_max3A_194, 16 : i32
          %mul3A_260 = arith.constant 16 : i32
          %mul3A_261 = arith.muli %add3A_259, %mul3A_260 : i32
          %add3A_262 = arith.addi %multiple_of3A, %mul3A_261 : i32
          %get3A_263 = arith.index_cast %add3A_262 : i32 to index
          %get3A_264 = tpu.vector_load %arg8[%get3A_263] {strides = array<i32>} : memref<16896xi32, #tpu.memory_space<vmem>>, vector<16xi32>,
          %mul3A_265 = arith.constant 16 : i32
          %mul3A_266 = arith.muli %add3A_259, %mul3A_265 : i32
          %add3A_267 = vector.broadcast %mul3A_266 : i32 to vector<16xi32>
          %add3A_268 = arith.addi %iota3A, %add3A_267 : vector<16xi32>
          %lt3A_269 = arith.cmpi slt, %add3A_268, %gather3A_165 : vector<16xi32>
          %and3A_270 = arith.constant 32767 : i32
          %and3A_271 = vector.broadcast %and3A_270 : i32 to vector<16xi32>
          %and3A_272 = arith.andi %get3A_264, %and3A_271 : vector<16xi32>
          %shift_right_logical3A_273 = arith.constant 15 : i32
          %shift_right_logical3A_274 = vector.broadcast %shift_right_logical3A_273 : i32 to vector<16xi32>
          %shift_right_logical3A_275 = arith.shrui %get3A_264, %shift_right_logical3A_274 : vector<16xi32>
          %sub3A_276 = vector.broadcast %mul3A_196 : i32 to vector<16xi32>
          %sub3A_277 = arith.subi %and3A_272, %sub3A_276 : vector<16xi32>
          %shift_right_logical3A_278 = arith.constant 7 : i32
          %shift_right_logical3A_279 = vector.broadcast %shift_right_logical3A_278 : i32 to vector<16xi32>
          %shift_right_logical3A_280 = arith.shrui %sub3A_277, %shift_right_logical3A_279 : vector<16xi32>
          %mul3A_281 = arith.constant 1024 : i32
          %mul3A_282 = vector.broadcast %mul3A_281 : i32 to vector<16xi32>
          %mul3A_283 = arith.muli %shift_right_logical3A_280, %mul3A_282 : vector<16xi32>
          %and3A_284 = arith.constant 127 : i32
          %and3A_285 = vector.broadcast %and3A_284 : i32 to vector<16xi32>
          %and3A_286 = arith.andi %sub3A_277, %and3A_285 : vector<16xi32>
          %add3A_287 = arith.addi %mul3A_283, %and3A_286 : vector<16xi32>
          %and3A_288 = arith.constant 16383 : i32
          %and3A_289 = vector.broadcast %and3A_288 : i32 to vector<16xi32>
          %and3A_290 = arith.andi %add3A_287, %and3A_289 : vector<16xi32>
          %mul3A_291 = arith.constant 16 : i32
          %mul3A_292 = arith.muli %while3A_255, %mul3A_291 : i32
          %add3A_293 = vector.broadcast %mul3A_292 : i32 to vector<16xi32>
          %add3A_294 = arith.addi %iota3A, %add3A_293 : vector<16xi32>
          %add3A_295 = arith.constant 0 : i32
          %add3A_296 = vector.broadcast %add3A_295 : i32 to vector<16xi32>
          %add3A_297 = arith.addi %and3A_290, %add3A_296 : vector<16xi32>
          %gather3A_298 = tpu.vector_load_idx %arg12[%add3A_297] masked %lt3A_269 : memref<65536xf32, #tpu.memory_space<vmem>>[vector<16xi32>], vector<16xf32>, vector<16xi1>
          %broadcast_in_dim3A_299 = arith.constant 0 : i32
          %broadcast_in_dim3A_300 = vector.broadcast %broadcast_in_dim3A_299 : i32 to vector<16xi32>
          %add3A_301 = arith.constant 0 : i32
          %add3A_302 = vector.broadcast %add3A_301 : i32 to vector<16xi32>
          %add3A_303 = arith.addi %broadcast_in_dim3A_300, %add3A_302 : vector<16xi32>
          tpu.vector_store_idx %arg13[%add3A_294, %add3A_303], %gather3A_298 : memref<512x32xf32, #tpu.memory_space<vmem>>[vector<16xi32>, vector<16xi32>], vector<16xf32>,
          %add3A_304 = arith.constant 128 : i32
          %add3A_305 = vector.broadcast %add3A_304 : i32 to vector<16xi32>
          %add3A_306 = arith.addi %and3A_290, %add3A_305 : vector<16xi32>
          %gather3A_307 = tpu.vector_load_idx %arg12[%add3A_306] masked %lt3A_269 : memref<65536xf32, #tpu.memory_space<vmem>>[vector<16xi32>], vector<16xf32>, vector<16xi1>
          %broadcast_in_dim3A_308 = arith.constant 0 : i32
          %broadcast_in_dim3A_309 = vector.broadcast %broadcast_in_dim3A_308 : i32 to vector<16xi32>
          %add3A_310 = arith.constant 1 : i32
          %add3A_311 = vector.broadcast %add3A_310 : i32 to vector<16xi32>
          %add3A_312 = arith.addi %broadcast_in_dim3A_309, %add3A_311 : vector<16xi32>
          tpu.vector_store_idx %arg13[%add3A_294, %add3A_312], %gather3A_307 : memref<512x32xf32, #tpu.memory_space<vmem>>[vector<16xi32>, vector<16xi32>], vector<16xf32>,
          %add3A_313 = arith.constant 256 : i32
          %add3A_314 = vector.broadcast %add3A_313 : i32 to vector<16xi32>
          %add3A_315 = arith.addi %and3A_290, %add3A_314 : vector<16xi32>
          %gather3A_316 = tpu.vector_load_idx %arg12[%add3A_315] masked %lt3A_269 : memref<65536xf32, #tpu.memory_space<vmem>>[vector<16xi32>], vector<16xf32>, vector<16xi1>
          %broadcast_in_dim3A_317 = arith.constant 0 : i32
          %broadcast_in_dim3A_318 = vector.broadcast %broadcast_in_dim3A_317 : i32 to vector<16xi32>
          %add3A_319 = arith.constant 2 : i32
          %add3A_320 = vector.broadcast %add3A_319 : i32 to vector<16xi32>
          %add3A_321 = arith.addi %broadcast_in_dim3A_318, %add3A_320 : vector<16xi32>
          tpu.vector_store_idx %arg13[%add3A_294, %add3A_321], %gather3A_316 : memref<512x32xf32, #tpu.memory_space<vmem>>[vector<16xi32>, vector<16xi32>], vector<16xf32>,
          %add3A_322 = arith.constant 384 : i32
          %add3A_323 = vector.broadcast %add3A_322 : i32 to vector<16xi32>
          %add3A_324 = arith.addi %and3A_290, %add3A_323 : vector<16xi32>
          %gather3A_325 = tpu.vector_load_idx %arg12[%add3A_324] masked %lt3A_269 : memref<65536xf32, #tpu.memory_space<vmem>>[vector<16xi32>], vector<16xf32>, vector<16xi1>
          %broadcast_in_dim3A_326 = arith.constant 0 : i32
          %broadcast_in_dim3A_327 = vector.broadcast %broadcast_in_dim3A_326 : i32 to vector<16xi32>
          %add3A_328 = arith.constant 3 : i32
          %add3A_329 = vector.broadcast %add3A_328 : i32 to vector<16xi32>
          %add3A_330 = arith.addi %broadcast_in_dim3A_327, %add3A_329 : vector<16xi32>
          tpu.vector_store_idx %arg13[%add3A_294, %add3A_330], %gather3A_325 : memref<512x32xf32, #tpu.memory_space<vmem>>[vector<16xi32>, vector<16xi32>], vector<16xf32>,
          %add3A_331 = arith.constant 512 : i32
          %add3A_332 = vector.broadcast %add3A_331 : i32 to vector<16xi32>
          %add3A_333 = arith.addi %and3A_290, %add3A_332 : vector<16xi32>
          %gather3A_334 = tpu.vector_load_idx %arg12[%add3A_333] masked %lt3A_269 : memref<65536xf32, #tpu.memory_space<vmem>>[vector<16xi32>], vector<16xf32>, vector<16xi1>
          %broadcast_in_dim3A_335 = arith.constant 0 : i32
          %broadcast_in_dim3A_336 = vector.broadcast %broadcast_in_dim3A_335 : i32 to vector<16xi32>
          %add3A_337 = arith.constant 4 : i32
          %add3A_338 = vector.broadcast %add3A_337 : i32 to vector<16xi32>
          %add3A_339 = arith.addi %broadcast_in_dim3A_336, %add3A_338 : vector<16xi32>
          tpu.vector_store_idx %arg13[%add3A_294, %add3A_339], %gather3A_334 : memref<512x32xf32, #tpu.memory_space<vmem>>[vector<16xi32>, vector<16xi32>], vector<16xf32>,
          %add3A_340 = arith.constant 640 : i32
          %add3A_341 = vector.broadcast %add3A_340 : i32 to vector<16xi32>
          %add3A_342 = arith.addi %and3A_290, %add3A_341 : vector<16xi32>
          %gather3A_343 = tpu.vector_load_idx %arg12[%add3A_342] masked %lt3A_269 : memref<65536xf32, #tpu.memory_space<vmem>>[vector<16xi32>], vector<16xf32>, vector<16xi1>
          %broadcast_in_dim3A_344 = arith.constant 0 : i32
          %broadcast_in_dim3A_345 = vector.broadcast %broadcast_in_dim3A_344 : i32 to vector<16xi32>
          %add3A_346 = arith.constant 5 : i32
          %add3A_347 = vector.broadcast %add3A_346 : i32 to vector<16xi32>
          %add3A_348 = arith.addi %broadcast_in_dim3A_345, %add3A_347 : vector<16xi32>
          tpu.vector_store_idx %arg13[%add3A_294, %add3A_348], %gather3A_343 : memref<512x32xf32, #tpu.memory_space<vmem>>[vector<16xi32>, vector<16xi32>], vector<16xf32>,
          %add3A_349 = arith.constant 768 : i32
          %add3A_350 = vector.broadcast %add3A_349 : i32 to vector<16xi32>
          %add3A_351 = arith.addi %and3A_290, %add3A_350 : vector<16xi32>
          %gather3A_352 = tpu.vector_load_idx %arg12[%add3A_351] masked %lt3A_269 : memref<65536xf32, #tpu.memory_space<vmem>>[vector<16xi32>], vector<16xf32>, vector<16xi1>
          %broadcast_in_dim3A_353 = arith.constant 0 : i32
          %broadcast_in_dim3A_354 = vector.broadcast %broadcast_in_dim3A_353 : i32 to vector<16xi32>
          %add3A_355 = arith.constant 6 : i32
          %add3A_356 = vector.broadcast %add3A_355 : i32 to vector<16xi32>
          %add3A_357 = arith.addi %broadcast_in_dim3A_354, %add3A_356 : vector<16xi32>
          tpu.vector_store_idx %arg13[%add3A_294, %add3A_357], %gather3A_352 : memref<512x32xf32, #tpu.memory_space<vmem>>[vector<16xi32>, vector<16xi32>], vector<16xf32>,
          %add3A_358 = arith.constant 896 : i32
          %add3A_359 = vector.broadcast %add3A_358 : i32 to vector<16xi32>
          %add3A_360 = arith.addi %and3A_290, %add3A_359 : vector<16xi32>
          %gather3A_361 = tpu.vector_load_idx %arg12[%add3A_360] masked %lt3A_269 : memref<65536xf32, #tpu.memory_space<vmem>>[vector<16xi32>], vector<16xf32>, vector<16xi1>
          %broadcast_in_dim3A_362 = arith.constant 0 : i32
          %broadcast_in_dim3A_363 = vector.broadcast %broadcast_in_dim3A_362 : i32 to vector<16xi32>
          %add3A_364 = arith.constant 7 : i32
          %add3A_365 = vector.broadcast %add3A_364 : i32 to vector<16xi32>
          %add3A_366 = arith.addi %broadcast_in_dim3A_363, %add3A_365 : vector<16xi32>
          tpu.vector_store_idx %arg13[%add3A_294, %add3A_366], %gather3A_361 : memref<512x32xf32, #tpu.memory_space<vmem>>[vector<16xi32>, vector<16xi32>], vector<16xf32>,
          %add3A_367 = arith.constant 16384 : i32
          %add3A_368 = vector.broadcast %add3A_367 : i32 to vector<16xi32>
          %add3A_369 = arith.addi %and3A_290, %add3A_368 : vector<16xi32>
          %gather3A_370 = tpu.vector_load_idx %arg12[%add3A_369] masked %lt3A_269 : memref<65536xf32, #tpu.memory_space<vmem>>[vector<16xi32>], vector<16xf32>, vector<16xi1>
          %broadcast_in_dim3A_371 = arith.constant 0 : i32
          %broadcast_in_dim3A_372 = vector.broadcast %broadcast_in_dim3A_371 : i32 to vector<16xi32>
          %add3A_373 = arith.constant 8 : i32
          %add3A_374 = vector.broadcast %add3A_373 : i32 to vector<16xi32>
          %add3A_375 = arith.addi %broadcast_in_dim3A_372, %add3A_374 : vector<16xi32>
          tpu.vector_store_idx %arg13[%add3A_294, %add3A_375], %gather3A_370 : memref<512x32xf32, #tpu.memory_space<vmem>>[vector<16xi32>, vector<16xi32>], vector<16xf32>,
          %add3A_376 = arith.constant 16512 : i32
          %add3A_377 = vector.broadcast %add3A_376 : i32 to vector<16xi32>
          %add3A_378 = arith.addi %and3A_290, %add3A_377 : vector<16xi32>
          %gather3A_379 = tpu.vector_load_idx %arg12[%add3A_378] masked %lt3A_269 : memref<65536xf32, #tpu.memory_space<vmem>>[vector<16xi32>], vector<16xf32>, vector<16xi1>
          %broadcast_in_dim3A_380 = arith.constant 0 : i32
          %broadcast_in_dim3A_381 = vector.broadcast %broadcast_in_dim3A_380 : i32 to vector<16xi32>
          %add3A_382 = arith.constant 9 : i32
          %add3A_383 = vector.broadcast %add3A_382 : i32 to vector<16xi32>
          %add3A_384 = arith.addi %broadcast_in_dim3A_381, %add3A_383 : vector<16xi32>
          tpu.vector_store_idx %arg13[%add3A_294, %add3A_384], %gather3A_379 : memref<512x32xf32, #tpu.memory_space<vmem>>[vector<16xi32>, vector<16xi32>], vector<16xf32>,
          %add3A_385 = arith.constant 16640 : i32
          %add3A_386 = vector.broadcast %add3A_385 : i32 to vector<16xi32>
          %add3A_387 = arith.addi %and3A_290, %add3A_386 : vector<16xi32>
          %gather3A_388 = tpu.vector_load_idx %arg12[%add3A_387] masked %lt3A_269 : memref<65536xf32, #tpu.memory_space<vmem>>[vector<16xi32>], vector<16xf32>, vector<16xi1>
          %broadcast_in_dim3A_389 = arith.constant 0 : i32
          %broadcast_in_dim3A_390 = vector.broadcast %broadcast_in_dim3A_389 : i32 to vector<16xi32>
          %add3A_391 = arith.constant 10 : i32
          %add3A_392 = vector.broadcast %add3A_391 : i32 to vector<16xi32>
          %add3A_393 = arith.addi %broadcast_in_dim3A_390, %add3A_392 : vector<16xi32>
          tpu.vector_store_idx %arg13[%add3A_294, %add3A_393], %gather3A_388 : memref<512x32xf32, #tpu.memory_space<vmem>>[vector<16xi32>, vector<16xi32>], vector<16xf32>,
          %add3A_394 = arith.constant 16768 : i32
          %add3A_395 = vector.broadcast %add3A_394 : i32 to vector<16xi32>
          %add3A_396 = arith.addi %and3A_290, %add3A_395 : vector<16xi32>
          %gather3A_397 = tpu.vector_load_idx %arg12[%add3A_396] masked %lt3A_269 : memref<65536xf32, #tpu.memory_space<vmem>>[vector<16xi32>], vector<16xf32>, vector<16xi1>
          %broadcast_in_dim3A_398 = arith.constant 0 : i32
          %broadcast_in_dim3A_399 = vector.broadcast %broadcast_in_dim3A_398 : i32 to vector<16xi32>
          %add3A_400 = arith.constant 11 : i32
          %add3A_401 = vector.broadcast %add3A_400 : i32 to vector<16xi32>
          %add3A_402 = arith.addi %broadcast_in_dim3A_399, %add3A_401 : vector<16xi32>
          tpu.vector_store_idx %arg13[%add3A_294, %add3A_402], %gather3A_397 : memref<512x32xf32, #tpu.memory_space<vmem>>[vector<16xi32>, vector<16xi32>], vector<16xf32>,
          %add3A_403 = arith.constant 16896 : i32
          %add3A_404 = vector.broadcast %add3A_403 : i32 to vector<16xi32>
          %add3A_405 = arith.addi %and3A_290, %add3A_404 : vector<16xi32>
          %gather3A_406 = tpu.vector_load_idx %arg12[%add3A_405] masked %lt3A_269 : memref<65536xf32, #tpu.memory_space<vmem>>[vector<16xi32>], vector<16xf32>, vector<16xi1>
          %broadcast_in_dim3A_407 = arith.constant 0 : i32
          %broadcast_in_dim3A_408 = vector.broadcast %broadcast_in_dim3A_407 : i32 to vector<16xi32>
          %add3A_409 = arith.constant 12 : i32
          %add3A_410 = vector.broadcast %add3A_409 : i32 to vector<16xi32>
          %add3A_411 = arith.addi %broadcast_in_dim3A_408, %add3A_410 : vector<16xi32>
          tpu.vector_store_idx %arg13[%add3A_294, %add3A_411], %gather3A_406 : memref<512x32xf32, #tpu.memory_space<vmem>>[vector<16xi32>, vector<16xi32>], vector<16xf32>,
          %add3A_412 = arith.constant 17024 : i32
          %add3A_413 = vector.broadcast %add3A_412 : i32 to vector<16xi32>
          %add3A_414 = arith.addi %and3A_290, %add3A_413 : vector<16xi32>
          %gather3A_415 = tpu.vector_load_idx %arg12[%add3A_414] masked %lt3A_269 : memref<65536xf32, #tpu.memory_space<vmem>>[vector<16xi32>], vector<16xf32>, vector<16xi1>
          %broadcast_in_dim3A_416 = arith.constant 0 : i32
          %broadcast_in_dim3A_417 = vector.broadcast %broadcast_in_dim3A_416 : i32 to vector<16xi32>
          %add3A_418 = arith.constant 13 : i32
          %add3A_419 = vector.broadcast %add3A_418 : i32 to vector<16xi32>
          %add3A_420 = arith.addi %broadcast_in_dim3A_417, %add3A_419 : vector<16xi32>
          tpu.vector_store_idx %arg13[%add3A_294, %add3A_420], %gather3A_415 : memref<512x32xf32, #tpu.memory_space<vmem>>[vector<16xi32>, vector<16xi32>], vector<16xf32>,
          %add3A_421 = arith.constant 17152 : i32
          %add3A_422 = vector.broadcast %add3A_421 : i32 to vector<16xi32>
          %add3A_423 = arith.addi %and3A_290, %add3A_422 : vector<16xi32>
          %gather3A_424 = tpu.vector_load_idx %arg12[%add3A_423] masked %lt3A_269 : memref<65536xf32, #tpu.memory_space<vmem>>[vector<16xi32>], vector<16xf32>, vector<16xi1>
          %broadcast_in_dim3A_425 = arith.constant 0 : i32
          %broadcast_in_dim3A_426 = vector.broadcast %broadcast_in_dim3A_425 : i32 to vector<16xi32>
          %add3A_427 = arith.constant 14 : i32
          %add3A_428 = vector.broadcast %add3A_427 : i32 to vector<16xi32>
          %add3A_429 = arith.addi %broadcast_in_dim3A_426, %add3A_428 : vector<16xi32>
          tpu.vector_store_idx %arg13[%add3A_294, %add3A_429], %gather3A_424 : memref<512x32xf32, #tpu.memory_space<vmem>>[vector<16xi32>, vector<16xi32>], vector<16xf32>,
          %add3A_430 = arith.constant 17280 : i32
          %add3A_431 = vector.broadcast %add3A_430 : i32 to vector<16xi32>
          %add3A_432 = arith.addi %and3A_290, %add3A_431 : vector<16xi32>
          %gather3A_433 = tpu.vector_load_idx %arg12[%add3A_432] masked %lt3A_269 : memref<65536xf32, #tpu.memory_space<vmem>>[vector<16xi32>], vector<16xf32>, vector<16xi1>
          %broadcast_in_dim3A_434 = arith.constant 0 : i32
          %broadcast_in_dim3A_435 = vector.broadcast %broadcast_in_dim3A_434 : i32 to vector<16xi32>
          %add3A_436 = arith.constant 15 : i32
          %add3A_437 = vector.broadcast %add3A_436 : i32 to vector<16xi32>
          %add3A_438 = arith.addi %broadcast_in_dim3A_435, %add3A_437 : vector<16xi32>
          tpu.vector_store_idx %arg13[%add3A_294, %add3A_438], %gather3A_433 : memref<512x32xf32, #tpu.memory_space<vmem>>[vector<16xi32>, vector<16xi32>], vector<16xf32>,
          %add3A_439 = arith.constant 32768 : i32
          %add3A_440 = vector.broadcast %add3A_439 : i32 to vector<16xi32>
          %add3A_441 = arith.addi %and3A_290, %add3A_440 : vector<16xi32>
          %gather3A_442 = tpu.vector_load_idx %arg12[%add3A_441] masked %lt3A_269 : memref<65536xf32, #tpu.memory_space<vmem>>[vector<16xi32>], vector<16xf32>, vector<16xi1>
          %broadcast_in_dim3A_443 = arith.constant 0 : i32
          %broadcast_in_dim3A_444 = vector.broadcast %broadcast_in_dim3A_443 : i32 to vector<16xi32>
          %add3A_445 = arith.constant 16 : i32
          %add3A_446 = vector.broadcast %add3A_445 : i32 to vector<16xi32>
          %add3A_447 = arith.addi %broadcast_in_dim3A_444, %add3A_446 : vector<16xi32>
          tpu.vector_store_idx %arg13[%add3A_294, %add3A_447], %gather3A_442 : memref<512x32xf32, #tpu.memory_space<vmem>>[vector<16xi32>, vector<16xi32>], vector<16xf32>,
          %add3A_448 = arith.constant 32896 : i32
          %add3A_449 = vector.broadcast %add3A_448 : i32 to vector<16xi32>
          %add3A_450 = arith.addi %and3A_290, %add3A_449 : vector<16xi32>
          %gather3A_451 = tpu.vector_load_idx %arg12[%add3A_450] masked %lt3A_269 : memref<65536xf32, #tpu.memory_space<vmem>>[vector<16xi32>], vector<16xf32>, vector<16xi1>
          %broadcast_in_dim3A_452 = arith.constant 0 : i32
          %broadcast_in_dim3A_453 = vector.broadcast %broadcast_in_dim3A_452 : i32 to vector<16xi32>
          %add3A_454 = arith.constant 17 : i32
          %add3A_455 = vector.broadcast %add3A_454 : i32 to vector<16xi32>
          %add3A_456 = arith.addi %broadcast_in_dim3A_453, %add3A_455 : vector<16xi32>
          tpu.vector_store_idx %arg13[%add3A_294, %add3A_456], %gather3A_451 : memref<512x32xf32, #tpu.memory_space<vmem>>[vector<16xi32>, vector<16xi32>], vector<16xf32>,
          %add3A_457 = arith.constant 33024 : i32
          %add3A_458 = vector.broadcast %add3A_457 : i32 to vector<16xi32>
          %add3A_459 = arith.addi %and3A_290, %add3A_458 : vector<16xi32>
          %gather3A_460 = tpu.vector_load_idx %arg12[%add3A_459] masked %lt3A_269 : memref<65536xf32, #tpu.memory_space<vmem>>[vector<16xi32>], vector<16xf32>, vector<16xi1>
          %broadcast_in_dim3A_461 = arith.constant 0 : i32
          %broadcast_in_dim3A_462 = vector.broadcast %broadcast_in_dim3A_461 : i32 to vector<16xi32>
          %add3A_463 = arith.constant 18 : i32
          %add3A_464 = vector.broadcast %add3A_463 : i32 to vector<16xi32>
          %add3A_465 = arith.addi %broadcast_in_dim3A_462, %add3A_464 : vector<16xi32>
          tpu.vector_store_idx %arg13[%add3A_294, %add3A_465], %gather3A_460 : memref<512x32xf32, #tpu.memory_space<vmem>>[vector<16xi32>, vector<16xi32>], vector<16xf32>,
          %add3A_466 = arith.constant 33152 : i32
          %add3A_467 = vector.broadcast %add3A_466 : i32 to vector<16xi32>
          %add3A_468 = arith.addi %and3A_290, %add3A_467 : vector<16xi32>
          %gather3A_469 = tpu.vector_load_idx %arg12[%add3A_468] masked %lt3A_269 : memref<65536xf32, #tpu.memory_space<vmem>>[vector<16xi32>], vector<16xf32>, vector<16xi1>
          %broadcast_in_dim3A_470 = arith.constant 0 : i32
          %broadcast_in_dim3A_471 = vector.broadcast %broadcast_in_dim3A_470 : i32 to vector<16xi32>
          %add3A_472 = arith.constant 19 : i32
          %add3A_473 = vector.broadcast %add3A_472 : i32 to vector<16xi32>
          %add3A_474 = arith.addi %broadcast_in_dim3A_471, %add3A_473 : vector<16xi32>
          tpu.vector_store_idx %arg13[%add3A_294, %add3A_474], %gather3A_469 : memref<512x32xf32, #tpu.memory_space<vmem>>[vector<16xi32>, vector<16xi32>], vector<16xf32>,
          %add3A_475 = arith.constant 33280 : i32
          %add3A_476 = vector.broadcast %add3A_475 : i32 to vector<16xi32>
          %add3A_477 = arith.addi %and3A_290, %add3A_476 : vector<16xi32>
          %gather3A_478 = tpu.vector_load_idx %arg12[%add3A_477] masked %lt3A_269 : memref<65536xf32, #tpu.memory_space<vmem>>[vector<16xi32>], vector<16xf32>, vector<16xi1>
          %broadcast_in_dim3A_479 = arith.constant 0 : i32
          %broadcast_in_dim3A_480 = vector.broadcast %broadcast_in_dim3A_479 : i32 to vector<16xi32>
          %add3A_481 = arith.constant 20 : i32
          %add3A_482 = vector.broadcast %add3A_481 : i32 to vector<16xi32>
          %add3A_483 = arith.addi %broadcast_in_dim3A_480, %add3A_482 : vector<16xi32>
          tpu.vector_store_idx %arg13[%add3A_294, %add3A_483], %gather3A_478 : memref<512x32xf32, #tpu.memory_space<vmem>>[vector<16xi32>, vector<16xi32>], vector<16xf32>,
          %add3A_484 = arith.constant 33408 : i32
          %add3A_485 = vector.broadcast %add3A_484 : i32 to vector<16xi32>
          %add3A_486 = arith.addi %and3A_290, %add3A_485 : vector<16xi32>
          %gather3A_487 = tpu.vector_load_idx %arg12[%add3A_486] masked %lt3A_269 : memref<65536xf32, #tpu.memory_space<vmem>>[vector<16xi32>], vector<16xf32>, vector<16xi1>
          %broadcast_in_dim3A_488 = arith.constant 0 : i32
          %broadcast_in_dim3A_489 = vector.broadcast %broadcast_in_dim3A_488 : i32 to vector<16xi32>
          %add3A_490 = arith.constant 21 : i32
          %add3A_491 = vector.broadcast %add3A_490 : i32 to vector<16xi32>
          %add3A_492 = arith.addi %broadcast_in_dim3A_489, %add3A_491 : vector<16xi32>
          tpu.vector_store_idx %arg13[%add3A_294, %add3A_492], %gather3A_487 : memref<512x32xf32, #tpu.memory_space<vmem>>[vector<16xi32>, vector<16xi32>], vector<16xf32>,
          %add3A_493 = arith.constant 33536 : i32
          %add3A_494 = vector.broadcast %add3A_493 : i32 to vector<16xi32>
          %add3A_495 = arith.addi %and3A_290, %add3A_494 : vector<16xi32>
          %gather3A_496 = tpu.vector_load_idx %arg12[%add3A_495] masked %lt3A_269 : memref<65536xf32, #tpu.memory_space<vmem>>[vector<16xi32>], vector<16xf32>, vector<16xi1>
          %broadcast_in_dim3A_497 = arith.constant 0 : i32
          %broadcast_in_dim3A_498 = vector.broadcast %broadcast_in_dim3A_497 : i32 to vector<16xi32>
          %add3A_499 = arith.constant 22 : i32
          %add3A_500 = vector.broadcast %add3A_499 : i32 to vector<16xi32>
          %add3A_501 = arith.addi %broadcast_in_dim3A_498, %add3A_500 : vector<16xi32>
          tpu.vector_store_idx %arg13[%add3A_294, %add3A_501], %gather3A_496 : memref<512x32xf32, #tpu.memory_space<vmem>>[vector<16xi32>, vector<16xi32>], vector<16xf32>,
          %add3A_502 = arith.constant 33664 : i32
          %add3A_503 = vector.broadcast %add3A_502 : i32 to vector<16xi32>
          %add3A_504 = arith.addi %and3A_290, %add3A_503 : vector<16xi32>
          %gather3A_505 = tpu.vector_load_idx %arg12[%add3A_504] masked %lt3A_269 : memref<65536xf32, #tpu.memory_space<vmem>>[vector<16xi32>], vector<16xf32>, vector<16xi1>
          %broadcast_in_dim3A_506 = arith.constant 0 : i32
          %broadcast_in_dim3A_507 = vector.broadcast %broadcast_in_dim3A_506 : i32 to vector<16xi32>
          %add3A_508 = arith.constant 23 : i32
          %add3A_509 = vector.broadcast %add3A_508 : i32 to vector<16xi32>
          %add3A_510 = arith.addi %broadcast_in_dim3A_507, %add3A_509 : vector<16xi32>
          tpu.vector_store_idx %arg13[%add3A_294, %add3A_510], %gather3A_505 : memref<512x32xf32, #tpu.memory_space<vmem>>[vector<16xi32>, vector<16xi32>], vector<16xf32>,
          %add3A_511 = arith.constant 49152 : i32
          %add3A_512 = vector.broadcast %add3A_511 : i32 to vector<16xi32>
          %add3A_513 = arith.addi %and3A_290, %add3A_512 : vector<16xi32>
          %gather3A_514 = tpu.vector_load_idx %arg12[%add3A_513] masked %lt3A_269 : memref<65536xf32, #tpu.memory_space<vmem>>[vector<16xi32>], vector<16xf32>, vector<16xi1>
          %broadcast_in_dim3A_515 = arith.constant 0 : i32
          %broadcast_in_dim3A_516 = vector.broadcast %broadcast_in_dim3A_515 : i32 to vector<16xi32>
          %add3A_517 = arith.constant 24 : i32
          %add3A_518 = vector.broadcast %add3A_517 : i32 to vector<16xi32>
          %add3A_519 = arith.addi %broadcast_in_dim3A_516, %add3A_518 : vector<16xi32>
          tpu.vector_store_idx %arg13[%add3A_294, %add3A_519], %gather3A_514 : memref<512x32xf32, #tpu.memory_space<vmem>>[vector<16xi32>, vector<16xi32>], vector<16xf32>,
          %add3A_520 = arith.constant 49280 : i32
          %add3A_521 = vector.broadcast %add3A_520 : i32 to vector<16xi32>
          %add3A_522 = arith.addi %and3A_290, %add3A_521 : vector<16xi32>
          %gather3A_523 = tpu.vector_load_idx %arg12[%add3A_522] masked %lt3A_269 : memref<65536xf32, #tpu.memory_space<vmem>>[vector<16xi32>], vector<16xf32>, vector<16xi1>
          %broadcast_in_dim3A_524 = arith.constant 0 : i32
          %broadcast_in_dim3A_525 = vector.broadcast %broadcast_in_dim3A_524 : i32 to vector<16xi32>
          %add3A_526 = arith.constant 25 : i32
          %add3A_527 = vector.broadcast %add3A_526 : i32 to vector<16xi32>
          %add3A_528 = arith.addi %broadcast_in_dim3A_525, %add3A_527 : vector<16xi32>
          tpu.vector_store_idx %arg13[%add3A_294, %add3A_528], %gather3A_523 : memref<512x32xf32, #tpu.memory_space<vmem>>[vector<16xi32>, vector<16xi32>], vector<16xf32>,
          %add3A_529 = arith.constant 49408 : i32
          %add3A_530 = vector.broadcast %add3A_529 : i32 to vector<16xi32>
          %add3A_531 = arith.addi %and3A_290, %add3A_530 : vector<16xi32>
          %gather3A_532 = tpu.vector_load_idx %arg12[%add3A_531] masked %lt3A_269 : memref<65536xf32, #tpu.memory_space<vmem>>[vector<16xi32>], vector<16xf32>, vector<16xi1>
          %broadcast_in_dim3A_533 = arith.constant 0 : i32
          %broadcast_in_dim3A_534 = vector.broadcast %broadcast_in_dim3A_533 : i32 to vector<16xi32>
          %add3A_535 = arith.constant 26 : i32
          %add3A_536 = vector.broadcast %add3A_535 : i32 to vector<16xi32>
          %add3A_537 = arith.addi %broadcast_in_dim3A_534, %add3A_536 : vector<16xi32>
          tpu.vector_store_idx %arg13[%add3A_294, %add3A_537], %gather3A_532 : memref<512x32xf32, #tpu.memory_space<vmem>>[vector<16xi32>, vector<16xi32>], vector<16xf32>,
          %add3A_538 = arith.constant 49536 : i32
          %add3A_539 = vector.broadcast %add3A_538 : i32 to vector<16xi32>
          %add3A_540 = arith.addi %and3A_290, %add3A_539 : vector<16xi32>
          %gather3A_541 = tpu.vector_load_idx %arg12[%add3A_540] masked %lt3A_269 : memref<65536xf32, #tpu.memory_space<vmem>>[vector<16xi32>], vector<16xf32>, vector<16xi1>
          %broadcast_in_dim3A_542 = arith.constant 0 : i32
          %broadcast_in_dim3A_543 = vector.broadcast %broadcast_in_dim3A_542 : i32 to vector<16xi32>
          %add3A_544 = arith.constant 27 : i32
          %add3A_545 = vector.broadcast %add3A_544 : i32 to vector<16xi32>
          %add3A_546 = arith.addi %broadcast_in_dim3A_543, %add3A_545 : vector<16xi32>
          tpu.vector_store_idx %arg13[%add3A_294, %add3A_546], %gather3A_541 : memref<512x32xf32, #tpu.memory_space<vmem>>[vector<16xi32>, vector<16xi32>], vector<16xf32>,
          %add3A_547 = arith.constant 49664 : i32
          %add3A_548 = vector.broadcast %add3A_547 : i32 to vector<16xi32>
          %add3A_549 = arith.addi %and3A_290, %add3A_548 : vector<16xi32>
          %gather3A_550 = tpu.vector_load_idx %arg12[%add3A_549] masked %lt3A_269 : memref<65536xf32, #tpu.memory_space<vmem>>[vector<16xi32>], vector<16xf32>, vector<16xi1>
          %broadcast_in_dim3A_551 = arith.constant 0 : i32
          %broadcast_in_dim3A_552 = vector.broadcast %broadcast_in_dim3A_551 : i32 to vector<16xi32>
          %add3A_553 = arith.constant 28 : i32
          %add3A_554 = vector.broadcast %add3A_553 : i32 to vector<16xi32>
          %add3A_555 = arith.addi %broadcast_in_dim3A_552, %add3A_554 : vector<16xi32>
          tpu.vector_store_idx %arg13[%add3A_294, %add3A_555], %gather3A_550 : memref<512x32xf32, #tpu.memory_space<vmem>>[vector<16xi32>, vector<16xi32>], vector<16xf32>,
          %add3A_556 = arith.constant 49792 : i32
          %add3A_557 = vector.broadcast %add3A_556 : i32 to vector<16xi32>
          %add3A_558 = arith.addi %and3A_290, %add3A_557 : vector<16xi32>
          %gather3A_559 = tpu.vector_load_idx %arg12[%add3A_558] masked %lt3A_269 : memref<65536xf32, #tpu.memory_space<vmem>>[vector<16xi32>], vector<16xf32>, vector<16xi1>
          %broadcast_in_dim3A_560 = arith.constant 0 : i32
          %broadcast_in_dim3A_561 = vector.broadcast %broadcast_in_dim3A_560 : i32 to vector<16xi32>
          %add3A_562 = arith.constant 29 : i32
          %add3A_563 = vector.broadcast %add3A_562 : i32 to vector<16xi32>
          %add3A_564 = arith.addi %broadcast_in_dim3A_561, %add3A_563 : vector<16xi32>
          tpu.vector_store_idx %arg13[%add3A_294, %add3A_564], %gather3A_559 : memref<512x32xf32, #tpu.memory_space<vmem>>[vector<16xi32>, vector<16xi32>], vector<16xf32>,
          %add3A_565 = arith.constant 49920 : i32
          %add3A_566 = vector.broadcast %add3A_565 : i32 to vector<16xi32>
          %add3A_567 = arith.addi %and3A_290, %add3A_566 : vector<16xi32>
          %gather3A_568 = tpu.vector_load_idx %arg12[%add3A_567] masked %lt3A_269 : memref<65536xf32, #tpu.memory_space<vmem>>[vector<16xi32>], vector<16xf32>, vector<16xi1>
          %broadcast_in_dim3A_569 = arith.constant 0 : i32
          %broadcast_in_dim3A_570 = vector.broadcast %broadcast_in_dim3A_569 : i32 to vector<16xi32>
          %add3A_571 = arith.constant 30 : i32
          %add3A_572 = vector.broadcast %add3A_571 : i32 to vector<16xi32>
          %add3A_573 = arith.addi %broadcast_in_dim3A_570, %add3A_572 : vector<16xi32>
          tpu.vector_store_idx %arg13[%add3A_294, %add3A_573], %gather3A_568 : memref<512x32xf32, #tpu.memory_space<vmem>>[vector<16xi32>, vector<16xi32>], vector<16xf32>,
          %add3A_574 = arith.constant 50048 : i32
          %add3A_575 = vector.broadcast %add3A_574 : i32 to vector<16xi32>
          %add3A_576 = arith.addi %and3A_290, %add3A_575 : vector<16xi32>
          %gather3A_577 = tpu.vector_load_idx %arg12[%add3A_576] masked %lt3A_269 : memref<65536xf32, #tpu.memory_space<vmem>>[vector<16xi32>], vector<16xf32>, vector<16xi1>
          %broadcast_in_dim3A_578 = arith.constant 0 : i32
          %broadcast_in_dim3A_579 = vector.broadcast %broadcast_in_dim3A_578 : i32 to vector<16xi32>
          %add3A_580 = arith.constant 31 : i32
          %add3A_581 = vector.broadcast %add3A_580 : i32 to vector<16xi32>
          %add3A_582 = arith.addi %broadcast_in_dim3A_579, %add3A_581 : vector<16xi32>
          tpu.vector_store_idx %arg13[%add3A_294, %add3A_582], %gather3A_577 : memref<512x32xf32, #tpu.memory_space<vmem>>[vector<16xi32>, vector<16xi32>], vector<16xf32>,
          %mul3A_583 = arith.constant 16384 : i32
          %mul3A_584 = arith.muli %select_n3A, %mul3A_583 : i32
          %add3A_585 = vector.broadcast %mul3A_584 : i32 to vector<16xi32>
          %add3A_586 = arith.addi %add3A_585, %shift_right_logical3A_275 : vector<16xi32>
          %broadcast_in_dim3A_587 = vector.broadcast %add3A_102 : i32 to vector<16xi32>
          %select_n3A_588 = arith.select %lt3A_269, %add3A_586, %broadcast_in_dim3A_587 : vector<16xi1>, vector<16xi32>
          %mul3A_589 = arith.constant 16 : i32
          %mul3A_590 = arith.muli %while3A_255, %mul3A_589 : i32
          %swap3A_591 = arith.index_cast %mul3A_590 : i32 to index
          %swap3A_592 = tpu.vector_load %arg14[%swap3A_591] {strides = array<i32>} : memref<512xi32, #tpu.memory_space<vmem>>, vector<16xi32>,
          tpu.vector_store %arg14[%swap3A_591], %select_n3A_588 {strides = array<i32>} : memref<512xi32, #tpu.memory_space<vmem>>, vector<16xi32>,
          %while3A_593 = arith.constant 0 : i32
          scf.yield %while3A_593 : i32
        }
        %while3A_236 = arith.constant 1 : i32
        %while3A_237 = scf.for %while3A_255 = %while3A_233 to %while3A_229 step %while3A_236 iter_args(%while3A_256 = %while3A_235) -> (i32)  : i32 {
          %mul3A_257 = arith.constant 32 : i32
          %mul3A_258 = arith.muli %while3A_215, %mul3A_257 : i32
          %add3A_259 = arith.addi %mul3A_258, %while3A_255 : i32
          %multiple_of3A = tpu.assume_multiple %reduce_max3A_194, 16 : i32
          %mul3A_260 = arith.constant 16 : i32
          %mul3A_261 = arith.muli %add3A_259, %mul3A_260 : i32
          %add3A_262 = arith.addi %multiple_of3A, %mul3A_261 : i32
          %get3A_263 = arith.index_cast %add3A_262 : i32 to index
          %get3A_264 = tpu.vector_load %arg8[%get3A_263] {strides = array<i32>} : memref<16896xi32, #tpu.memory_space<vmem>>, vector<16xi32>,
          %mul3A_265 = arith.constant 16 : i32
          %mul3A_266 = arith.muli %add3A_259, %mul3A_265 : i32
          %add3A_267 = vector.broadcast %mul3A_266 : i32 to vector<16xi32>
          %add3A_268 = arith.addi %iota3A, %add3A_267 : vector<16xi32>
          %lt3A_269 = arith.cmpi slt, %add3A_268, %gather3A_165 : vector<16xi32>
          %and3A_270 = arith.constant 32767 : i32
          %and3A_271 = vector.broadcast %and3A_270 : i32 to vector<16xi32>
          %and3A_272 = arith.andi %get3A_264, %and3A_271 : vector<16xi32>
          %shift_right_logical3A_273 = arith.constant 15 : i32
          %shift_right_logical3A_274 = vector.broadcast %shift_right_logical3A_273 : i32 to vector<16xi32>
          %shift_right_logical3A_275 = arith.shrui %get3A_264, %shift_right_logical3A_274 : vector<16xi32>
          %sub3A_276 = vector.broadcast %mul3A_196 : i32 to vector<16xi32>
          %sub3A_277 = arith.subi %and3A_272, %sub3A_276 : vector<16xi32>
          %shift_right_logical3A_278 = arith.constant 7 : i32
          %shift_right_logical3A_279 = vector.broadcast %shift_right_logical3A_278 : i32 to vector<16xi32>
          %shift_right_logical3A_280 = arith.shrui %sub3A_277, %shift_right_logical3A_279 : vector<16xi32>
          %mul3A_281 = arith.constant 1024 : i32
          %mul3A_282 = vector.broadcast %mul3A_281 : i32 to vector<16xi32>
          %mul3A_283 = arith.muli %shift_right_logical3A_280, %mul3A_282 : vector<16xi32>
          %and3A_284 = arith.constant 127 : i32
          %and3A_285 = vector.broadcast %and3A_284 : i32 to vector<16xi32>
          %and3A_286 = arith.andi %sub3A_277, %and3A_285 : vector<16xi32>
          %add3A_287 = arith.addi %mul3A_283, %and3A_286 : vector<16xi32>
          %and3A_288 = arith.constant 16383 : i32
          %and3A_289 = vector.broadcast %and3A_288 : i32 to vector<16xi32>
          %and3A_290 = arith.andi %add3A_287, %and3A_289 : vector<16xi32>
          %mul3A_291 = arith.constant 16 : i32
          %mul3A_292 = arith.muli %while3A_255, %mul3A_291 : i32
          %add3A_293 = vector.broadcast %mul3A_292 : i32 to vector<16xi32>
          %add3A_294 = arith.addi %iota3A, %add3A_293 : vector<16xi32>
          %add3A_295 = arith.constant 0 : i32
          %add3A_296 = vector.broadcast %add3A_295 : i32 to vector<16xi32>
          %add3A_297 = arith.addi %and3A_290, %add3A_296 : vector<16xi32>
          %gather3A_298 = tpu.vector_load_idx %arg12[%add3A_297] masked %lt3A_269 : memref<65536xf32, #tpu.memory_space<vmem>>[vector<16xi32>], vector<16xf32>, vector<16xi1>
          %broadcast_in_dim3A_299 = arith.constant 0 : i32
          %broadcast_in_dim3A_300 = vector.broadcast %broadcast_in_dim3A_299 : i32 to vector<16xi32>
          %add3A_301 = arith.constant 0 : i32
          %add3A_302 = vector.broadcast %add3A_301 : i32 to vector<16xi32>
          %add3A_303 = arith.addi %broadcast_in_dim3A_300, %add3A_302 : vector<16xi32>
          tpu.vector_store_idx %arg13[%add3A_294, %add3A_303], %gather3A_298 : memref<512x32xf32, #tpu.memory_space<vmem>>[vector<16xi32>, vector<16xi32>], vector<16xf32>,
          %add3A_304 = arith.constant 128 : i32
          %add3A_305 = vector.broadcast %add3A_304 : i32 to vector<16xi32>
          %add3A_306 = arith.addi %and3A_290, %add3A_305 : vector<16xi32>
          %gather3A_307 = tpu.vector_load_idx %arg12[%add3A_306] masked %lt3A_269 : memref<65536xf32, #tpu.memory_space<vmem>>[vector<16xi32>], vector<16xf32>, vector<16xi1>
          %broadcast_in_dim3A_308 = arith.constant 0 : i32
          %broadcast_in_dim3A_309 = vector.broadcast %broadcast_in_dim3A_308 : i32 to vector<16xi32>
          %add3A_310 = arith.constant 1 : i32
          %add3A_311 = vector.broadcast %add3A_310 : i32 to vector<16xi32>
          %add3A_312 = arith.addi %broadcast_in_dim3A_309, %add3A_311 : vector<16xi32>
          tpu.vector_store_idx %arg13[%add3A_294, %add3A_312], %gather3A_307 : memref<512x32xf32, #tpu.memory_space<vmem>>[vector<16xi32>, vector<16xi32>], vector<16xf32>,
          %add3A_313 = arith.constant 256 : i32
          %add3A_314 = vector.broadcast %add3A_313 : i32 to vector<16xi32>
          %add3A_315 = arith.addi %and3A_290, %add3A_314 : vector<16xi32>
          %gather3A_316 = tpu.vector_load_idx %arg12[%add3A_315] masked %lt3A_269 : memref<65536xf32, #tpu.memory_space<vmem>>[vector<16xi32>], vector<16xf32>, vector<16xi1>
          %broadcast_in_dim3A_317 = arith.constant 0 : i32
          %broadcast_in_dim3A_318 = vector.broadcast %broadcast_in_dim3A_317 : i32 to vector<16xi32>
          %add3A_319 = arith.constant 2 : i32
          %add3A_320 = vector.broadcast %add3A_319 : i32 to vector<16xi32>
          %add3A_321 = arith.addi %broadcast_in_dim3A_318, %add3A_320 : vector<16xi32>
          tpu.vector_store_idx %arg13[%add3A_294, %add3A_321], %gather3A_316 : memref<512x32xf32, #tpu.memory_space<vmem>>[vector<16xi32>, vector<16xi32>], vector<16xf32>,
          %add3A_322 = arith.constant 384 : i32
          %add3A_323 = vector.broadcast %add3A_322 : i32 to vector<16xi32>
          %add3A_324 = arith.addi %and3A_290, %add3A_323 : vector<16xi32>
          %gather3A_325 = tpu.vector_load_idx %arg12[%add3A_324] masked %lt3A_269 : memref<65536xf32, #tpu.memory_space<vmem>>[vector<16xi32>], vector<16xf32>, vector<16xi1>
          %broadcast_in_dim3A_326 = arith.constant 0 : i32
          %broadcast_in_dim3A_327 = vector.broadcast %broadcast_in_dim3A_326 : i32 to vector<16xi32>
          %add3A_328 = arith.constant 3 : i32
          %add3A_329 = vector.broadcast %add3A_328 : i32 to vector<16xi32>
          %add3A_330 = arith.addi %broadcast_in_dim3A_327, %add3A_329 : vector<16xi32>
          tpu.vector_store_idx %arg13[%add3A_294, %add3A_330], %gather3A_325 : memref<512x32xf32, #tpu.memory_space<vmem>>[vector<16xi32>, vector<16xi32>], vector<16xf32>,
          %add3A_331 = arith.constant 512 : i32
          %add3A_332 = vector.broadcast %add3A_331 : i32 to vector<16xi32>
          %add3A_333 = arith.addi %and3A_290, %add3A_332 : vector<16xi32>
          %gather3A_334 = tpu.vector_load_idx %arg12[%add3A_333] masked %lt3A_269 : memref<65536xf32, #tpu.memory_space<vmem>>[vector<16xi32>], vector<16xf32>, vector<16xi1>
          %broadcast_in_dim3A_335 = arith.constant 0 : i32
          %broadcast_in_dim3A_336 = vector.broadcast %broadcast_in_dim3A_335 : i32 to vector<16xi32>
          %add3A_337 = arith.constant 4 : i32
          %add3A_338 = vector.broadcast %add3A_337 : i32 to vector<16xi32>
          %add3A_339 = arith.addi %broadcast_in_dim3A_336, %add3A_338 : vector<16xi32>
          tpu.vector_store_idx %arg13[%add3A_294, %add3A_339], %gather3A_334 : memref<512x32xf32, #tpu.memory_space<vmem>>[vector<16xi32>, vector<16xi32>], vector<16xf32>,
          %add3A_340 = arith.constant 640 : i32
          %add3A_341 = vector.broadcast %add3A_340 : i32 to vector<16xi32>
          %add3A_342 = arith.addi %and3A_290, %add3A_341 : vector<16xi32>
          %gather3A_343 = tpu.vector_load_idx %arg12[%add3A_342] masked %lt3A_269 : memref<65536xf32, #tpu.memory_space<vmem>>[vector<16xi32>], vector<16xf32>, vector<16xi1>
          %broadcast_in_dim3A_344 = arith.constant 0 : i32
          %broadcast_in_dim3A_345 = vector.broadcast %broadcast_in_dim3A_344 : i32 to vector<16xi32>
          %add3A_346 = arith.constant 5 : i32
          %add3A_347 = vector.broadcast %add3A_346 : i32 to vector<16xi32>
          %add3A_348 = arith.addi %broadcast_in_dim3A_345, %add3A_347 : vector<16xi32>
          tpu.vector_store_idx %arg13[%add3A_294, %add3A_348], %gather3A_343 : memref<512x32xf32, #tpu.memory_space<vmem>>[vector<16xi32>, vector<16xi32>], vector<16xf32>,
          %add3A_349 = arith.constant 768 : i32
          %add3A_350 = vector.broadcast %add3A_349 : i32 to vector<16xi32>
          %add3A_351 = arith.addi %and3A_290, %add3A_350 : vector<16xi32>
          %gather3A_352 = tpu.vector_load_idx %arg12[%add3A_351] masked %lt3A_269 : memref<65536xf32, #tpu.memory_space<vmem>>[vector<16xi32>], vector<16xf32>, vector<16xi1>
          %broadcast_in_dim3A_353 = arith.constant 0 : i32
          %broadcast_in_dim3A_354 = vector.broadcast %broadcast_in_dim3A_353 : i32 to vector<16xi32>
          %add3A_355 = arith.constant 6 : i32
          %add3A_356 = vector.broadcast %add3A_355 : i32 to vector<16xi32>
          %add3A_357 = arith.addi %broadcast_in_dim3A_354, %add3A_356 : vector<16xi32>
          tpu.vector_store_idx %arg13[%add3A_294, %add3A_357], %gather3A_352 : memref<512x32xf32, #tpu.memory_space<vmem>>[vector<16xi32>, vector<16xi32>], vector<16xf32>,
          %add3A_358 = arith.constant 896 : i32
          %add3A_359 = vector.broadcast %add3A_358 : i32 to vector<16xi32>
          %add3A_360 = arith.addi %and3A_290, %add3A_359 : vector<16xi32>
          %gather3A_361 = tpu.vector_load_idx %arg12[%add3A_360] masked %lt3A_269 : memref<65536xf32, #tpu.memory_space<vmem>>[vector<16xi32>], vector<16xf32>, vector<16xi1>
          %broadcast_in_dim3A_362 = arith.constant 0 : i32
          %broadcast_in_dim3A_363 = vector.broadcast %broadcast_in_dim3A_362 : i32 to vector<16xi32>
          %add3A_364 = arith.constant 7 : i32
          %add3A_365 = vector.broadcast %add3A_364 : i32 to vector<16xi32>
          %add3A_366 = arith.addi %broadcast_in_dim3A_363, %add3A_365 : vector<16xi32>
          tpu.vector_store_idx %arg13[%add3A_294, %add3A_366], %gather3A_361 : memref<512x32xf32, #tpu.memory_space<vmem>>[vector<16xi32>, vector<16xi32>], vector<16xf32>,
          %add3A_367 = arith.constant 16384 : i32
          %add3A_368 = vector.broadcast %add3A_367 : i32 to vector<16xi32>
          %add3A_369 = arith.addi %and3A_290, %add3A_368 : vector<16xi32>
          %gather3A_370 = tpu.vector_load_idx %arg12[%add3A_369] masked %lt3A_269 : memref<65536xf32, #tpu.memory_space<vmem>>[vector<16xi32>], vector<16xf32>, vector<16xi1>
          %broadcast_in_dim3A_371 = arith.constant 0 : i32
          %broadcast_in_dim3A_372 = vector.broadcast %broadcast_in_dim3A_371 : i32 to vector<16xi32>
          %add3A_373 = arith.constant 8 : i32
          %add3A_374 = vector.broadcast %add3A_373 : i32 to vector<16xi32>
          %add3A_375 = arith.addi %broadcast_in_dim3A_372, %add3A_374 : vector<16xi32>
          tpu.vector_store_idx %arg13[%add3A_294, %add3A_375], %gather3A_370 : memref<512x32xf32, #tpu.memory_space<vmem>>[vector<16xi32>, vector<16xi32>], vector<16xf32>,
          %add3A_376 = arith.constant 16512 : i32
          %add3A_377 = vector.broadcast %add3A_376 : i32 to vector<16xi32>
          %add3A_378 = arith.addi %and3A_290, %add3A_377 : vector<16xi32>
          %gather3A_379 = tpu.vector_load_idx %arg12[%add3A_378] masked %lt3A_269 : memref<65536xf32, #tpu.memory_space<vmem>>[vector<16xi32>], vector<16xf32>, vector<16xi1>
          %broadcast_in_dim3A_380 = arith.constant 0 : i32
          %broadcast_in_dim3A_381 = vector.broadcast %broadcast_in_dim3A_380 : i32 to vector<16xi32>
          %add3A_382 = arith.constant 9 : i32
          %add3A_383 = vector.broadcast %add3A_382 : i32 to vector<16xi32>
          %add3A_384 = arith.addi %broadcast_in_dim3A_381, %add3A_383 : vector<16xi32>
          tpu.vector_store_idx %arg13[%add3A_294, %add3A_384], %gather3A_379 : memref<512x32xf32, #tpu.memory_space<vmem>>[vector<16xi32>, vector<16xi32>], vector<16xf32>,
          %add3A_385 = arith.constant 16640 : i32
          %add3A_386 = vector.broadcast %add3A_385 : i32 to vector<16xi32>
          %add3A_387 = arith.addi %and3A_290, %add3A_386 : vector<16xi32>
          %gather3A_388 = tpu.vector_load_idx %arg12[%add3A_387] masked %lt3A_269 : memref<65536xf32, #tpu.memory_space<vmem>>[vector<16xi32>], vector<16xf32>, vector<16xi1>
          %broadcast_in_dim3A_389 = arith.constant 0 : i32
          %broadcast_in_dim3A_390 = vector.broadcast %broadcast_in_dim3A_389 : i32 to vector<16xi32>
          %add3A_391 = arith.constant 10 : i32
          %add3A_392 = vector.broadcast %add3A_391 : i32 to vector<16xi32>
          %add3A_393 = arith.addi %broadcast_in_dim3A_390, %add3A_392 : vector<16xi32>
          tpu.vector_store_idx %arg13[%add3A_294, %add3A_393], %gather3A_388 : memref<512x32xf32, #tpu.memory_space<vmem>>[vector<16xi32>, vector<16xi32>], vector<16xf32>,
          %add3A_394 = arith.constant 16768 : i32
          %add3A_395 = vector.broadcast %add3A_394 : i32 to vector<16xi32>
          %add3A_396 = arith.addi %and3A_290, %add3A_395 : vector<16xi32>
          %gather3A_397 = tpu.vector_load_idx %arg12[%add3A_396] masked %lt3A_269 : memref<65536xf32, #tpu.memory_space<vmem>>[vector<16xi32>], vector<16xf32>, vector<16xi1>
          %broadcast_in_dim3A_398 = arith.constant 0 : i32
          %broadcast_in_dim3A_399 = vector.broadcast %broadcast_in_dim3A_398 : i32 to vector<16xi32>
          %add3A_400 = arith.constant 11 : i32
          %add3A_401 = vector.broadcast %add3A_400 : i32 to vector<16xi32>
          %add3A_402 = arith.addi %broadcast_in_dim3A_399, %add3A_401 : vector<16xi32>
          tpu.vector_store_idx %arg13[%add3A_294, %add3A_402], %gather3A_397 : memref<512x32xf32, #tpu.memory_space<vmem>>[vector<16xi32>, vector<16xi32>], vector<16xf32>,
          %add3A_403 = arith.constant 16896 : i32
          %add3A_404 = vector.broadcast %add3A_403 : i32 to vector<16xi32>
          %add3A_405 = arith.addi %and3A_290, %add3A_404 : vector<16xi32>
          %gather3A_406 = tpu.vector_load_idx %arg12[%add3A_405] masked %lt3A_269 : memref<65536xf32, #tpu.memory_space<vmem>>[vector<16xi32>], vector<16xf32>, vector<16xi1>
          %broadcast_in_dim3A_407 = arith.constant 0 : i32
          %broadcast_in_dim3A_408 = vector.broadcast %broadcast_in_dim3A_407 : i32 to vector<16xi32>
          %add3A_409 = arith.constant 12 : i32
          %add3A_410 = vector.broadcast %add3A_409 : i32 to vector<16xi32>
          %add3A_411 = arith.addi %broadcast_in_dim3A_408, %add3A_410 : vector<16xi32>
          tpu.vector_store_idx %arg13[%add3A_294, %add3A_411], %gather3A_406 : memref<512x32xf32, #tpu.memory_space<vmem>>[vector<16xi32>, vector<16xi32>], vector<16xf32>,
          %add3A_412 = arith.constant 17024 : i32
          %add3A_413 = vector.broadcast %add3A_412 : i32 to vector<16xi32>
          %add3A_414 = arith.addi %and3A_290, %add3A_413 : vector<16xi32>
          %gather3A_415 = tpu.vector_load_idx %arg12[%add3A_414] masked %lt3A_269 : memref<65536xf32, #tpu.memory_space<vmem>>[vector<16xi32>], vector<16xf32>, vector<16xi1>
          %broadcast_in_dim3A_416 = arith.constant 0 : i32
          %broadcast_in_dim3A_417 = vector.broadcast %broadcast_in_dim3A_416 : i32 to vector<16xi32>
          %add3A_418 = arith.constant 13 : i32
          %add3A_419 = vector.broadcast %add3A_418 : i32 to vector<16xi32>
          %add3A_420 = arith.addi %broadcast_in_dim3A_417, %add3A_419 : vector<16xi32>
          tpu.vector_store_idx %arg13[%add3A_294, %add3A_420], %gather3A_415 : memref<512x32xf32, #tpu.memory_space<vmem>>[vector<16xi32>, vector<16xi32>], vector<16xf32>,
          %add3A_421 = arith.constant 17152 : i32
          %add3A_422 = vector.broadcast %add3A_421 : i32 to vector<16xi32>
          %add3A_423 = arith.addi %and3A_290, %add3A_422 : vector<16xi32>
          %gather3A_424 = tpu.vector_load_idx %arg12[%add3A_423] masked %lt3A_269 : memref<65536xf32, #tpu.memory_space<vmem>>[vector<16xi32>], vector<16xf32>, vector<16xi1>
          %broadcast_in_dim3A_425 = arith.constant 0 : i32
          %broadcast_in_dim3A_426 = vector.broadcast %broadcast_in_dim3A_425 : i32 to vector<16xi32>
          %add3A_427 = arith.constant 14 : i32
          %add3A_428 = vector.broadcast %add3A_427 : i32 to vector<16xi32>
          %add3A_429 = arith.addi %broadcast_in_dim3A_426, %add3A_428 : vector<16xi32>
          tpu.vector_store_idx %arg13[%add3A_294, %add3A_429], %gather3A_424 : memref<512x32xf32, #tpu.memory_space<vmem>>[vector<16xi32>, vector<16xi32>], vector<16xf32>,
          %add3A_430 = arith.constant 17280 : i32
          %add3A_431 = vector.broadcast %add3A_430 : i32 to vector<16xi32>
          %add3A_432 = arith.addi %and3A_290, %add3A_431 : vector<16xi32>
          %gather3A_433 = tpu.vector_load_idx %arg12[%add3A_432] masked %lt3A_269 : memref<65536xf32, #tpu.memory_space<vmem>>[vector<16xi32>], vector<16xf32>, vector<16xi1>
          %broadcast_in_dim3A_434 = arith.constant 0 : i32
          %broadcast_in_dim3A_435 = vector.broadcast %broadcast_in_dim3A_434 : i32 to vector<16xi32>
          %add3A_436 = arith.constant 15 : i32
          %add3A_437 = vector.broadcast %add3A_436 : i32 to vector<16xi32>
          %add3A_438 = arith.addi %broadcast_in_dim3A_435, %add3A_437 : vector<16xi32>
          tpu.vector_store_idx %arg13[%add3A_294, %add3A_438], %gather3A_433 : memref<512x32xf32, #tpu.memory_space<vmem>>[vector<16xi32>, vector<16xi32>], vector<16xf32>,
          %add3A_439 = arith.constant 32768 : i32
          %add3A_440 = vector.broadcast %add3A_439 : i32 to vector<16xi32>
          %add3A_441 = arith.addi %and3A_290, %add3A_440 : vector<16xi32>
          %gather3A_442 = tpu.vector_load_idx %arg12[%add3A_441] masked %lt3A_269 : memref<65536xf32, #tpu.memory_space<vmem>>[vector<16xi32>], vector<16xf32>, vector<16xi1>
          %broadcast_in_dim3A_443 = arith.constant 0 : i32
          %broadcast_in_dim3A_444 = vector.broadcast %broadcast_in_dim3A_443 : i32 to vector<16xi32>
          %add3A_445 = arith.constant 16 : i32
          %add3A_446 = vector.broadcast %add3A_445 : i32 to vector<16xi32>
          %add3A_447 = arith.addi %broadcast_in_dim3A_444, %add3A_446 : vector<16xi32>
          tpu.vector_store_idx %arg13[%add3A_294, %add3A_447], %gather3A_442 : memref<512x32xf32, #tpu.memory_space<vmem>>[vector<16xi32>, vector<16xi32>], vector<16xf32>,
          %add3A_448 = arith.constant 32896 : i32
          %add3A_449 = vector.broadcast %add3A_448 : i32 to vector<16xi32>
          %add3A_450 = arith.addi %and3A_290, %add3A_449 : vector<16xi32>
          %gather3A_451 = tpu.vector_load_idx %arg12[%add3A_450] masked %lt3A_269 : memref<65536xf32, #tpu.memory_space<vmem>>[vector<16xi32>], vector<16xf32>, vector<16xi1>
          %broadcast_in_dim3A_452 = arith.constant 0 : i32
          %broadcast_in_dim3A_453 = vector.broadcast %broadcast_in_dim3A_452 : i32 to vector<16xi32>
          %add3A_454 = arith.constant 17 : i32
          %add3A_455 = vector.broadcast %add3A_454 : i32 to vector<16xi32>
          %add3A_456 = arith.addi %broadcast_in_dim3A_453, %add3A_455 : vector<16xi32>
          tpu.vector_store_idx %arg13[%add3A_294, %add3A_456], %gather3A_451 : memref<512x32xf32, #tpu.memory_space<vmem>>[vector<16xi32>, vector<16xi32>], vector<16xf32>,
          %add3A_457 = arith.constant 33024 : i32
          %add3A_458 = vector.broadcast %add3A_457 : i32 to vector<16xi32>
          %add3A_459 = arith.addi %and3A_290, %add3A_458 : vector<16xi32>
          %gather3A_460 = tpu.vector_load_idx %arg12[%add3A_459] masked %lt3A_269 : memref<65536xf32, #tpu.memory_space<vmem>>[vector<16xi32>], vector<16xf32>, vector<16xi1>
          %broadcast_in_dim3A_461 = arith.constant 0 : i32
          %broadcast_in_dim3A_462 = vector.broadcast %broadcast_in_dim3A_461 : i32 to vector<16xi32>
          %add3A_463 = arith.constant 18 : i32
          %add3A_464 = vector.broadcast %add3A_463 : i32 to vector<16xi32>
          %add3A_465 = arith.addi %broadcast_in_dim3A_462, %add3A_464 : vector<16xi32>
          tpu.vector_store_idx %arg13[%add3A_294, %add3A_465], %gather3A_460 : memref<512x32xf32, #tpu.memory_space<vmem>>[vector<16xi32>, vector<16xi32>], vector<16xf32>,
          %add3A_466 = arith.constant 33152 : i32
          %add3A_467 = vector.broadcast %add3A_466 : i32 to vector<16xi32>
          %add3A_468 = arith.addi %and3A_290, %add3A_467 : vector<16xi32>
          %gather3A_469 = tpu.vector_load_idx %arg12[%add3A_468] masked %lt3A_269 : memref<65536xf32, #tpu.memory_space<vmem>>[vector<16xi32>], vector<16xf32>, vector<16xi1>
          %broadcast_in_dim3A_470 = arith.constant 0 : i32
          %broadcast_in_dim3A_471 = vector.broadcast %broadcast_in_dim3A_470 : i32 to vector<16xi32>
          %add3A_472 = arith.constant 19 : i32
          %add3A_473 = vector.broadcast %add3A_472 : i32 to vector<16xi32>
          %add3A_474 = arith.addi %broadcast_in_dim3A_471, %add3A_473 : vector<16xi32>
          tpu.vector_store_idx %arg13[%add3A_294, %add3A_474], %gather3A_469 : memref<512x32xf32, #tpu.memory_space<vmem>>[vector<16xi32>, vector<16xi32>], vector<16xf32>,
          %add3A_475 = arith.constant 33280 : i32
          %add3A_476 = vector.broadcast %add3A_475 : i32 to vector<16xi32>
          %add3A_477 = arith.addi %and3A_290, %add3A_476 : vector<16xi32>
          %gather3A_478 = tpu.vector_load_idx %arg12[%add3A_477] masked %lt3A_269 : memref<65536xf32, #tpu.memory_space<vmem>>[vector<16xi32>], vector<16xf32>, vector<16xi1>
          %broadcast_in_dim3A_479 = arith.constant 0 : i32
          %broadcast_in_dim3A_480 = vector.broadcast %broadcast_in_dim3A_479 : i32 to vector<16xi32>
          %add3A_481 = arith.constant 20 : i32
          %add3A_482 = vector.broadcast %add3A_481 : i32 to vector<16xi32>
          %add3A_483 = arith.addi %broadcast_in_dim3A_480, %add3A_482 : vector<16xi32>
          tpu.vector_store_idx %arg13[%add3A_294, %add3A_483], %gather3A_478 : memref<512x32xf32, #tpu.memory_space<vmem>>[vector<16xi32>, vector<16xi32>], vector<16xf32>,
          %add3A_484 = arith.constant 33408 : i32
          %add3A_485 = vector.broadcast %add3A_484 : i32 to vector<16xi32>
          %add3A_486 = arith.addi %and3A_290, %add3A_485 : vector<16xi32>
          %gather3A_487 = tpu.vector_load_idx %arg12[%add3A_486] masked %lt3A_269 : memref<65536xf32, #tpu.memory_space<vmem>>[vector<16xi32>], vector<16xf32>, vector<16xi1>
          %broadcast_in_dim3A_488 = arith.constant 0 : i32
          %broadcast_in_dim3A_489 = vector.broadcast %broadcast_in_dim3A_488 : i32 to vector<16xi32>
          %add3A_490 = arith.constant 21 : i32
          %add3A_491 = vector.broadcast %add3A_490 : i32 to vector<16xi32>
          %add3A_492 = arith.addi %broadcast_in_dim3A_489, %add3A_491 : vector<16xi32>
          tpu.vector_store_idx %arg13[%add3A_294, %add3A_492], %gather3A_487 : memref<512x32xf32, #tpu.memory_space<vmem>>[vector<16xi32>, vector<16xi32>], vector<16xf32>,
          %add3A_493 = arith.constant 33536 : i32
          %add3A_494 = vector.broadcast %add3A_493 : i32 to vector<16xi32>
          %add3A_495 = arith.addi %and3A_290, %add3A_494 : vector<16xi32>
          %gather3A_496 = tpu.vector_load_idx %arg12[%add3A_495] masked %lt3A_269 : memref<65536xf32, #tpu.memory_space<vmem>>[vector<16xi32>], vector<16xf32>, vector<16xi1>
          %broadcast_in_dim3A_497 = arith.constant 0 : i32
          %broadcast_in_dim3A_498 = vector.broadcast %broadcast_in_dim3A_497 : i32 to vector<16xi32>
          %add3A_499 = arith.constant 22 : i32
          %add3A_500 = vector.broadcast %add3A_499 : i32 to vector<16xi32>
          %add3A_501 = arith.addi %broadcast_in_dim3A_498, %add3A_500 : vector<16xi32>
          tpu.vector_store_idx %arg13[%add3A_294, %add3A_501], %gather3A_496 : memref<512x32xf32, #tpu.memory_space<vmem>>[vector<16xi32>, vector<16xi32>], vector<16xf32>,
          %add3A_502 = arith.constant 33664 : i32
          %add3A_503 = vector.broadcast %add3A_502 : i32 to vector<16xi32>
          %add3A_504 = arith.addi %and3A_290, %add3A_503 : vector<16xi32>
          %gather3A_505 = tpu.vector_load_idx %arg12[%add3A_504] masked %lt3A_269 : memref<65536xf32, #tpu.memory_space<vmem>>[vector<16xi32>], vector<16xf32>, vector<16xi1>
          %broadcast_in_dim3A_506 = arith.constant 0 : i32
          %broadcast_in_dim3A_507 = vector.broadcast %broadcast_in_dim3A_506 : i32 to vector<16xi32>
          %add3A_508 = arith.constant 23 : i32
          %add3A_509 = vector.broadcast %add3A_508 : i32 to vector<16xi32>
          %add3A_510 = arith.addi %broadcast_in_dim3A_507, %add3A_509 : vector<16xi32>
          tpu.vector_store_idx %arg13[%add3A_294, %add3A_510], %gather3A_505 : memref<512x32xf32, #tpu.memory_space<vmem>>[vector<16xi32>, vector<16xi32>], vector<16xf32>,
          %add3A_511 = arith.constant 49152 : i32
          %add3A_512 = vector.broadcast %add3A_511 : i32 to vector<16xi32>
          %add3A_513 = arith.addi %and3A_290, %add3A_512 : vector<16xi32>
          %gather3A_514 = tpu.vector_load_idx %arg12[%add3A_513] masked %lt3A_269 : memref<65536xf32, #tpu.memory_space<vmem>>[vector<16xi32>], vector<16xf32>, vector<16xi1>
          %broadcast_in_dim3A_515 = arith.constant 0 : i32
          %broadcast_in_dim3A_516 = vector.broadcast %broadcast_in_dim3A_515 : i32 to vector<16xi32>
          %add3A_517 = arith.constant 24 : i32
          %add3A_518 = vector.broadcast %add3A_517 : i32 to vector<16xi32>
          %add3A_519 = arith.addi %broadcast_in_dim3A_516, %add3A_518 : vector<16xi32>
          tpu.vector_store_idx %arg13[%add3A_294, %add3A_519], %gather3A_514 : memref<512x32xf32, #tpu.memory_space<vmem>>[vector<16xi32>, vector<16xi32>], vector<16xf32>,
          %add3A_520 = arith.constant 49280 : i32
          %add3A_521 = vector.broadcast %add3A_520 : i32 to vector<16xi32>
          %add3A_522 = arith.addi %and3A_290, %add3A_521 : vector<16xi32>
          %gather3A_523 = tpu.vector_load_idx %arg12[%add3A_522] masked %lt3A_269 : memref<65536xf32, #tpu.memory_space<vmem>>[vector<16xi32>], vector<16xf32>, vector<16xi1>
          %broadcast_in_dim3A_524 = arith.constant 0 : i32
          %broadcast_in_dim3A_525 = vector.broadcast %broadcast_in_dim3A_524 : i32 to vector<16xi32>
          %add3A_526 = arith.constant 25 : i32
          %add3A_527 = vector.broadcast %add3A_526 : i32 to vector<16xi32>
          %add3A_528 = arith.addi %broadcast_in_dim3A_525, %add3A_527 : vector<16xi32>
          tpu.vector_store_idx %arg13[%add3A_294, %add3A_528], %gather3A_523 : memref<512x32xf32, #tpu.memory_space<vmem>>[vector<16xi32>, vector<16xi32>], vector<16xf32>,
          %add3A_529 = arith.constant 49408 : i32
          %add3A_530 = vector.broadcast %add3A_529 : i32 to vector<16xi32>
          %add3A_531 = arith.addi %and3A_290, %add3A_530 : vector<16xi32>
          %gather3A_532 = tpu.vector_load_idx %arg12[%add3A_531] masked %lt3A_269 : memref<65536xf32, #tpu.memory_space<vmem>>[vector<16xi32>], vector<16xf32>, vector<16xi1>
          %broadcast_in_dim3A_533 = arith.constant 0 : i32
          %broadcast_in_dim3A_534 = vector.broadcast %broadcast_in_dim3A_533 : i32 to vector<16xi32>
          %add3A_535 = arith.constant 26 : i32
          %add3A_536 = vector.broadcast %add3A_535 : i32 to vector<16xi32>
          %add3A_537 = arith.addi %broadcast_in_dim3A_534, %add3A_536 : vector<16xi32>
          tpu.vector_store_idx %arg13[%add3A_294, %add3A_537], %gather3A_532 : memref<512x32xf32, #tpu.memory_space<vmem>>[vector<16xi32>, vector<16xi32>], vector<16xf32>,
          %add3A_538 = arith.constant 49536 : i32
          %add3A_539 = vector.broadcast %add3A_538 : i32 to vector<16xi32>
          %add3A_540 = arith.addi %and3A_290, %add3A_539 : vector<16xi32>
          %gather3A_541 = tpu.vector_load_idx %arg12[%add3A_540] masked %lt3A_269 : memref<65536xf32, #tpu.memory_space<vmem>>[vector<16xi32>], vector<16xf32>, vector<16xi1>
          %broadcast_in_dim3A_542 = arith.constant 0 : i32
          %broadcast_in_dim3A_543 = vector.broadcast %broadcast_in_dim3A_542 : i32 to vector<16xi32>
          %add3A_544 = arith.constant 27 : i32
          %add3A_545 = vector.broadcast %add3A_544 : i32 to vector<16xi32>
          %add3A_546 = arith.addi %broadcast_in_dim3A_543, %add3A_545 : vector<16xi32>
          tpu.vector_store_idx %arg13[%add3A_294, %add3A_546], %gather3A_541 : memref<512x32xf32, #tpu.memory_space<vmem>>[vector<16xi32>, vector<16xi32>], vector<16xf32>,
          %add3A_547 = arith.constant 49664 : i32
          %add3A_548 = vector.broadcast %add3A_547 : i32 to vector<16xi32>
          %add3A_549 = arith.addi %and3A_290, %add3A_548 : vector<16xi32>
          %gather3A_550 = tpu.vector_load_idx %arg12[%add3A_549] masked %lt3A_269 : memref<65536xf32, #tpu.memory_space<vmem>>[vector<16xi32>], vector<16xf32>, vector<16xi1>
          %broadcast_in_dim3A_551 = arith.constant 0 : i32
          %broadcast_in_dim3A_552 = vector.broadcast %broadcast_in_dim3A_551 : i32 to vector<16xi32>
          %add3A_553 = arith.constant 28 : i32
          %add3A_554 = vector.broadcast %add3A_553 : i32 to vector<16xi32>
          %add3A_555 = arith.addi %broadcast_in_dim3A_552, %add3A_554 : vector<16xi32>
          tpu.vector_store_idx %arg13[%add3A_294, %add3A_555], %gather3A_550 : memref<512x32xf32, #tpu.memory_space<vmem>>[vector<16xi32>, vector<16xi32>], vector<16xf32>,
          %add3A_556 = arith.constant 49792 : i32
          %add3A_557 = vector.broadcast %add3A_556 : i32 to vector<16xi32>
          %add3A_558 = arith.addi %and3A_290, %add3A_557 : vector<16xi32>
          %gather3A_559 = tpu.vector_load_idx %arg12[%add3A_558] masked %lt3A_269 : memref<65536xf32, #tpu.memory_space<vmem>>[vector<16xi32>], vector<16xf32>, vector<16xi1>
          %broadcast_in_dim3A_560 = arith.constant 0 : i32
          %broadcast_in_dim3A_561 = vector.broadcast %broadcast_in_dim3A_560 : i32 to vector<16xi32>
          %add3A_562 = arith.constant 29 : i32
          %add3A_563 = vector.broadcast %add3A_562 : i32 to vector<16xi32>
          %add3A_564 = arith.addi %broadcast_in_dim3A_561, %add3A_563 : vector<16xi32>
          tpu.vector_store_idx %arg13[%add3A_294, %add3A_564], %gather3A_559 : memref<512x32xf32, #tpu.memory_space<vmem>>[vector<16xi32>, vector<16xi32>], vector<16xf32>,
          %add3A_565 = arith.constant 49920 : i32
          %add3A_566 = vector.broadcast %add3A_565 : i32 to vector<16xi32>
          %add3A_567 = arith.addi %and3A_290, %add3A_566 : vector<16xi32>
          %gather3A_568 = tpu.vector_load_idx %arg12[%add3A_567] masked %lt3A_269 : memref<65536xf32, #tpu.memory_space<vmem>>[vector<16xi32>], vector<16xf32>, vector<16xi1>
          %broadcast_in_dim3A_569 = arith.constant 0 : i32
          %broadcast_in_dim3A_570 = vector.broadcast %broadcast_in_dim3A_569 : i32 to vector<16xi32>
          %add3A_571 = arith.constant 30 : i32
          %add3A_572 = vector.broadcast %add3A_571 : i32 to vector<16xi32>
          %add3A_573 = arith.addi %broadcast_in_dim3A_570, %add3A_572 : vector<16xi32>
          tpu.vector_store_idx %arg13[%add3A_294, %add3A_573], %gather3A_568 : memref<512x32xf32, #tpu.memory_space<vmem>>[vector<16xi32>, vector<16xi32>], vector<16xf32>,
          %add3A_574 = arith.constant 50048 : i32
          %add3A_575 = vector.broadcast %add3A_574 : i32 to vector<16xi32>
          %add3A_576 = arith.addi %and3A_290, %add3A_575 : vector<16xi32>
          %gather3A_577 = tpu.vector_load_idx %arg12[%add3A_576] masked %lt3A_269 : memref<65536xf32, #tpu.memory_space<vmem>>[vector<16xi32>], vector<16xf32>, vector<16xi1>
          %broadcast_in_dim3A_578 = arith.constant 0 : i32
          %broadcast_in_dim3A_579 = vector.broadcast %broadcast_in_dim3A_578 : i32 to vector<16xi32>
          %add3A_580 = arith.constant 31 : i32
          %add3A_581 = vector.broadcast %add3A_580 : i32 to vector<16xi32>
          %add3A_582 = arith.addi %broadcast_in_dim3A_579, %add3A_581 : vector<16xi32>
          tpu.vector_store_idx %arg13[%add3A_294, %add3A_582], %gather3A_577 : memref<512x32xf32, #tpu.memory_space<vmem>>[vector<16xi32>, vector<16xi32>], vector<16xf32>,
          %mul3A_583 = arith.constant 16384 : i32
          %mul3A_584 = arith.muli %select_n3A, %mul3A_583 : i32
          %add3A_585 = vector.broadcast %mul3A_584 : i32 to vector<16xi32>
          %add3A_586 = arith.addi %add3A_585, %shift_right_logical3A_275 : vector<16xi32>
          %broadcast_in_dim3A_587 = vector.broadcast %add3A_102 : i32 to vector<16xi32>
          %select_n3A_588 = arith.select %lt3A_269, %add3A_586, %broadcast_in_dim3A_587 : vector<16xi1>, vector<16xi32>
          %mul3A_589 = arith.constant 16 : i32
          %mul3A_590 = arith.muli %while3A_255, %mul3A_589 : i32
          %swap3A_591 = arith.index_cast %mul3A_590 : i32 to index
          %swap3A_592 = tpu.vector_load %arg14[%swap3A_591] {strides = array<i32>} : memref<512xi32, #tpu.memory_space<vmem>>, vector<16xi32>,
          tpu.vector_store %arg14[%swap3A_591], %select_n3A_588 {strides = array<i32>} : memref<512xi32, #tpu.memory_space<vmem>>, vector<16xi32>,
          %while3A_593 = arith.constant 0 : i32
          scf.yield %while3A_593 : i32
        }
        %while3A_238 = arith.constant 32 : i32
        %while3A_239 = arith.constant 0 : i32
        %while3A_240 = arith.subi %while3A_238, %min3A_225 : i32
        %while3A_241 = arith.addi %min3A_225, %while3A_240 : i32
        %while3A_242 = arith.constant 1 : i32
        %while3A_243 = arith.divsi %while3A_240, %while3A_242 : i32
        %while3A_244 = arith.muli %while3A_243, %while3A_242 : i32
        %while3A_245 = arith.addi %min3A_225, %while3A_244 : i32
        %while3A_246 = arith.constant 1 : i32
        %while3A_247 = scf.for %while3A_255 = %min3A_225 to %while3A_245 step %while3A_246 iter_args(%while3A_256 = %while3A_239) -> (i32)  : i32 {
          %broadcast_in_dim3A_257 = arith.constant 0 : i32
          %broadcast_in_dim3A_258 = vector.broadcast %broadcast_in_dim3A_257 : i32 to vector<16xi32>
          %add3A_259 = vector.broadcast %add3A_102 : i32 to vector<16xi32>
          %add3A_260 = arith.addi %broadcast_in_dim3A_258, %add3A_259 : vector<16xi32>
          %mul3A_261 = arith.constant 16 : i32
          %mul3A_262 = arith.muli %while3A_255, %mul3A_261 : i32
          %swap3A_263 = arith.index_cast %mul3A_262 : i32 to index
          %swap3A_264 = tpu.vector_load %arg14[%swap3A_263] {strides = array<i32>} : memref<512xi32, #tpu.memory_space<vmem>>, vector<16xi32>,
          tpu.vector_store %arg14[%swap3A_263], %add3A_260 {strides = array<i32>} : memref<512xi32, #tpu.memory_space<vmem>>, vector<16xi32>,
          %while3A_265 = arith.constant 0 : i32
          scf.yield %while3A_265 : i32
        }
        %while3A_248 = arith.constant 1 : i32
        %while3A_249 = scf.for %while3A_255 = %while3A_245 to %while3A_241 step %while3A_248 iter_args(%while3A_256 = %while3A_247) -> (i32)  : i32 {
          %broadcast_in_dim3A_257 = arith.constant 0 : i32
          %broadcast_in_dim3A_258 = vector.broadcast %broadcast_in_dim3A_257 : i32 to vector<16xi32>
          %add3A_259 = vector.broadcast %add3A_102 : i32 to vector<16xi32>
          %add3A_260 = arith.addi %broadcast_in_dim3A_258, %add3A_259 : vector<16xi32>
          %mul3A_261 = arith.constant 16 : i32
          %mul3A_262 = arith.muli %while3A_255, %mul3A_261 : i32
          %swap3A_263 = arith.index_cast %mul3A_262 : i32 to index
          %swap3A_264 = tpu.vector_load %arg14[%swap3A_263] {strides = array<i32>} : memref<512xi32, #tpu.memory_space<vmem>>, vector<16xi32>,
          tpu.vector_store %arg14[%swap3A_263], %add3A_260 {strides = array<i32>} : memref<512xi32, #tpu.memory_space<vmem>>, vector<16xi32>,
          %while3A_265 = arith.constant 0 : i32
          scf.yield %while3A_265 : i32
        }
        %dma_start3A = arith.constant 0 : i32
        %dma_start3A_250 = arith.constant 0 : i32
        %dma_start3A_251 = tpu.memref_slice %arg6[%dma_start3A, %dma_start3A_250] : memref<131104x32xf32, #tpu.memory_space<hbm>> -> memref<131104x32xf32, #tpu.memory_space<hbm>>
        tpu.enqueue_indirect_dma source(%arg13 : memref<512x32xf32, #tpu.memory_space<vmem>>) target(%dma_start3A_251 : memref<131104x32xf32, #tpu.memory_space<hbm>>) offsets(%arg14 : memref<512xi32, #tpu.memory_space<vmem>>) semaphore(%arg17 : memref<!tpu.dma_semaphore, #tpu.memory_space<semaphore_mem>>)
        %dma_wait3A = arith.constant 0 : i32
        %dma_wait3A_252 = arith.constant 0 : i32
        %dma_wait3A_253 = tpu.memref_slice %arg6[%dma_wait3A, %dma_wait3A_252] : memref<131104x32xf32, #tpu.memory_space<hbm>> -> memref<131104x32xf32, #tpu.memory_space<hbm>>
        tpu.wait_indirect_dma semaphore(%arg17 : memref<!tpu.dma_semaphore, #tpu.memory_space<semaphore_mem>>) src(%arg13 : memref<512x32xf32, #tpu.memory_space<vmem>>) dst(%dma_wait3A_253 : memref<131104x32xf32, #tpu.memory_space<hbm>>)
        %while3A_254 = arith.constant 0 : i32
        scf.yield %while3A_254 : i32
      }
      %scan3A_214 = arith.constant 0 : i32
      scf.yield %scan3A_214 : i32
    }
    %scan3A_109 = arith.constant 13 : i32
    %barrier3A = arith.constant 0 : index
    tpu.barrier barrier_id(%barrier3A)
    %mul3A_110 = arith.constant 32 : i32
    %mul3A_111 = arith.muli %select_n3A_30, %mul3A_110 : i32
    %shift_right_logical3A = arith.constant 3 : i32
    %shift_right_logical3A_112 = vector.broadcast %shift_right_logical3A : i32 to vector<16xi32>
    %shift_right_logical3A_113 = arith.shrui %iota3A, %shift_right_logical3A_112 : vector<16xi32>
    %mul3A_114 = arith.constant 4096 : i32
    %mul3A_115 = vector.broadcast %mul3A_114 : i32 to vector<16xi32>
    %mul3A_116 = arith.muli %shift_right_logical3A_113, %mul3A_115 : vector<16xi32>
    %and3A_117 = arith.constant 7 : i32
    %and3A_118 = vector.broadcast %and3A_117 : i32 to vector<16xi32>
    %and3A_119 = arith.andi %iota3A, %and3A_118 : vector<16xi32>
    %mul3A_120 = arith.constant 128 : i32
    %mul3A_121 = vector.broadcast %mul3A_120 : i32 to vector<16xi32>
    %mul3A_122 = arith.muli %and3A_119, %mul3A_121 : vector<16xi32>
    %add3A_123 = arith.addi %mul3A_116, %mul3A_122 : vector<16xi32>
    %scan3A_124 = arith.constant 0 : i32
    %scan3A_125 = arith.constant 0 : i32
    %scan3A_126 = arith.constant 8 : i32
    %scan3A_127 = arith.addi %scan3A_125, %scan3A_126 : i32
    %scan3A_128 = arith.constant 1 : i32
    %scan3A_129 = scf.for %scan3A_131 = %scan3A_125 to %scan3A_127 step %scan3A_128 iter_args(%scan3A_132 = %scan3A_124) -> (i32)  : i32 {
      %mul3A_133 = arith.constant 16384 : i32
      %mul3A_134 = arith.muli %select_n3A, %mul3A_133 : i32
      %mul3A_135 = arith.constant 4 : i32
      %mul3A_136 = arith.muli %scan3A_131, %mul3A_135 : i32
      %add3A_137 = arith.addi %mul3A_111, %mul3A_136 : i32
      %mul3A_138 = arith.constant 128 : i32
      %mul3A_139 = arith.muli %add3A_137, %mul3A_138 : i32
      %add3A_140 = arith.addi %mul3A_134, %mul3A_139 : i32
      "tpu.region"() ({
        %run_scoped3A = tpu.sem_alloc : memref<!tpu.dma_semaphore, #tpu.memory_space<semaphore_mem>>
        %dma_start3A = arith.constant 0 : i32
        %dma_start3A_197 = tpu.memref_slice %arg6[%add3A_140, %dma_start3A] : memref<131104x32xf32, #tpu.memory_space<hbm>> -> memref<512x32xf32, #tpu.memory_space<hbm>>
        %dma_start3A_198 = arith.constant 0 : i32
        %dma_start3A_199 = tpu.memref_slice %arg6[%add3A_140, %dma_start3A_198] : memref<131104x32xf32, #tpu.memory_space<hbm>> -> memref<512x32xf32, #tpu.memory_space<hbm>>
        tpu.enqueue_dma source(%dma_start3A_199 : memref<512x32xf32, #tpu.memory_space<hbm>>) target(%arg13 : memref<512x32xf32, #tpu.memory_space<vmem>>) target_semaphore(%run_scoped3A : memref<!tpu.dma_semaphore, #tpu.memory_space<semaphore_mem>>)
        %dma_wait3A = arith.constant 0 : i32
        %dma_wait3A_200 = tpu.memref_slice %arg6[%add3A_140, %dma_wait3A] : memref<131104x32xf32, #tpu.memory_space<hbm>> -> memref<512x32xf32, #tpu.memory_space<hbm>>
        %dma_wait3A_201 = arith.constant 0 : i32
        %dma_wait3A_202 = tpu.memref_slice %arg6[%add3A_140, %dma_wait3A_201] : memref<131104x32xf32, #tpu.memory_space<hbm>> -> memref<512x32xf32, #tpu.memory_space<hbm>>
        tpu.wait_dma2 semaphore(%run_scoped3A : memref<!tpu.dma_semaphore, #tpu.memory_space<semaphore_mem>>) src(%dma_wait3A_202 : memref<512x32xf32, #tpu.memory_space<hbm>>) dst(%arg13 : memref<512x32xf32, #tpu.memory_space<vmem>>)
        tpu.yield
      }) : () -> ()
      %scan3A_141 = arith.constant 0 : i32
      %scan3A_142 = arith.constant 0 : i32
      %scan3A_143 = arith.constant 512 : i32
      %scan3A_144 = arith.addi %scan3A_142, %scan3A_143 : i32
      %scan3A_145 = arith.constant 1 : i32
      %scan3A_146 = scf.for %scan3A_197 = %scan3A_142 to %scan3A_144 step %scan3A_145 iter_args(%scan3A_198 = %scan3A_141) -> (i32)  : i32 {
        %get3A_199 = arith.index_cast %scan3A_197 : i32 to index
        %get3A_200 = arith.constant 0 : index
        %get3A_201 = tpu.vector_load %arg13[%get3A_199, %get3A_200] {strides = array<i32>} : memref<512x32xf32, #tpu.memory_space<vmem>>, vector<16xf32>,
        %get3A_202 = arith.index_cast %scan3A_197 : i32 to index
        %get3A_203 = arith.constant 16 : index
        %get3A_204 = tpu.vector_load %arg13[%get3A_202, %get3A_203] {strides = array<i32>} : memref<512x32xf32, #tpu.memory_space<vmem>>, vector<16xf32>,
        %shift_right_logical3A_205 = arith.constant 7 : i32
        %shift_right_logical3A_206 = arith.shrui %scan3A_197, %shift_right_logical3A_205 : i32
        %mul3A_207 = arith.constant 1024 : i32
        %mul3A_208 = arith.muli %shift_right_logical3A_206, %mul3A_207 : i32
        %and3A_209 = arith.constant 127 : i32
        %and3A_210 = arith.andi %scan3A_197, %and3A_209 : i32
        %add3A_211 = arith.addi %mul3A_208, %and3A_210 : i32
        %add3A_212 = vector.broadcast %add3A_211 : i32 to vector<16xi32>
        %add3A_213 = arith.addi %add3A_123, %add3A_212 : vector<16xi32>
        tpu.vector_store_idx %arg12[%add3A_213], %get3A_201 : memref<65536xf32, #tpu.memory_space<vmem>>[vector<16xi32>], vector<16xf32>,
        %add3A_214 = arith.constant 8192 : i32
        %add3A_215 = vector.broadcast %add3A_214 : i32 to vector<16xi32>
        %add3A_216 = arith.addi %add3A_213, %add3A_215 : vector<16xi32>
        tpu.vector_store_idx %arg12[%add3A_216], %get3A_204 : memref<65536xf32, #tpu.memory_space<vmem>>[vector<16xi32>], vector<16xf32>,
        %scan3A_217 = arith.constant 0 : i32
        scf.yield %scan3A_217 : i32
      }
      %scan3A_147 = arith.constant 512 : i32
      %mul3A_148 = arith.constant 4 : i32
      %mul3A_149 = arith.muli %select_n3A, %mul3A_148 : i32
      %add3A_150 = arith.constant 0 : i32
      %add3A_151 = arith.addi %mul3A_149, %add3A_150 : i32
      %mul3A_152 = arith.constant 128 : i32
      %mul3A_153 = arith.muli %add3A_151, %mul3A_152 : i32
      %add3A_154 = arith.addi %mul3A_153, %mul3A_111 : i32
      %mul3A_155 = arith.constant 4 : i32
      %mul3A_156 = arith.muli %scan3A_131, %mul3A_155 : i32
      %add3A_157 = arith.addi %add3A_154, %mul3A_156 : i32
      %mul3A_158 = arith.constant 1024 : i32
      %mul3A_159 = arith.muli %add3A_157, %mul3A_158 : i32
      "tpu.region"() ({
        %run_scoped3A = tpu.sem_alloc : memref<!tpu.dma_semaphore, #tpu.memory_space<semaphore_mem>>
        %dma_start3A = arith.constant 0 : i32
        %dma_start3A_197 = tpu.memref_slice %arg12[%dma_start3A] : memref<65536xf32, #tpu.memory_space<vmem>> -> memref<4096xf32, #tpu.memory_space<vmem>>
        %dma_start3A_198 = tpu.memref_slice %arg5[%mul3A_159] : memref<4194304xf32, #tpu.memory_space<hbm>> -> memref<4096xf32, #tpu.memory_space<hbm>>
        %dma_start3A_199 = tpu.memref_slice %arg5[%mul3A_159] : memref<4194304xf32, #tpu.memory_space<hbm>> -> memref<4096xf32, #tpu.memory_space<hbm>>
        %dma_start3A_200 = arith.constant 0 : i32
        %dma_start3A_201 = tpu.memref_slice %arg12[%dma_start3A_200] : memref<65536xf32, #tpu.memory_space<vmem>> -> memref<4096xf32, #tpu.memory_space<vmem>>
        tpu.enqueue_dma source(%dma_start3A_201 : memref<4096xf32, #tpu.memory_space<vmem>>) target(%dma_start3A_199 : memref<4096xf32, #tpu.memory_space<hbm>>) target_semaphore(%run_scoped3A : memref<!tpu.dma_semaphore, #tpu.memory_space<semaphore_mem>>)
        %dma_wait3A = arith.constant 0 : i32
        %dma_wait3A_202 = tpu.memref_slice %arg12[%dma_wait3A] : memref<65536xf32, #tpu.memory_space<vmem>> -> memref<4096xf32, #tpu.memory_space<vmem>>
        %dma_wait3A_203 = tpu.memref_slice %arg5[%mul3A_159] : memref<4194304xf32, #tpu.memory_space<hbm>> -> memref<4096xf32, #tpu.memory_space<hbm>>
        %dma_wait3A_204 = tpu.memref_slice %arg5[%mul3A_159] : memref<4194304xf32, #tpu.memory_space<hbm>> -> memref<4096xf32, #tpu.memory_space<hbm>>
        %dma_wait3A_205 = arith.constant 0 : i32
        %dma_wait3A_206 = tpu.memref_slice %arg12[%dma_wait3A_205] : memref<65536xf32, #tpu.memory_space<vmem>> -> memref<4096xf32, #tpu.memory_space<vmem>>
        tpu.wait_dma2 semaphore(%run_scoped3A : memref<!tpu.dma_semaphore, #tpu.memory_space<semaphore_mem>>) src(%dma_wait3A_206 : memref<4096xf32, #tpu.memory_space<vmem>>) dst(%dma_wait3A_204 : memref<4096xf32, #tpu.memory_space<hbm>>)
        tpu.yield
      }) : () -> ()
      %mul3A_160 = arith.constant 4 : i32
      %mul3A_161 = arith.muli %select_n3A, %mul3A_160 : i32
      %add3A_162 = arith.constant 1 : i32
      %add3A_163 = arith.addi %mul3A_161, %add3A_162 : i32
      %mul3A_164 = arith.constant 128 : i32
      %mul3A_165 = arith.muli %add3A_163, %mul3A_164 : i32
      %add3A_166 = arith.addi %mul3A_165, %mul3A_111 : i32
      %mul3A_167 = arith.constant 4 : i32
      %mul3A_168 = arith.muli %scan3A_131, %mul3A_167 : i32
      %add3A_169 = arith.addi %add3A_166, %mul3A_168 : i32
      %mul3A_170 = arith.constant 1024 : i32
      %mul3A_171 = arith.muli %add3A_169, %mul3A_170 : i32
      "tpu.region"() ({
        %run_scoped3A = tpu.sem_alloc : memref<!tpu.dma_semaphore, #tpu.memory_space<semaphore_mem>>
        %dma_start3A = arith.constant 4096 : i32
        %dma_start3A_197 = tpu.memref_slice %arg12[%dma_start3A] : memref<65536xf32, #tpu.memory_space<vmem>> -> memref<4096xf32, #tpu.memory_space<vmem>>
        %dma_start3A_198 = tpu.memref_slice %arg5[%mul3A_171] : memref<4194304xf32, #tpu.memory_space<hbm>> -> memref<4096xf32, #tpu.memory_space<hbm>>
        %dma_start3A_199 = tpu.memref_slice %arg5[%mul3A_171] : memref<4194304xf32, #tpu.memory_space<hbm>> -> memref<4096xf32, #tpu.memory_space<hbm>>
        %dma_start3A_200 = arith.constant 4096 : i32
        %dma_start3A_201 = tpu.memref_slice %arg12[%dma_start3A_200] : memref<65536xf32, #tpu.memory_space<vmem>> -> memref<4096xf32, #tpu.memory_space<vmem>>
        tpu.enqueue_dma source(%dma_start3A_201 : memref<4096xf32, #tpu.memory_space<vmem>>) target(%dma_start3A_199 : memref<4096xf32, #tpu.memory_space<hbm>>) target_semaphore(%run_scoped3A : memref<!tpu.dma_semaphore, #tpu.memory_space<semaphore_mem>>)
        %dma_wait3A = arith.constant 4096 : i32
        %dma_wait3A_202 = tpu.memref_slice %arg12[%dma_wait3A] : memref<65536xf32, #tpu.memory_space<vmem>> -> memref<4096xf32, #tpu.memory_space<vmem>>
        %dma_wait3A_203 = tpu.memref_slice %arg5[%mul3A_171] : memref<4194304xf32, #tpu.memory_space<hbm>> -> memref<4096xf32, #tpu.memory_space<hbm>>
        %dma_wait3A_204 = tpu.memref_slice %arg5[%mul3A_171] : memref<4194304xf32, #tpu.memory_space<hbm>> -> memref<4096xf32, #tpu.memory_space<hbm>>
        %dma_wait3A_205 = arith.constant 4096 : i32
        %dma_wait3A_206 = tpu.memref_slice %arg12[%dma_wait3A_205] : memref<65536xf32, #tpu.memory_space<vmem>> -> memref<4096xf32, #tpu.memory_space<vmem>>
        tpu.wait_dma2 semaphore(%run_scoped3A : memref<!tpu.dma_semaphore, #tpu.memory_space<semaphore_mem>>) src(%dma_wait3A_206 : memref<4096xf32, #tpu.memory_space<vmem>>) dst(%dma_wait3A_204 : memref<4096xf32, #tpu.memory_space<hbm>>)
        tpu.yield
      }) : () -> ()
      %mul3A_172 = arith.constant 4 : i32
      %mul3A_173 = arith.muli %select_n3A, %mul3A_172 : i32
      %add3A_174 = arith.constant 2 : i32
      %add3A_175 = arith.addi %mul3A_173, %add3A_174 : i32
      %mul3A_176 = arith.constant 128 : i32
      %mul3A_177 = arith.muli %add3A_175, %mul3A_176 : i32
      %add3A_178 = arith.addi %mul3A_177, %mul3A_111 : i32
      %mul3A_179 = arith.constant 4 : i32
      %mul3A_180 = arith.muli %scan3A_131, %mul3A_179 : i32
      %add3A_181 = arith.addi %add3A_178, %mul3A_180 : i32
      %mul3A_182 = arith.constant 1024 : i32
      %mul3A_183 = arith.muli %add3A_181, %mul3A_182 : i32
      "tpu.region"() ({
        %run_scoped3A = tpu.sem_alloc : memref<!tpu.dma_semaphore, #tpu.memory_space<semaphore_mem>>
        %dma_start3A = arith.constant 8192 : i32
        %dma_start3A_197 = tpu.memref_slice %arg12[%dma_start3A] : memref<65536xf32, #tpu.memory_space<vmem>> -> memref<4096xf32, #tpu.memory_space<vmem>>
        %dma_start3A_198 = tpu.memref_slice %arg5[%mul3A_183] : memref<4194304xf32, #tpu.memory_space<hbm>> -> memref<4096xf32, #tpu.memory_space<hbm>>
        %dma_start3A_199 = tpu.memref_slice %arg5[%mul3A_183] : memref<4194304xf32, #tpu.memory_space<hbm>> -> memref<4096xf32, #tpu.memory_space<hbm>>
        %dma_start3A_200 = arith.constant 8192 : i32
        %dma_start3A_201 = tpu.memref_slice %arg12[%dma_start3A_200] : memref<65536xf32, #tpu.memory_space<vmem>> -> memref<4096xf32, #tpu.memory_space<vmem>>
        tpu.enqueue_dma source(%dma_start3A_201 : memref<4096xf32, #tpu.memory_space<vmem>>) target(%dma_start3A_199 : memref<4096xf32, #tpu.memory_space<hbm>>) target_semaphore(%run_scoped3A : memref<!tpu.dma_semaphore, #tpu.memory_space<semaphore_mem>>)
        %dma_wait3A = arith.constant 8192 : i32
        %dma_wait3A_202 = tpu.memref_slice %arg12[%dma_wait3A] : memref<65536xf32, #tpu.memory_space<vmem>> -> memref<4096xf32, #tpu.memory_space<vmem>>
        %dma_wait3A_203 = tpu.memref_slice %arg5[%mul3A_183] : memref<4194304xf32, #tpu.memory_space<hbm>> -> memref<4096xf32, #tpu.memory_space<hbm>>
        %dma_wait3A_204 = tpu.memref_slice %arg5[%mul3A_183] : memref<4194304xf32, #tpu.memory_space<hbm>> -> memref<4096xf32, #tpu.memory_space<hbm>>
        %dma_wait3A_205 = arith.constant 8192 : i32
        %dma_wait3A_206 = tpu.memref_slice %arg12[%dma_wait3A_205] : memref<65536xf32, #tpu.memory_space<vmem>> -> memref<4096xf32, #tpu.memory_space<vmem>>
        tpu.wait_dma2 semaphore(%run_scoped3A : memref<!tpu.dma_semaphore, #tpu.memory_space<semaphore_mem>>) src(%dma_wait3A_206 : memref<4096xf32, #tpu.memory_space<vmem>>) dst(%dma_wait3A_204 : memref<4096xf32, #tpu.memory_space<hbm>>)
        tpu.yield
      }) : () -> ()
      %mul3A_184 = arith.constant 4 : i32
      %mul3A_185 = arith.muli %select_n3A, %mul3A_184 : i32
      %add3A_186 = arith.constant 3 : i32
      %add3A_187 = arith.addi %mul3A_185, %add3A_186 : i32
      %mul3A_188 = arith.constant 128 : i32
      %mul3A_189 = arith.muli %add3A_187, %mul3A_188 : i32
      %add3A_190 = arith.addi %mul3A_189, %mul3A_111 : i32
      %mul3A_191 = arith.constant 4 : i32
      %mul3A_192 = arith.muli %scan3A_131, %mul3A_191 : i32
      %add3A_193 = arith.addi %add3A_190, %mul3A_192 : i32
      %mul3A_194 = arith.constant 1024 : i32
      %mul3A_195 = arith.muli %add3A_193, %mul3A_194 : i32
      "tpu.region"() ({
        %run_scoped3A = tpu.sem_alloc : memref<!tpu.dma_semaphore, #tpu.memory_space<semaphore_mem>>
        %dma_start3A = arith.constant 12288 : i32
        %dma_start3A_197 = tpu.memref_slice %arg12[%dma_start3A] : memref<65536xf32, #tpu.memory_space<vmem>> -> memref<4096xf32, #tpu.memory_space<vmem>>
        %dma_start3A_198 = tpu.memref_slice %arg5[%mul3A_195] : memref<4194304xf32, #tpu.memory_space<hbm>> -> memref<4096xf32, #tpu.memory_space<hbm>>
        %dma_start3A_199 = tpu.memref_slice %arg5[%mul3A_195] : memref<4194304xf32, #tpu.memory_space<hbm>> -> memref<4096xf32, #tpu.memory_space<hbm>>
        %dma_start3A_200 = arith.constant 12288 : i32
        %dma_start3A_201 = tpu.memref_slice %arg12[%dma_start3A_200] : memref<65536xf32, #tpu.memory_space<vmem>> -> memref<4096xf32, #tpu.memory_space<vmem>>
        tpu.enqueue_dma source(%dma_start3A_201 : memref<4096xf32, #tpu.memory_space<vmem>>) target(%dma_start3A_199 : memref<4096xf32, #tpu.memory_space<hbm>>) target_semaphore(%run_scoped3A : memref<!tpu.dma_semaphore, #tpu.memory_space<semaphore_mem>>)
        %dma_wait3A = arith.constant 12288 : i32
        %dma_wait3A_202 = tpu.memref_slice %arg12[%dma_wait3A] : memref<65536xf32, #tpu.memory_space<vmem>> -> memref<4096xf32, #tpu.memory_space<vmem>>
        %dma_wait3A_203 = tpu.memref_slice %arg5[%mul3A_195] : memref<4194304xf32, #tpu.memory_space<hbm>> -> memref<4096xf32, #tpu.memory_space<hbm>>
        %dma_wait3A_204 = tpu.memref_slice %arg5[%mul3A_195] : memref<4194304xf32, #tpu.memory_space<hbm>> -> memref<4096xf32, #tpu.memory_space<hbm>>
        %dma_wait3A_205 = arith.constant 12288 : i32
        %dma_wait3A_206 = tpu.memref_slice %arg12[%dma_wait3A_205] : memref<65536xf32, #tpu.memory_space<vmem>> -> memref<4096xf32, #tpu.memory_space<vmem>>
        tpu.wait_dma2 semaphore(%run_scoped3A : memref<!tpu.dma_semaphore, #tpu.memory_space<semaphore_mem>>) src(%dma_wait3A_206 : memref<4096xf32, #tpu.memory_space<vmem>>) dst(%dma_wait3A_204 : memref<4096xf32, #tpu.memory_space<hbm>>)
        tpu.yield
      }) : () -> ()
      %scan3A_196 = arith.constant 0 : i32
      scf.yield %scan3A_196 : i32
    }
    %scan3A_130 = arith.constant 8 : i32
    return
  }
}

</mosaic_0001>

<sc_bundles>
// kernel: kernel.3.cloned.1.call-start
scs
__scs_entry_jumppad:
0x0: {  	(pc) =	sbr.rel $0x88, $3  }
0x1: {  	(tag) =	ssettag $0x0;
	lr =	simm.s32 $0x1  }
0x2: {  	[smem:$0x3F9E] =	sst lr;
	_ =	strace $0xD0000000  }
0x3: {  	_ = 	snop  }
0x4: {  	_ = 	snop  }
0x5: {  	_ = 	snop  }
0x6: {  	_ = 	snop  }
0x7: {  	_ = 	snop  }
__scs_overlays_trampoline_lowered:
0x8: {  	[smem:$0x3FAD] =	sst s0  }
0x9: {  	[smem:$0x3FAE] =	sst s1  }
0xa: {  	[smem:$0x3FAF] =	sst s2  }
0xb: {  	[smem:$0x3FB0] =	sst s3  }
0xc: {  	[smem:$0x3FB1] =	sst s4  }
0xd: {  	[smem:$0x3FB2] =	sst s5  }
0xe: {  	[smem:$0x3FB3] =	sst s6  }
0xf: {  	[smem:$0x3FB4] =	sst s7  }
0x10: {  	[smem:$0x3FB5] =	sst s8  }
0x11: {  	[smem:$0x3FB6] =	sst s9;
	s0 =	simm.s32 @!p0 $0x0  }
0x12: {  	s1 =	sld [smem:$0x3F9C];
	s0 =	simm.s32 @p0 $0x1  }
0x13: {  	[smem:$0x3FB7] =	sst s0;
	s0 =	simm.s32 @!p1 $0x0  }
0x14: {  	s2 =	sld [smem:$0x3F9B];
	s0 =	simm.s32 @p1 $0x1  }
0x15: {  	[smem:$0x3FB8] =	sst s0;
	s0 =	simm.s32 @!p2 $0x0  }
0x16: {  	s3 =	sld [smem:$0x3FDB];
	s0 =	simm.s32 @p2 $0x1  }
0x17: {  	s4 =	simm.s32 $0x1BF5;
	[smem:$0x3FBA] =	sst s0  }
0x18: {  	s0 =	sld [smem:$0x3F9D];
	_ =	swait.ge [sflag:s4], $0x0  }
0x19: {  	s7 =	sld [smem:$0x3F9E]  }
0x1a: {  	s8 =	sadd.s32 $0xFFFFE003, lr  }
0x1b: {  	s9 =	sadd.s32 $0xFFFFFEF7, lr;
	s5 =	simm.s32 $0xFFFFFFFF;
	p2 =	slt.u32 s8, $0xFFFFF086  }
0x1c: {  	p1 =	slt.u32 s9, $0xF7A;
	s5 =	simm.s32 @!p2 $0x0  }
0x1d: {  	s5 =	simm.s32 @p1 $0x1;
	p0 =	seq.s32 s7, s2  }
0x1e: {  	s7 =	smul.u32 @!p0 $0xF7A, s2;
	p2 =	seq.s32 @!p0 s5, $0x0  }
0x1f: {  	s9 =	smul.u32 $0xF7A, s1;
	s8 =	simm.s32 @!p0 $0x1BF5;
	p2 =	por !p2, p0  }
0x20: {  	[sflag:s8] =	ssyncset.s32 @!p0 $0xFFFFF086;
	s6 =	sadd.s32 @!p0 s3, s7;
	s7 =	simm.s32 @!p0 $0x108  }
0x21: {  	s3 =	sadd.s32 s3, s9;
	s6 =	sadd.s32 @!p0 $0x88, s6;
	s7 =	simm.s32 @p2 $0x1082  }
0x22: {  	[simem:s7], [sflag:s8] =	dma.local @!p0 [hbm:s6], $0xF7A  }
0x23: {  	s9 =	sor.u32 $0xD0000000, s2;
	s6 =	simm.s32 $0x108;
	_ =	swait.ge @!p0 [sflag:s8], $0x0  }
0x24: {  	s3 =	sadd.s32 $0x88, s3;
	s6 =	simm.s32 @!p1 $0x1082;
	[sflag:s4] =	ssyncset.s32 $0xFFFFF086  }
0x25: {  	[simem:s6], [sflag:s4] =	dma.local [hbm:s3], $0xF7A  }
0x26: {  	[smem:$0x3F9E] =	sst s1;
	(tag) =	ssettag s2;
	_ =	strace s9  }
0x27: {  	s1 =	sld [smem:$0x3FAE]  }
0x28: {  	s2 =	sld [smem:$0x3FAF]  }
0x29: {  	s4 =	sld [smem:$0x3FB1]  }
0x2a: {  	p0 =	seq.s32 s5, $0x0;
	s5 =	sld [smem:$0x3FB2]  }
0x2b: {  	s6 =	sld [smem:$0x3FB3]  }
0x2c: {  	s7 =	sld [smem:$0x3FB4]  }
0x2d: {  	s3 =	simm.s32 $0x108;
	s8 =	sld [smem:$0x3FB5]  }
0x2e: {  	s3 =	simm.s32 @!p0 $0x1082;
	s9 =	sld [smem:$0x3FB6]  }
0x2f: {  	lr =	sadd.s32 s0, s3;
	s0 =	sld [smem:$0x3FAD]  }
0x30: {  	s3 =	sld [smem:$0x3FB0]  }
0x31: {  	[smem:$0x3FB9] =	sst s10  }
0x32: {  	s10 =	sld [smem:$0x3FB7];
	_ =	sdelay $0x3  }
0x33: {  	p0 =	seq.s32 s10, $0x1;
	s10 =	sld [smem:$0x3FB9];
	_ =	sdelay $0x3  }
0x34: {  	[smem:$0x3FB9] =	sst s10  }
0x35: {  	s10 =	sld [smem:$0x3FB8];
	_ =	sdelay $0x3  }
0x36: {  	p1 =	seq.s32 s10, $0x1;
	s10 =	sld [smem:$0x3FB9];
	_ =	sdelay $0x3  }
0x37: {  	[smem:$0x3FB9] =	sst s10  }
0x38: {  	s10 =	sld [smem:$0x3FBA]  }
0x39: {  	_ = 	snop;
	(pc) =	sbr.ind lr, $3  }
0x3a: {  	_ = 	snop  }
0x3b: {  	_ = 	snop  }
0x3c: {  	p2 =	seq.s32 s10, $0x1;
	s10 =	sld [smem:$0x3FB9]  }
0x3d: {  	_ =	shalt  }
0x3e: {  	_ =	shalt  }
0x3f: {  	_ =	shalt  }
0x40: {  	_ =	shalt  }
0x41: {  	_ =	shalt  }
0x42: {  	_ =	shalt  }
0x43: {  	_ =	shalt  }
0x44: {  	_ =	shalt  }
0x45: {  	_ =	shalt  }
0x46: {  	_ =	shalt  }
0x47: {  	_ =	shalt  }
0x48: {  	_ =	shalt  }
0x49: {  	_ =	shalt  }
0x4a: {  	_ =	shalt  }
0x4b: {  	_ =	shalt  }
0x4c: {  	_ =	shalt  }
0x4d: {  	_ =	shalt  }
0x4e: {  	_ =	shalt  }
0x4f: {  	_ =	shalt  }
0x50: {  	_ =	shalt  }
0x51: {  	_ =	shalt  }
0x52: {  	_ =	shalt  }
0x53: {  	_ =	shalt  }
0x54: {  	_ =	shalt  }
0x55: {  	_ =	shalt  }
0x56: {  	_ =	shalt  }
0x57: {  	_ =	shalt  }
0x58: {  	_ =	shalt  }
0x59: {  	_ =	shalt  }
0x5a: {  	_ =	shalt  }
0x5b: {  	_ =	shalt  }
0x5c: {  	_ =	shalt  }
0x5d: {  	_ =	shalt  }
0x5e: {  	_ =	shalt  }
0x5f: {  	_ =	shalt  }
0x60: {  	_ =	shalt  }
0x61: {  	_ =	shalt  }
0x62: {  	_ =	shalt  }
0x63: {  	_ =	shalt  }
0x64: {  	_ =	shalt  }
0x65: {  	_ =	shalt  }
0x66: {  	_ =	shalt  }
0x67: {  	_ =	shalt  }
0x68: {  	_ =	shalt  }
0x69: {  	_ =	shalt  }
0x6a: {  	_ =	shalt  }
0x6b: {  	_ =	shalt  }
0x6c: {  	_ =	shalt  }
0x6d: {  	_ =	shalt  }
0x6e: {  	_ =	shalt  }
0x6f: {  	_ =	shalt  }
0x70: {  	_ =	shalt  }
0x71: {  	_ =	shalt  }
0x72: {  	_ =	shalt  }
0x73: {  	_ =	shalt  }
0x74: {  	_ =	shalt  }
0x75: {  	_ =	shalt  }
0x76: {  	_ =	shalt  }
0x77: {  	_ =	shalt  }
0x78: {  	_ =	shalt  }
0x79: {  	_ =	shalt  }
0x7a: {  	_ =	shalt  }
0x7b: {  	_ =	shalt  }
0x7c: {  	_ =	shalt  }
0x7d: {  	_ =	shalt  }
0x7e: {  	_ =	shalt  }
0x7f: {  	_ =	shalt  }
0x80: {  	_ =	shalt  }
0x81: {  	_ =	shalt  }
0x82: {  	_ =	shalt  }
0x83: {  	_ =	shalt  }
0x84: {  	_ =	shalt  }
0x85: {  	_ =	shalt  }
0x86: {  	_ =	shalt  }
0x87: {  	_ =	shalt  }
.Lfunc_end0:
.L_simem_size_0:
called_computation_lowered:
.L_overlay_start_0:
0x88: {  	s2 =	sld [smem:$0x3FD9]  }
0x89: {  	s3 =	sld [smem:$0x3FFE];
	_ =	sdelay $0x1  }
0x8a: {  	s1 =	srdreg.scid  }
0x8b: {  	s0 =	sand.u32 $0x1, s1  }
0x8c: {  	s17 =	sshll.u32 s0, $0xA;
	s2 =	sadd.s32 s3, s2  }
0x8d: {  	s2 =	sadd.s32 s2, s17  }
0x8e: {  	[smem:$0x3FC5] =	sst s2  }
0x8f: {  	_ = 	snop  }
0x90: {  	s2 =	sld [smem:$0x3FC9]  }
0x91: {  	s18 =	sld [smem:$0x3FC8]  }
0x92: {  	s4 =	sld [smem:$0x3FC7]  }
0x93: {  	s5 =	sld [smem:$0x3FD0];
	(tm) =	ssettm $0x1  }
0x94: {  	s6 =	sld [smem:$0x3FFB];
	_ =	sdelay $0x3  }
0x95: {  	_ =	strace s6  }
0x96: {  	s6 =	sld [smem:$0x3FFC];
	_ =	sdelay $0x3  }
0x97: {  	_ =	strace s6  }
0x98: {  	s6 =	sld [smem:$0x3FFD];
	_ =	sdelay $0x3  }
0x99: {  	_ =	strace s6  }
0x9a: {  	_ =	strace $0x8FFFFFFF  }
0x9b: {  	s19 =	sld [smem:$0x3FDB];
	_ =	sdelay $0x1  }
0x9c: {  	s7 =	simm.s32 $_scs_section_size  }
0x9d: {  	s8 =	simm.s32 $_size__tile_overlayer_lowered;
	s9 =	simm.s32 $_tile_overlayer_lowered  }
0x9e: {  	s22 =	simm.s32 $0x1BFF;
	s21 =	sshll.u32 s9, $0x1;
	s6 =	sadd.s32 s7, s19  }
0x9f: {  	s10 =	simm.s32 $0x0;
	s20 =	sshll.u32 s8, $0x1;
	s8 =	sadd.s32 s21, s6  }
0xa0: {  	[timem:s10], [sflag:s22] =	dma.local [hbm:s8], s20  }
0xa1: {  	_ =	swait.ge [sflag:s22], s20  }
0xa2: {  	s7 =	ssub.s32 $0x0, s20;
	[sflag:s22] =	ssyncset.done $0x0  }
0xa3: {  	[sflag:s22] =	ssyncadd.s32 s7;
	_ =	sdelay $0x1  }
0xa4: {  	s23 =	simm.s32 $0x1B8B  }
0xa5: {  	_ =	swait.ge [sflag:s23], $0x1  }
0xa6: {  	[sflag:s23] =	ssyncset.done $0x0  }
0xa7: {  	s25 =	simm.s32 $0x1B8E;
	s24 =	sld [smem:$0x3FFE];
	[sflag:s23] =	ssyncadd.s32 $0xFFFFFFFF  }
0xa8: {  	s26 =	simm.s32 $execute0_lowered;
	[smem:$0x3FD2] =	sst s25  }
0xa9: {  	s8 =	sshll.u32 s26, $0x1;
	_ =	strace $0x80000046;
	[dreg:$0x1] =	wrdreg $0xFFFFFFFF  }
0xaa: {  	s28 =	simm.s32 $_size_execute0_lowered;
	s6 =	sadd.s32 s6, s8;
	[dreg:$0x0] =	wrdreg $0x0  }
0xab: {  	s8 =	sshll.u32 s28, $0x1;
	[dreg:$0x2] =	wrdreg s6  }
0xac: {  	[dreg:$0x3] =	wrdreg s8  }
0xad: {  	[dreg:$0x4] =	wrdreg $0xC0  }
0xae: {  	_ =	task [dreg:s10], $0x5FFFF  }
0xaf: {  	[dreg:$0x1] =	wrdreg $0xFFFFFFFF  }
0xb0: {  	[dreg:$0x0] =	wrdreg $0x60  }
0xb1: {  	[dreg:$0x2] =	wrdreg s2  }
0xb2: {  	[dreg:$0x3] =	wrdreg s18  }
0xb3: {  	[dreg:$0x4] =	wrdreg s4  }
0xb4: {  	[dreg:$0x5] =	wrdreg s5  }
0xb5: {  	[dreg:$0x6] =	wrdreg s24  }
0xb6: {  	[dreg:$0x7] =	wrdreg $0x9  }
0xb7: {  	_ =	task.clear_ibuf [dreg:s10], $0x8FFFF;
	_ =	strace $0x90000046  }
0xb8: {  	s29 =	simm.s32 $0x9;
	_ =	strace $0x80000048  }
0xb9: {  	_ =	swait.ge [sflag:s29], $0x1  }
0xba: {  	[sflag:s29] =	ssyncadd.s32 $0xFFFFFFFF  }
0xbb: {  	_ =	strace $0x90000048  }
0xbc: {  	_ =	sfence  }
0xbd: {  	s30 =	sld [smem:$0x0];
	_ =	sdelay $0x2  }
0xbe: {  	s31 =	sshll.u32 s1, $0xD;
	s1 =	sshrl.u32 s1, $0x2  }
0xbf: {  	s3 =	sand.u32 $0x4000, s31;
	s1 =	sadd.s32 s1, s30  }
0xc0: {  	s0 =	sor.u32 s3, s0;
	s1 =	sshll.u32 s1, $0x11  }
0xc1: {  	s0 =	sor.u32 s1, s0  }
0xc2: {  	s0 =	sadd.s32 $0x8F2B, s0  }
0xc3: {  	[sflag:s0] =	ssyncadd.remote.s32 $0x1  }
0xc4: {  	_ =	sfence.sel $0xFFFF  }
0xc5: {  	[dreg:$0x0] =	wrdreg $0xFFFFFFFF;
	(pc) =	sbr.abs _section_cstart, $3  }
0xc6: {  	[dreg:$0x1] =	wrdreg $0xFFFFFFFF  }
0xc7: {  	_ =	task.clear_ibuf [dreg:s10], $0x2FFFF;
	_ =	strace $0x9FFFFFFF  }
0xc8: {  	(tm) =	ssettm $0x7FFFFFFF  }
0xc9: {  	_ =	shalt  }
tec
execute0_lowered:
.L_overlay_start_1:
0x0: {  	(tag) =	ssettag $0x1  }
0x1: {  	s0 =	srdreg.scid;
	s12 =	rddreg [dreg:$0x0]  }
0x2: {  	s3 =	stileid.u32;
	s23 =	rddreg [dreg:$0x3]  }
0x3: {  	s4 =	simm.s32 $0x1;
	v6 =	vimm.s32 $0x0;
	v7 =	vimm.s32 $0x1;
	s24 =	rddreg [dreg:$0x4];
	s7 =	simm.s32 $0x0  }
0x4: {  	v8 =	vlaneseq.u32;
	v9 =	vimm.s32 $0x1380;
	vm0 =	vcmask $0x300;
	s9 =	simm.s32 $0x1;
	s31 =	simm.s32 $0x18230;
	s1 =	sand.u32 $0x1, s0  }
0x5: {  	vm1 =	vcmask $0x704;
	v10 =	vimm.s32 $0x3380;
	vm2 =	vcmask $0xB08;
	s19 =	sand.u32 $0x3, s3;
	[smem:$0x7FF] =	sst s7;
	s8 =	sadd.s32 $0x800, s24  }
0x6: {  	vm4 =	vcmask $0xF0C;
	vm5 =	vcmask $0x1310;
	vm6 =	vcmask $0x1714;
	s16 =	sadd.s32 $0x4000, s23;
	s17 =	sadd.s32 $0x8000, s23;
	s18 =	sadd.s32 $0xC000, s23  }
0x7: {  	vm7 =	vcmask $0x1B18;
	vm8 =	vcmask $0x1F1C;
	vm9 =	vcmask $0x2320;
	s23 =	simm.s32 $0x8200;
	s24 =	simm.s32 $0x8220;
	s0 =	sshll.u32 s1, $0x4  }
0x8: {  	vm10 =	vcmask $0x2724;
	v9 =	vsel vm0, $0x0, v9;
	v10 =	vsel vm0, $0x2000, v10;
	p1 =	sne.s32 s19, $0x0;
	s1 =	ssub.s32 $0x2, s1;
	s14 =	sshll.u32 s19, $0x5  }
0x9: {  	vm11 =	vcmask $0x2B28;
	v9 =	vsel vm1, $0x80, v9;
	v10 =	vsel vm1, $0x2080, v10;
	s19 =	simm.s32 $0x1C230;
	s2 =	sor.u32 s3, s0;
	s25 =	sshrl.u32 s1, $0x1  }
0xa: {  	vm12 =	vcmask $0x2F2C;
	v9 =	vsel vm2, $0x100, v9;
	v10 =	vsel vm2, $0x2100, v10;
	p0 =	seq.s32 s2, $0x0;
	s20 =	smul.u32 $0x61A8, s2;
	s5 =	sshrl.u32 s2, $0x2  }
0xb: {  	vm13 =	vcmask $0x3330;
	s2 =	sor.u32 $0x20000, s2;
	v9 =	vsel vm4, $0x180, v9;
	v10 =	vsel vm4, $0x2180, v10;
	s1 =	ssub.s32 s1, s25;
	p0 =	por !p1, !p0  }
0xc: {  	vm14 =	vcmask $0x3734;
	s25 =	simm.s32 $0x4000;
	v9 =	vsel vm5, $0x200, v9;
	v10 =	vsel vm5, $0x2200, v10;
	s1 =	smax.u32 s1, $0x1;
	p0 =	por !p0, !p0  }
0xd: {  	vm15 =	vcmask $0x3B38;
	s6 =	sshrl.u32 s20, $0x7;
	s21 =	sadd.s32 $0x61A8, s20;
	v9 =	vsel vm6, $0x280, v9;
	v10 =	vsel vm6, $0x2280, v10;
	s4 =	simm.s32 @!p0 $0x0  }
0xe: {  	v13 =	vmul.u32 $0x20, v8;
	s10 =	smin.u32 s6, $0x179A;
	v9 =	vsel vm7, $0x300, v9;
	v10 =	vsel vm7, $0x2300, v10;
	s5 =	ssub.s32 s5, s4;
	s4 =	rddreg [dreg:$0x2]  }
0xf: {  	v1 =	vmov s20;
	s20 =	simm.s32 $0x200;
	_ =	strace $0x80000047;
	[dreg:$0x6] =	wrdreg s10;
	v9 =	vsel vm8, $0x380, v9;
	v10 =	vsel vm8, $0x2380, v10  }
0x10: {  	v2 =	vmov s21;
	s21 =	simm.s32 $0x2;
	[dreg:$0xd] =	wrdreg s1;
	s30 =	sshll.u32 s5, $0x9;
	v9 =	vsel vm9, $0x1000, v9;
	v10 =	vsel vm9, $0x3000, v10  }
0x11: {  	v5 =	vmov s2;
	s26 =	sadd.s32 $0x186A, s10;
	[dreg:$0xa] =	wrdreg s14;
	s0 =	sshra.s32 s30, $0x2;
	v11 =	vsel vm10, $0x1080, v9;
	v10 =	vsel vm10, $0x3080, v10  }
0x12: {  	s28 =	sadd.s32 $0x30D4, s10;
	v0 =	vmov s5;
	[dreg:$0x7] =	wrdreg s26;
	s0 =	sadd.s32 $0x1C470, s0;
	v11 =	vsel vm11, $0x1100, v11;
	v12 =	vsel vm11, $0x3100, v10  }
0x13: {  	s6 =	sshll.u32 s10, $0x7;
	s29 =	sadd.s32 $0x493E, s10;
	[dreg:$0x8] =	wrdreg s28;
	v10 =	vmov s0;
	v11 =	vsel vm12, $0x1180, v11;
	v12 =	vsel vm12, $0x3180, v12  }
0x14: {  	s22 =	sshll.u32 s5, $0xE;
	v3 =	vmov s6;
	[dreg:$0x9] =	wrdreg s29;
	s15 =	sshll.u32 s5, $0x13;
	v11 =	vsel vm13, $0x1200, v11;
	v12 =	vsel vm13, $0x3200, v12  }
0x15: {  	s1 =	simm.s32 $0x0;
	v4 =	vmov s22;
	s22 =	sor.u32 s14, s30;
	[dreg:$0xb] =	wrdreg s15;
	v11 =	vsel vm14, $0x1280, v11;
	v12 =	vsel vm14, $0x3280, v12  }
0x16: {  	s6 =	simm.s32 $0x1C430;
	s26 =	simm.s32 $0x8230;
	v9 =	vmul.u32 $0x8000, v8;
	[dreg:$0xc] =	wrdreg s22;
	v11 =	vsel vm15, $0x1300, v11;
	v12 =	vsel vm15, $0x3300, v12  }
.LBB2_1:
0x17: {  	[dreg:$0xe] =	wrdreg s1  }
0x18: {  	s0 =	rddreg [dreg:$0x1];
	s30 =	simm.s32 $0x1E430  }
0x19: {  	[tilespmem:s30], [sflag:$0x2] =	stream.linear.gather [hbm4b:s0+s7], $0x8, $0x38;
	[tilespmem:$0x1E438] =	vst v63  }
0x1a: {  	_ =	swait.ge [sflag:s21], $0x8  }
0x1b: {  	[sflag:s21] =	ssyncset.done $0x0  }
0x1c: {  	[sflag:s21] =	ssyncadd.s32 $0xFFFFFFF8  }
0x1d: {  	s1 =	simm.s32 $0x0;
	s0 =	simm.s32 $0x40;
	v14 =	vld.idx.msk [tilespmem:v0+s30+$0x0], $0xffff;
	[tilespmem:$0x8200] =	vst v6  }
.LBB2_2:
0x1e: {  	s2 =	sshll.u32 s1, $0xA  }
0x1f: {  	s3 =	sadd.s32 s12, s2;
	s2 =	simm.s32 $0x0  }
0x20: {  	[tilespmem:s6], [sflag:$0x2] =	stream.linear.gather [hbm4b:s3+s2], $0x2000, $0x38;
	[tilespmem:$0x1E438] =	vst v63  }
0x21: {  	_ =	swait.ge [sflag:s21], $0x2000  }
0x22: {  	[sflag:s21] =	ssyncset.done $0x0  }
0x23: {  	s3 =	smov.u32 s0;
	[sflag:s21] =	ssyncadd.s32 $0xFFFFE000  }
.LBB2_3:
0x24: {  	s5 =	sshra.s32 s2, $0x2  }
0x25: {  	v15 =	vld.idx.msk [tilespmem:v10+s5+$0xFFFFFFC0 ss:$0x1], $0xffff;
	_ =	sdelay $0x4  }
0x26: {  	v15 =	vadd.s32 v14, v15  }
0x27: {  	vm0 =	vge.s32 v15, v1;
	vm1 =	vlt.s32 v15, v2;
	v16 =	vsub.s32 v15, v3  }
0x28: {  	vm0 =	vmand vm0, vm1;
	v16 =	vshrl.u32 v16, $0xB  }
0x29: {  	v16 =	vand.u32 $0xF, v16;
	_ =	sdelay $0x3  }
0x2a: {  	[tilespmem:s3+$0xFFFFFFC0] =	vst v15  }
0x2b: {  	[tilespmem:v16+s23+$0x0] =	vst.idx.add.s32.msk vm0, v7  }
0x2c: {  	v15 =	vld.idx.msk [tilespmem:v10+s5+$0xFFFFFFD0 ss:$0x1], $0xffff;
	_ =	sdelay $0x4  }
0x2d: {  	v15 =	vadd.s32 v14, v15  }
0x2e: {  	vm14 =	vge.s32 v15, v1;
	vm15 =	vlt.s32 v15, v2;
	v57 =	vsub.s32 v15, v3  }
0x2f: {  	vm0 =	vmand vm14, vm15;
	v16 =	vshrl.u32 v57, $0xB  }
0x30: {  	v16 =	vand.u32 $0xF, v16;
	_ =	sdelay $0x3  }
0x31: {  	[tilespmem:s3+$0xFFFFFFD0] =	vst v15  }
0x32: {  	[tilespmem:v16+s23+$0x0] =	vst.idx.add.s32.msk vm0, v7  }
0x33: {  	v15 =	vld.idx.msk [tilespmem:v10+s5+$0xFFFFFFE0 ss:$0x1], $0xffff;
	_ =	sdelay $0x4  }
0x34: {  	v15 =	vadd.s32 v14, v15  }
0x35: {  	vm4 =	vge.s32 v15, v1;
	vm5 =	vlt.s32 v15, v2;
	v58 =	vsub.s32 v15, v3  }
0x36: {  	vm0 =	vmand vm4, vm5;
	v16 =	vshrl.u32 v58, $0xB  }
0x37: {  	v16 =	vand.u32 $0xF, v16;
	_ =	sdelay $0x3  }
0x38: {  	[tilespmem:s3+$0xFFFFFFE0] =	vst v15  }
0x39: {  	[tilespmem:v16+s23+$0x0] =	vst.idx.add.s32.msk vm0, v7  }
0x3a: {  	v15 =	vld.idx.msk [tilespmem:v10+s5+$0xFFFFFFF0 ss:$0x1], $0xffff;
	_ =	sdelay $0x4  }
0x3b: {  	v15 =	vadd.s32 v14, v15  }
0x3c: {  	vm6 =	vge.s32 v15, v1;
	vm7 =	vlt.s32 v15, v2;
	v59 =	vsub.s32 v15, v3  }
0x3d: {  	vm0 =	vmand vm6, vm7;
	v16 =	vshrl.u32 v59, $0xB  }
0x3e: {  	v16 =	vand.u32 $0xF, v16;
	_ =	sdelay $0x3  }
0x3f: {  	[tilespmem:s3+$0xFFFFFFF0] =	vst v15  }
0x40: {  	[tilespmem:v16+s23+$0x0] =	vst.idx.add.s32.msk vm0, v7  }
0x41: {  	v15 =	vld.idx.msk [tilespmem:v10+s5+$0x0 ss:$0x1], $0xffff;
	_ =	sdelay $0x4  }
0x42: {  	v15 =	vadd.s32 v14, v15  }
0x43: {  	vm8 =	vge.s32 v15, v1;
	vm9 =	vlt.s32 v15, v2;
	v60 =	vsub.s32 v15, v3  }
0x44: {  	vm0 =	vmand vm8, vm9;
	v16 =	vshrl.u32 v60, $0xB  }
0x45: {  	v16 =	vand.u32 $0xF, v16;
	_ =	sdelay $0x3  }
0x46: {  	[tilespmem:s3+$0x0] =	vst v15  }
0x47: {  	[tilespmem:v16+s23+$0x0] =	vst.idx.add.s32.msk vm0, v7  }
0x48: {  	v15 =	vld.idx.msk [tilespmem:v10+s5+$0x10 ss:$0x1], $0xffff;
	_ =	sdelay $0x4  }
0x49: {  	v15 =	vadd.s32 v14, v15  }
0x4a: {  	vm10 =	vge.s32 v15, v1;
	vm11 =	vlt.s32 v15, v2;
	v61 =	vsub.s32 v15, v3  }
0x4b: {  	vm0 =	vmand vm10, vm11;
	v16 =	vshrl.u32 v61, $0xB  }
0x4c: {  	v16 =	vand.u32 $0xF, v16;
	_ =	sdelay $0x3  }
0x4d: {  	[tilespmem:s3+$0x10] =	vst v15  }
0x4e: {  	[tilespmem:v16+s23+$0x0] =	vst.idx.add.s32.msk vm0, v7  }
0x4f: {  	v15 =	vld.idx.msk [tilespmem:v10+s5+$0x20 ss:$0x1], $0xffff;
	_ =	sdelay $0x4  }
0x50: {  	v15 =	vadd.s32 v14, v15  }
0x51: {  	vm12 =	vge.s32 v15, v1;
	vm13 =	vlt.s32 v15, v2;
	v62 =	vsub.s32 v15, v3  }
0x52: {  	vm0 =	vmand vm12, vm13;
	v16 =	vshrl.u32 v62, $0xB  }
0x53: {  	v16 =	vand.u32 $0xF, v16;
	_ =	sdelay $0x3  }
0x54: {  	[tilespmem:s3+$0x20] =	vst v15  }
0x55: {  	[tilespmem:v16+s23+$0x0] =	vst.idx.add.s32.msk vm0, v7  }
0x56: {  	v15 =	vld.idx.msk [tilespmem:v10+s5+$0x30 ss:$0x1], $0xffff;
	_ =	sdelay $0x4  }
0x57: {  	v15 =	vadd.s32 v14, v15  }
0x58: {  	vm14 =	vge.s32 v15, v1;
	vm15 =	vlt.s32 v15, v2;
	v63 =	vsub.s32 v15, v3  }
0x59: {  	vm0 =	vmand vm14, vm15;
	v16 =	vshrl.u32 v63, $0xB  }
0x5a: {  	p0 =	sne.s32 s2, $0x7000;
	v16 =	vand.u32 $0xF, v16  }
.Ltmp0:
0x5b: {  	_ = 	snop;
	(pc) =	sbr.rel @p0 .LBB2_3-.Ltmp0, $3  }
0x5c: {  	_ =	sdelay $0x1  }
0x5d: {  	[tilespmem:s3+$0x30] =	vst v15  }
0x5e: {  	s2 =	sadd.s32 $0x1000, s2;
	s3 =	sadd.s32 $0x80, s3;
	[tilespmem:v16+s23+$0x0] =	vst.idx.add.s32.msk vm0, v7  }
0x5f: {  	s1 =	sadd.s32 $0x1, s1  }
0x60: {  	p0 =	sne.s32 s1, $0x10  }
.Ltmp1:
0x61: {  	_ = 	snop;
	(pc) =	sbr.rel @p0 .LBB2_2-.Ltmp1, $2  }
0x62: {  	_ =	sdelay $0x2  }
0x63: {  	s0 =	sadd.s32 $0x400, s0  }
0x64: {  	v14 =	vld [tilespmem:$0x8200];
	_ =	sdelay $0x4  }
0x65: {  	v14 =	vadd.s32 $0xF, v14  }
0x66: {  	v14 =	vand.u32 $0xFFFFFFF0, v14  }
0x67: {  	(xrf0) =	vadd.scan.msk.s32 $0xffff, v14;
	_ =	sdelay $0x5  }
0x68: {  	v15, _, _ =	vpop (xrf0)  }
0x69: {  	v14 =	vsub.s32 v15, v14  }
0x6a: {  	[tilespmem:$0x8210] =	vst v14  }
0x6b: {  	s2 =	simm.s32 $0x0;
	[tilespmem:$0x8220] =	vst v14  }
0x6c: {  	v14 =	vld [tilespmem:s2+$0x0]  }
0x6d: {  	s1 =	simm.s32 $0x10;
	s0 =	simm.s32 $0x0;
	s3 =	simm.s32 $0x0  }
.LBB2_6:
0x6e: {  	p0 =	sne.s32 s1, $0x3FF0;
	_ =	sdelay $0x2  }
0x6f: {  	v15 =	vsub.s32 v14, v3  }
0x70: {  	vm0 =	vge.s32 v14, v1;
	vm1 =	vlt.s32 v14, v2;
	v14 =	vshrl.u32 v15, $0xB  }
0x71: {  	vm0 =	vmand vm0, vm1;
	v14 =	vand.u32 $0xF, v14  }
0x72: {  	(xrf1) =	vunique.msk.u32 vm0, v14;
	_ =	sdelay $0x8  }
0x73: {  	v16 =	vld.idx.msk [tilespmem:v14+s24+$0x0], $0xffff;
	_ =	sdelay $0x4  }
0x74: {  	_, v17, _ =	vpop (xrf1)  }
0x75: {  	v16 =	vadd.s32 v17, v16  }
0x76: {  	v16 =	vadd.s32 $0xFFFFFFFF, v16  }
0x77: {  	vm1 =	vgt.s32 v16, $0x0  }
0x78: {  	v16 =	vnsel vm1, $0x0, v16  }
0x79: {  	v16 =	vmin.u32 v16, $0x41FF  }
0x7a: {  	v17 =	vmov s0;
	s0 =	smov.u32 s1  }
0x7b: {  	v17 =	vshll.u32 v17, $0xF  }
0x7c: {  	v17 =	vor.u32 v9, v17  }
.Ltmp2:
0x7d: {  	v15 =	vor.u32 v17, v15;
	(pc) =	sbr.rel @p0 .LBB2_6-.Ltmp2, $4  }
0x7e: {  	[tilespmem:v16+s25+$0x0] =	vst.idx.msk vm0, v15  }
0x7f: {  	s3 =	sadd.s32 $0x10, s3;
	[tilespmem:v14+s24+$0x0] =	vst.idx.add.s32.msk vm0, v7  }
0x80: {  	v14 =	vld [tilespmem:s3+$0x0]  }
0x81: {  	s1 =	sadd.s32 $0x10, s1  }
0x82: {  	_ =	sdelay $0x2  }
0x83: {  	v15 =	vsub.s32 v14, v3  }
0x84: {  	vm0 =	vge.s32 v14, v1;
	vm1 =	vlt.s32 v14, v2;
	v14 =	vshrl.u32 v15, $0xB  }
0x85: {  	vm0 =	vmand vm0, vm1;
	v14 =	vand.u32 $0xF, v14  }
0x86: {  	(xrf1) =	vunique.msk.u32 vm0, v14;
	_ =	sdelay $0x9  }
0x87: {  	v16 =	vld.idx.msk [tilespmem:v14+s24+$0x0], $0xffff;
	_ =	sdelay $0x3  }
0x88: {  	_, v17, _ =	vpop (xrf1)  }
0x89: {  	v16 =	vadd.s32 v17, v16  }
0x8a: {  	v16 =	vadd.s32 $0xFFFFFFFF, v16  }
0x8b: {  	vm15 =	vgt.s32 v16, $0x0  }
0x8c: {  	v16 =	vnsel vm15, $0x0, v16  }
0x8d: {  	v16 =	vmin.u32 v16, $0x41FF  }
0x8e: {  	v63 =	vmov s0  }
.Ltmp3:
0x8f: {  	v17 =	vshll.u32 v63, $0xF;
	(pc) =	sbr.rel .LBB2_8-.Ltmp3, $4  }
0x90: {  	v17 =	vor.u32 v9, v17  }
0x91: {  	v15 =	vor.u32 v17, v15  }
0x92: {  	[tilespmem:v16+s25+$0x0] =	vst.idx.msk vm0, v15  }
0x93: {  	[tilespmem:v14+s24+$0x0] =	vst.idx.add.s32.msk vm0, v7  }
.LBB2_18:
0x94: {  	s2 =	sadd.s32 $0x1, s2  }
0x95: {  	p0 =	sne.s32 s2, $0xD  }
.Ltmp4:
0x96: {  	_ = 	snop;
	(pc) =	sbr.rel @!p0 .LBB2_19-.Ltmp4, $1  }
0x97: {  	_ =	sdelay $0x3  }
.LBB2_8:
0x98: {  	s0 =	sshll.u32 s2, $0x4;
	s1 =	rddreg [dreg:$0x6]  }
0x99: {  	s1 =	sadd.s32 s1, s0  }
0x9a: {  	s1 =	sshll.u32 s1, $0x7  }
0x9b: {  	s1 =	sadd.s32 s4, s1  }
0x9c: {  	[tilespmem:s26], [sflag:$0x2] =	stream.linear.gather [hbm4b:s1+s7], $0x4000, $0x38;
	[tilespmem:$0x1E438] =	vst v63  }
0x9d: {  	_ =	swait.ge [sflag:s21], $0x4000  }
0x9e: {  	s14 =	rddreg [dreg:$0x7]  }
0x9f: {  	s1 =	sadd.s32 s0, s14  }
0xa0: {  	[sflag:s21] =	ssyncset.done $0x0;
	s1 =	sshll.u32 s1, $0x7  }
0xa1: {  	s3 =	simm.s32 $0xC230;
	[sflag:s21] =	ssyncadd.s32 $0xFFFFC000;
	s1 =	sadd.s32 s4, s1  }
0xa2: {  	[tilespmem:s3], [sflag:$0x2] =	stream.linear.gather [hbm4b:s1+s7], $0x4000, $0x38;
	[tilespmem:$0x1E438] =	vst v63  }
0xa3: {  	_ =	swait.ge [sflag:s21], $0x4000  }
0xa4: {  	s15 =	rddreg [dreg:$0x8]  }
0xa5: {  	s1 =	sadd.s32 s0, s15  }
0xa6: {  	[sflag:s21] =	ssyncset.done $0x0;
	s1 =	sshll.u32 s1, $0x7  }
0xa7: {  	s22 =	simm.s32 $0x10230;
	[sflag:s21] =	ssyncadd.s32 $0xFFFFC000;
	s1 =	sadd.s32 s4, s1  }
0xa8: {  	[tilespmem:s22], [sflag:$0x2] =	stream.linear.gather [hbm4b:s1+s7], $0x4000, $0x38;
	[tilespmem:$0x1E438] =	vst v63  }
0xa9: {  	_ =	swait.ge [sflag:s21], $0x4000  }
0xaa: {  	s28 =	rddreg [dreg:$0x9]  }
0xab: {  	s0 =	sadd.s32 s0, s28  }
0xac: {  	[sflag:s21] =	ssyncset.done $0x0;
	s0 =	sshll.u32 s0, $0x7  }
0xad: {  	s29 =	simm.s32 $0x14230;
	[sflag:s21] =	ssyncadd.s32 $0xFFFFC000;
	s0 =	sadd.s32 s4, s0  }
0xae: {  	[tilespmem:s29], [sflag:$0x2] =	stream.linear.gather [hbm4b:s0+s7], $0x4000, $0x38;
	[tilespmem:$0x1E438] =	vst v63  }
0xaf: {  	_ =	swait.ge [sflag:s21], $0x4000  }
0xb0: {  	[sflag:s21] =	ssyncset.done $0x0  }
0xb1: {  	[sflag:s21] =	ssyncadd.s32 $0xFFFFC000  }
0xb2: {  	v14 =	vld [tilespmem:$0x8200];
	_ =	sdelay $0x3  }
0xb3: {  	v15 =	vmov s2  }
0xb4: {  	vm0 =	veq.s32 v15, v8;
	v14 =	vxor.u32 $0x80000000, v14  }
0xb5: {  	v14 =	vnsel vm0, $0x80000000, v14  }
0xb6: {  	(xrf0) =	vmax.scan.msk.u32 $0xffff, v14;
	_ =	sdelay $0x5  }
0xb7: {  	v14, _, _ =	vpop (xrf0)  }
0xb8: {  	(v2sf) =	vpush v14, $0xF;
	_ =	sdelay $0xe  }
0xb9: {  	s0 =	spop (v2sf)  }
0xba: {  	s30 =	sadd.s32 $0x800001FF, s0  }
0xbb: {  	s5 =	sshrl.u32 s30, $0x9  }
0xbc: {  	p0 =	seq.s32 s5, $0x0  }
.Ltmp5:
0xbd: {  	_ = 	snop;
	(pc) =	sbr.rel @p0 .LBB2_18-.Ltmp5, $2  }
0xbe: {  	_ =	sdelay $0x2  }
0xbf: {  	v14 =	vld.idx.msk [tilespmem:v15+s23+$0x0], $0xffff  }
0xc0: {  	v15 =	vld [tilespmem:$0x8210];
	_ =	sdelay $0x4  }
0xc1: {  	v15 =	vxor.u32 $0x80000000, v15  }
0xc2: {  	v15 =	vnsel vm0, $0x80000000, v15  }
0xc3: {  	(xrf0) =	vmax.scan.msk.u32 $0xffff, v15;
	_ =	sdelay $0x5  }
0xc4: {  	v15, _, _ =	vpop (xrf0)  }
0xc5: {  	(v2sf) =	vpush v15, $0xF;
	_ =	sdelay $0xb  }
.Ltmp6:
0xc6: {  	_ = 	snop;
	(pc) =	sbr.rel .LBB2_10-.Ltmp6, $4  }
0xc7: {  	_ = 	snop  }
0xc8: {  	s6 =	sadd.s32 $0x8000000F, s0  }
0xc9: {  	s29 =	simm.s32 $0x0;
	s30 =	simm.s32 $0x0;
	s1 =	spop (v2sf)  }
0xca: {  	s0 =	simm.s32 $0x0;
	s22 =	smov.u32 s6;
	s13 =	sadd.s32 $0x80004000, s1  }
.LBB2_17:
0xcb: {  	s0 =	sadd.s32 $0x1, s0  }
0xcc: {  	p0 =	sne.s32 s0, s5  }
.Ltmp7:
0xcd: {  	_ = 	snop;
	(pc) =	sbr.rel @!p0 .LBB2_18-.Ltmp7, $4  }
0xce: {  	[hbm4b:s8+s20] =	stream.indirect.scatter [tilespmem:s31], [sflag:$0x1], $0x20, s19, s20, $0xb8;
	[tilespmem:$0x1E438] =	vst v63  }
0xcf: {  	_ =	swait.ge [sflag:s9], $0x4000  }
0xd0: {  	s22 =	sadd.s32 $0xFFFFFE00, s22;
	[sflag:s9] =	ssyncset.done $0x0  }
0xd1: {  	s13 =	sadd.s32 $0x200, s13;
	s30 =	sadd.s32 $0x200, s30;
	[sflag:s9] =	ssyncadd.s32 $0xFFFFC000  }
.LBB2_10:
0xd2: {  	s1 =	sshll.u32 s0, $0x9  }
0xd3: {  	s3 =	ssub.s32 s6, s1  }
0xd4: {  	s1 =	sshrl.u32 s3, $0x4  }
0xd5: {  	p0 =	sne.s32 s1, $0x0  }
.Ltmp8:
0xd6: {  	_ = 	snop;
	(pc) =	sbr.rel @!p0 .LBB2_14-.Ltmp8, $2  }
0xd7: {  	_ =	sdelay $0x2  }
0xd8: {  	s1 =	sshrl.u32 s22, $0x4  }
0xd9: {  	v15 =	vld [tilespmem:s13+$0x0];
	_ =	sdelay $0x3  }
0xda: {  	s12 =	sadd.s32 $0x0, s30  }
0xdb: {  	v16 =	vor.u32 s12, v8;
	v17 =	vshll.u32 v15, $0x3  }
0xdc: {  	vm0 =	vlt.s32 v16, v14;
	v16 =	vand.u32 $0x3C00, v17;
	v17 =	vand.u32 $0x7F, v15  }
0xdd: {  	v16 =	vor.u32 v17, v16;
	_ =	sdelay $0x2  }
0xde: {  	v17 =	vmov s29  }
0xdf: {  	v17 =	vshll.u32 v17, $0x5  }
0xe0: {  	v17 =	vor.u32 v13, v17;
	v18 =	vld.idx.msk [tilespmem:v16+s26+$0x0], vm0  }
0xe1: {  	v19 =	vor.u32 $0x80, v16;
	_ =	sdelay $0x3  }
0xe2: {  	[tilespmem:v17+s31+$0x0] =	vst.idx.msk $0xffff, v18  }
0xe3: {  	v46 =	vor.u32 $0x1, v17;
	v18 =	vld.idx.msk [tilespmem:v19+s26+$0x0], vm0  }
0xe4: {  	v20 =	vor.u32 $0x100, v16;
	_ =	sdelay $0x3  }
0xe5: {  	[tilespmem:v46+s31+$0x0] =	vst.idx.msk $0xffff, v18  }
0xe6: {  	v47 =	vor.u32 $0x2, v17;
	v18 =	vld.idx.msk [tilespmem:v20+s26+$0x0], vm0  }
0xe7: {  	v48 =	vor.u32 $0x180, v16;
	_ =	sdelay $0x3  }
0xe8: {  	[tilespmem:v47+s31+$0x0] =	vst.idx.msk $0xffff, v18  }
0xe9: {  	v49 =	vor.u32 $0x3, v17;
	v18 =	vld.idx.msk [tilespmem:v48+s26+$0x0], vm0  }
0xea: {  	v50 =	vor.u32 $0x200, v16;
	_ =	sdelay $0x3  }
0xeb: {  	[tilespmem:v49+s31+$0x0] =	vst.idx.msk $0xffff, v18  }
0xec: {  	v51 =	vor.u32 $0x4, v17;
	v18 =	vld.idx.msk [tilespmem:v50+s26+$0x0], vm0  }
0xed: {  	v52 =	vor.u32 $0x280, v16;
	_ =	sdelay $0x3  }
0xee: {  	[tilespmem:v51+s31+$0x0] =	vst.idx.msk $0xffff, v18  }
0xef: {  	v53 =	vor.u32 $0x5, v17;
	v18 =	vld.idx.msk [tilespmem:v52+s26+$0x0], vm0  }
0xf0: {  	v54 =	vor.u32 $0x300, v16;
	_ =	sdelay $0x3  }
0xf1: {  	[tilespmem:v53+s31+$0x0] =	vst.idx.msk $0xffff, v18  }
0xf2: {  	v55 =	vor.u32 $0x6, v17;
	v18 =	vld.idx.msk [tilespmem:v54+s26+$0x0], vm0  }
0xf3: {  	v56 =	vor.u32 $0x380, v16;
	_ =	sdelay $0x3  }
0xf4: {  	[tilespmem:v55+s31+$0x0] =	vst.idx.msk $0xffff, v18  }
0xf5: {  	v57 =	vor.u32 $0x7, v17;
	v18 =	vld.idx.msk [tilespmem:v56+s26+$0x0], vm0  }
0xf6: {  	v58 =	vor.u32 $0x4000, v16;
	_ =	sdelay $0x3  }
0xf7: {  	[tilespmem:v57+s31+$0x0] =	vst.idx.msk $0xffff, v18  }
0xf8: {  	v59 =	vor.u32 $0x8, v17;
	v18 =	vld.idx.msk [tilespmem:v58+s26+$0x0], vm0  }
0xf9: {  	v60 =	vor.u32 $0x4080, v16;
	_ =	sdelay $0x3  }
0xfa: {  	[tilespmem:v59+s31+$0x0] =	vst.idx.msk $0xffff, v18  }
0xfb: {  	v61 =	vor.u32 $0x9, v17;
	v18 =	vld.idx.msk [tilespmem:v60+s26+$0x0], vm0  }
0xfc: {  	v62 =	vor.u32 $0x4100, v16;
	_ =	sdelay $0x3  }
0xfd: {  	[tilespmem:v61+s31+$0x0] =	vst.idx.msk $0xffff, v18  }
0xfe: {  	v63 =	vor.u32 $0xA, v17;
	v18 =	vld.idx.msk [tilespmem:v62+s26+$0x0], vm0  }
0xff: {  	v24 =	vor.u32 $0x4180, v16;
	_ =	sdelay $0x3  }
0x100: {  	[tilespmem:v63+s31+$0x0] =	vst.idx.msk $0xffff, v18  }
0x101: {  	v25 =	vor.u32 $0xB, v17;
	v18 =	vld.idx.msk [tilespmem:v24+s26+$0x0], vm0  }
0x102: {  	v26 =	vor.u32 $0x4200, v16;
	_ =	sdelay $0x3  }
0x103: {  	[tilespmem:v25+s31+$0x0] =	vst.idx.msk $0xffff, v18  }
0x104: {  	v27 =	vor.u32 $0xC, v17;
	v18 =	vld.idx.msk [tilespmem:v26+s26+$0x0], vm0  }
0x105: {  	v28 =	vor.u32 $0x4280, v16;
	_ =	sdelay $0x3  }
0x106: {  	[tilespmem:v27+s31+$0x0] =	vst.idx.msk $0xffff, v18  }
0x107: {  	v29 =	vor.u32 $0xD, v17;
	v18 =	vld.idx.msk [tilespmem:v28+s26+$0x0], vm0  }
0x108: {  	v30 =	vor.u32 $0x4300, v16;
	_ =	sdelay $0x3  }
0x109: {  	[tilespmem:v29+s31+$0x0] =	vst.idx.msk $0xffff, v18  }
0x10a: {  	v31 =	vor.u32 $0xE, v17;
	v18 =	vld.idx.msk [tilespmem:v30+s26+$0x0], vm0  }
0x10b: {  	v32 =	vor.u32 $0x4380, v16;
	_ =	sdelay $0x3  }
0x10c: {  	[tilespmem:v31+s31+$0x0] =	vst.idx.msk $0xffff, v18  }
0x10d: {  	v33 =	vor.u32 $0xF, v17;
	v18 =	vld.idx.msk [tilespmem:v32+s26+$0x0], vm0  }
0x10e: {  	v34 =	vor.u32 $0x8000, v16;
	_ =	sdelay $0x3  }
0x10f: {  	[tilespmem:v33+s31+$0x0] =	vst.idx.msk $0xffff, v18  }
0x110: {  	v35 =	vor.u32 $0x10, v17;
	v18 =	vld.idx.msk [tilespmem:v34+s26+$0x0], vm0  }
0x111: {  	v36 =	vor.u32 $0x8080, v16;
	_ =	sdelay $0x3  }
0x112: {  	[tilespmem:v35+s31+$0x0] =	vst.idx.msk $0xffff, v18  }
0x113: {  	v37 =	vor.u32 $0x11, v17;
	v18 =	vld.idx.msk [tilespmem:v36+s26+$0x0], vm0  }
0x114: {  	v38 =	vor.u32 $0x8100, v16;
	_ =	sdelay $0x3  }
0x115: {  	[tilespmem:v37+s31+$0x0] =	vst.idx.msk $0xffff, v18  }
0x116: {  	v39 =	vor.u32 $0x12, v17;
	v18 =	vld.idx.msk [tilespmem:v38+s26+$0x0], vm0  }
0x117: {  	v40 =	vor.u32 $0x8180, v16;
	_ =	sdelay $0x3  }
0x118: {  	[tilespmem:v39+s31+$0x0] =	vst.idx.msk $0xffff, v18  }
0x119: {  	v41 =	vor.u32 $0x13, v17;
	v18 =	vld.idx.msk [tilespmem:v40+s26+$0x0], vm0  }
0x11a: {  	v42 =	vor.u32 $0x8200, v16;
	_ =	sdelay $0x3  }
0x11b: {  	[tilespmem:v41+s31+$0x0] =	vst.idx.msk $0xffff, v18  }
0x11c: {  	v43 =	vor.u32 $0x14, v17;
	v18 =	vld.idx.msk [tilespmem:v42+s26+$0x0], vm0  }
0x11d: {  	v44 =	vor.u32 $0x8280, v16;
	_ =	sdelay $0x3  }
0x11e: {  	[tilespmem:v43+s31+$0x0] =	vst.idx.msk $0xffff, v18  }
0x11f: {  	v45 =	vor.u32 $0x15, v17;
	v18 =	vld.idx.msk [tilespmem:v44+s26+$0x0], vm0  }
0x120: {  	v46 =	vor.u32 $0x8300, v16;
	_ =	sdelay $0x3  }
0x121: {  	[tilespmem:v45+s31+$0x0] =	vst.idx.msk $0xffff, v18  }
0x122: {  	v47 =	vor.u32 $0x16, v17;
	v18 =	vld.idx.msk [tilespmem:v46+s26+$0x0], vm0  }
0x123: {  	v48 =	vor.u32 $0x8380, v16;
	_ =	sdelay $0x3  }
0x124: {  	[tilespmem:v47+s31+$0x0] =	vst.idx.msk $0xffff, v18  }
0x125: {  	v49 =	vor.u32 $0x17, v17;
	v18 =	vld.idx.msk [tilespmem:v48+s26+$0x0], vm0  }
0x126: {  	v50 =	vor.u32 $0xC000, v16;
	_ =	sdelay $0x3  }
0x127: {  	[tilespmem:v49+s31+$0x0] =	vst.idx.msk $0xffff, v18  }
0x128: {  	v51 =	vor.u32 $0x18, v17;
	v18 =	vld.idx.msk [tilespmem:v50+s26+$0x0], vm0  }
0x129: {  	v52 =	vor.u32 $0xC080, v16;
	_ =	sdelay $0x3  }
0x12a: {  	[tilespmem:v51+s31+$0x0] =	vst.idx.msk $0xffff, v18  }
0x12b: {  	v53 =	vor.u32 $0x19, v17;
	v18 =	vld.idx.msk [tilespmem:v52+s26+$0x0], vm0  }
0x12c: {  	v54 =	vor.u32 $0xC100, v16;
	_ =	sdelay $0x3  }
0x12d: {  	[tilespmem:v53+s31+$0x0] =	vst.idx.msk $0xffff, v18  }
0x12e: {  	v55 =	vor.u32 $0x1A, v17;
	v18 =	vld.idx.msk [tilespmem:v54+s26+$0x0], vm0  }
0x12f: {  	v56 =	vor.u32 $0xC180, v16;
	_ =	sdelay $0x3  }
0x130: {  	[tilespmem:v55+s31+$0x0] =	vst.idx.msk $0xffff, v18  }
0x131: {  	v57 =	vor.u32 $0x1B, v17;
	v18 =	vld.idx.msk [tilespmem:v56+s26+$0x0], vm0  }
0x132: {  	v58 =	vor.u32 $0xC200, v16;
	_ =	sdelay $0x3  }
0x133: {  	[tilespmem:v57+s31+$0x0] =	vst.idx.msk $0xffff, v18  }
0x134: {  	v59 =	vor.u32 $0x1C, v17;
	v18 =	vld.idx.msk [tilespmem:v58+s26+$0x0], vm0  }
0x135: {  	v60 =	vor.u32 $0xC280, v16;
	_ =	sdelay $0x3  }
0x136: {  	[tilespmem:v59+s31+$0x0] =	vst.idx.msk $0xffff, v18  }
0x137: {  	v61 =	vor.u32 $0x1D, v17;
	v18 =	vld.idx.msk [tilespmem:v60+s26+$0x0], vm0  }
0x138: {  	v62 =	vor.u32 $0xC300, v16;
	_ =	sdelay $0x3  }
0x139: {  	[tilespmem:v61+s31+$0x0] =	vst.idx.msk $0xffff, v18  }
0x13a: {  	v63 =	vor.u32 $0x1E, v17;
	v18 =	vld.idx.msk [tilespmem:v62+s26+$0x0], vm0  }
0x13b: {  	v16 =	vor.u32 $0xC380, v16;
	_ =	sdelay $0x1  }
0x13c: {  	s10 =	smax.u32 s1, $0x1  }
0x13d: {  	s10 =	smin.u32 s10, $0x20  }
0x13e: {  	s11 =	sshll.u32 s10, $0x4;
	[tilespmem:v63+s31+$0x0] =	vst.idx.msk $0xffff, v18  }
0x13f: {  	p0 =	seq.s32 s11, $0x10;
	v17 =	vor.u32 $0x1F, v17;
	v16 =	vld.idx.msk [tilespmem:v16+s26+$0x0], vm0  }
.Ltmp9:
0x140: {  	_ = 	snop;
	(pc) =	sbr.rel @p0 .LBB2_13-.Ltmp9, $4  }
0x141: {  	_ = 	snop  }
0x142: {  	v15 =	vshrl.u32 v15, $0xF  }
0x143: {  	v15 =	vadd.s32 v4, v15  }
0x144: {  	s28 =	smov.u32 s13;
	s12 =	simm.s32 $0x10;
	s10 =	simm.s32 $0x1C230;
	v15 =	vsel vm0, v15, v5;
	[tilespmem:v17+s31+$0x0] =	vst.idx.msk $0xffff, v16  }
.LBB2_12:
0x145: {  	[tilespmem:s10+$0x0] =	vst v15;
	s10 =	sadd.s32 $0x10, s10  }
0x146: {  	s28 =	sadd.s32 $0x10, s28;
	s14 =	smov.u32 s12;
	s12 =	sadd.s32 $0x10, s12  }
0x147: {  	v15 =	vld [tilespmem:s28+$0x0];
	p0 =	seq.s32 s11, s12;
	_ =	sdelay $0x3  }
0x148: {  	s15 =	sadd.s32 s14, s30  }
0x149: {  	v16 =	vor.u32 s15, v8;
	v17 =	vshrl.u32 v15, $0xF;
	v18 =	vshll.u32 v15, $0x3  }
0x14a: {  	vm0 =	vlt.s32 v16, v14;
	v15 =	vand.u32 $0x7F, v15;
	v16 =	vand.u32 $0x3C00, v18  }
0x14b: {  	v16 =	vor.u32 v15, v16;
	v15 =	vadd.s32 v4, v17  }
0x14c: {  	v15 =	vsel vm0, v15, v5;
	_ =	sdelay $0x2  }
0x14d: {  	v17 =	vmov s14  }
0x14e: {  	v17 =	vshll.u32 v17, $0x5;
	v18 =	vld.idx.msk [tilespmem:v16+s26+$0x0], vm0  }
0x14f: {  	v17 =	vor.u32 v13, v17  }
0x150: {  	v19 =	vor.u32 $0x80, v16;
	_ =	sdelay $0x3  }
0x151: {  	[tilespmem:v17+s31+$0x0] =	vst.idx.msk $0xffff, v18  }
0x152: {  	v18 =	vld.idx.msk [tilespmem:v19+s26+$0x0], vm0  }
0x153: {  	v19 =	vor.u32 $0x1, v17  }
0x154: {  	v20 =	vor.u32 $0x100, v16;
	_ =	sdelay $0x3  }
0x155: {  	[tilespmem:v19+s31+$0x0] =	vst.idx.msk $0xffff, v18  }
0x156: {  	v18 =	vld.idx.msk [tilespmem:v20+s26+$0x0], vm0  }
0x157: {  	v19 =	vor.u32 $0x2, v17  }
0x158: {  	v20 =	vor.u32 $0x180, v16;
	_ =	sdelay $0x3  }
0x159: {  	[tilespmem:v19+s31+$0x0] =	vst.idx.msk $0xffff, v18  }
0x15a: {  	v18 =	vld.idx.msk [tilespmem:v20+s26+$0x0], vm0  }
0x15b: {  	v19 =	vor.u32 $0x3, v17  }
0x15c: {  	v20 =	vor.u32 $0x200, v16;
	_ =	sdelay $0x3  }
0x15d: {  	[tilespmem:v19+s31+$0x0] =	vst.idx.msk $0xffff, v18  }
0x15e: {  	v18 =	vld.idx.msk [tilespmem:v20+s26+$0x0], vm0  }
0x15f: {  	v19 =	vor.u32 $0x4, v17  }
0x160: {  	v20 =	vor.u32 $0x280, v16;
	_ =	sdelay $0x3  }
0x161: {  	[tilespmem:v19+s31+$0x0] =	vst.idx.msk $0xffff, v18  }
0x162: {  	v18 =	vld.idx.msk [tilespmem:v20+s26+$0x0], vm0  }
0x163: {  	v19 =	vor.u32 $0x5, v17  }
0x164: {  	v20 =	vor.u32 $0x300, v16;
	_ =	sdelay $0x3  }
0x165: {  	[tilespmem:v19+s31+$0x0] =	vst.idx.msk $0xffff, v18  }
0x166: {  	v18 =	vld.idx.msk [tilespmem:v20+s26+$0x0], vm0  }
0x167: {  	v19 =	vor.u32 $0x6, v17  }
0x168: {  	v20 =	vor.u32 $0x380, v16;
	_ =	sdelay $0x3  }
0x169: {  	[tilespmem:v19+s31+$0x0] =	vst.idx.msk $0xffff, v18  }
0x16a: {  	v18 =	vld.idx.msk [tilespmem:v20+s26+$0x0], vm0  }
0x16b: {  	v19 =	vor.u32 $0x7, v17  }
0x16c: {  	v20 =	vor.u32 $0x4000, v16;
	_ =	sdelay $0x3  }
0x16d: {  	[tilespmem:v19+s31+$0x0] =	vst.idx.msk $0xffff, v18  }
0x16e: {  	v18 =	vld.idx.msk [tilespmem:v20+s26+$0x0], vm0  }
0x16f: {  	v19 =	vor.u32 $0x8, v17  }
0x170: {  	v20 =	vor.u32 $0x4080, v16;
	_ =	sdelay $0x3  }
0x171: {  	[tilespmem:v19+s31+$0x0] =	vst.idx.msk $0xffff, v18  }
0x172: {  	v18 =	vld.idx.msk [tilespmem:v20+s26+$0x0], vm0  }
0x173: {  	v19 =	vor.u32 $0x9, v17  }
0x174: {  	v20 =	vor.u32 $0x4100, v16;
	_ =	sdelay $0x3  }
0x175: {  	[tilespmem:v19+s31+$0x0] =	vst.idx.msk $0xffff, v18  }
0x176: {  	v18 =	vld.idx.msk [tilespmem:v20+s26+$0x0], vm0  }
0x177: {  	v19 =	vor.u32 $0xA, v17  }
0x178: {  	v20 =	vor.u32 $0x4180, v16;
	_ =	sdelay $0x3  }
0x179: {  	[tilespmem:v19+s31+$0x0] =	vst.idx.msk $0xffff, v18  }
0x17a: {  	v18 =	vld.idx.msk [tilespmem:v20+s26+$0x0], vm0  }
0x17b: {  	v19 =	vor.u32 $0xB, v17  }
0x17c: {  	v20 =	vor.u32 $0x4200, v16;
	_ =	sdelay $0x3  }
0x17d: {  	[tilespmem:v19+s31+$0x0] =	vst.idx.msk $0xffff, v18  }
0x17e: {  	v18 =	vld.idx.msk [tilespmem:v20+s26+$0x0], vm0  }
0x17f: {  	v19 =	vor.u32 $0xC, v17  }
0x180: {  	v20 =	vor.u32 $0x4280, v16;
	_ =	sdelay $0x3  }
0x181: {  	[tilespmem:v19+s31+$0x0] =	vst.idx.msk $0xffff, v18  }
0x182: {  	v18 =	vld.idx.msk [tilespmem:v20+s26+$0x0], vm0  }
0x183: {  	v19 =	vor.u32 $0xD, v17  }
0x184: {  	v20 =	vor.u32 $0x4300, v16;
	_ =	sdelay $0x3  }
0x185: {  	[tilespmem:v19+s31+$0x0] =	vst.idx.msk $0xffff, v18  }
0x186: {  	v18 =	vld.idx.msk [tilespmem:v20+s26+$0x0], vm0  }
0x187: {  	v19 =	vor.u32 $0xE, v17  }
0x188: {  	v20 =	vor.u32 $0x4380, v16;
	_ =	sdelay $0x3  }
0x189: {  	[tilespmem:v19+s31+$0x0] =	vst.idx.msk $0xffff, v18  }
0x18a: {  	v18 =	vld.idx.msk [tilespmem:v20+s26+$0x0], vm0  }
0x18b: {  	v19 =	vor.u32 $0xF, v17  }
0x18c: {  	v20 =	vor.u32 $0x8000, v16;
	_ =	sdelay $0x3  }
0x18d: {  	[tilespmem:v19+s31+$0x0] =	vst.idx.msk $0xffff, v18  }
0x18e: {  	v18 =	vld.idx.msk [tilespmem:v20+s26+$0x0], vm0  }
0x18f: {  	v19 =	vor.u32 $0x10, v17  }
0x190: {  	v20 =	vor.u32 $0x8080, v16;
	_ =	sdelay $0x3  }
0x191: {  	[tilespmem:v19+s31+$0x0] =	vst.idx.msk $0xffff, v18  }
0x192: {  	v18 =	vld.idx.msk [tilespmem:v20+s26+$0x0], vm0  }
0x193: {  	v19 =	vor.u32 $0x11, v17  }
0x194: {  	v20 =	vor.u32 $0x8100, v16;
	_ =	sdelay $0x3  }
0x195: {  	[tilespmem:v19+s31+$0x0] =	vst.idx.msk $0xffff, v18  }
0x196: {  	v18 =	vld.idx.msk [tilespmem:v20+s26+$0x0], vm0  }
0x197: {  	v19 =	vor.u32 $0x12, v17  }
0x198: {  	v20 =	vor.u32 $0x8180, v16;
	_ =	sdelay $0x3  }
0x199: {  	[tilespmem:v19+s31+$0x0] =	vst.idx.msk $0xffff, v18  }
0x19a: {  	v18 =	vld.idx.msk [tilespmem:v20+s26+$0x0], vm0  }
0x19b: {  	v19 =	vor.u32 $0x13, v17  }
0x19c: {  	v20 =	vor.u32 $0x8200, v16;
	_ =	sdelay $0x3  }
0x19d: {  	[tilespmem:v19+s31+$0x0] =	vst.idx.msk $0xffff, v18  }
0x19e: {  	v18 =	vld.idx.msk [tilespmem:v20+s26+$0x0], vm0  }
0x19f: {  	v19 =	vor.u32 $0x14, v17  }
0x1a0: {  	v20 =	vor.u32 $0x8280, v16;
	_ =	sdelay $0x3  }
0x1a1: {  	[tilespmem:v19+s31+$0x0] =	vst.idx.msk $0xffff, v18  }
0x1a2: {  	v18 =	vld.idx.msk [tilespmem:v20+s26+$0x0], vm0  }
0x1a3: {  	v19 =	vor.u32 $0x15, v17  }
0x1a4: {  	v20 =	vor.u32 $0x8300, v16;
	_ =	sdelay $0x3  }
0x1a5: {  	[tilespmem:v19+s31+$0x0] =	vst.idx.msk $0xffff, v18  }
0x1a6: {  	v18 =	vld.idx.msk [tilespmem:v20+s26+$0x0], vm0  }
0x1a7: {  	v19 =	vor.u32 $0x16, v17  }
0x1a8: {  	v20 =	vor.u32 $0x8380, v16;
	_ =	sdelay $0x3  }
0x1a9: {  	[tilespmem:v19+s31+$0x0] =	vst.idx.msk $0xffff, v18  }
0x1aa: {  	v18 =	vld.idx.msk [tilespmem:v20+s26+$0x0], vm0  }
0x1ab: {  	v19 =	vor.u32 $0x17, v17  }
0x1ac: {  	v20 =	vor.u32 $0xC000, v16;
	_ =	sdelay $0x3  }
0x1ad: {  	[tilespmem:v19+s31+$0x0] =	vst.idx.msk $0xffff, v18  }
0x1ae: {  	v18 =	vld.idx.msk [tilespmem:v20+s26+$0x0], vm0  }
0x1af: {  	v19 =	vor.u32 $0x18, v17  }
0x1b0: {  	v20 =	vor.u32 $0xC080, v16;
	_ =	sdelay $0x3  }
0x1b1: {  	[tilespmem:v19+s31+$0x0] =	vst.idx.msk $0xffff, v18  }
0x1b2: {  	v18 =	vld.idx.msk [tilespmem:v20+s26+$0x0], vm0  }
0x1b3: {  	v19 =	vor.u32 $0x19, v17  }
0x1b4: {  	v20 =	vor.u32 $0xC100, v16;
	_ =	sdelay $0x3  }
0x1b5: {  	[tilespmem:v19+s31+$0x0] =	vst.idx.msk $0xffff, v18  }
0x1b6: {  	v18 =	vld.idx.msk [tilespmem:v20+s26+$0x0], vm0  }
0x1b7: {  	v19 =	vor.u32 $0x1A, v17  }
0x1b8: {  	v20 =	vor.u32 $0xC180, v16;
	_ =	sdelay $0x3  }
0x1b9: {  	[tilespmem:v19+s31+$0x0] =	vst.idx.msk $0xffff, v18  }
0x1ba: {  	v18 =	vld.idx.msk [tilespmem:v20+s26+$0x0], vm0  }
0x1bb: {  	v19 =	vor.u32 $0x1B, v17  }
0x1bc: {  	v20 =	vor.u32 $0xC200, v16;
	_ =	sdelay $0x3  }
0x1bd: {  	[tilespmem:v19+s31+$0x0] =	vst.idx.msk $0xffff, v18  }
0x1be: {  	v18 =	vld.idx.msk [tilespmem:v20+s26+$0x0], vm0  }
0x1bf: {  	v19 =	vor.u32 $0x1C, v17  }
0x1c0: {  	v20 =	vor.u32 $0xC280, v16;
	_ =	sdelay $0x3  }
0x1c1: {  	[tilespmem:v19+s31+$0x0] =	vst.idx.msk $0xffff, v18  }
0x1c2: {  	v18 =	vld.idx.msk [tilespmem:v20+s26+$0x0], vm0  }
0x1c3: {  	v19 =	vor.u32 $0x1D, v17  }
0x1c4: {  	v20 =	vor.u32 $0xC300, v16;
	_ =	sdelay $0x3  }
0x1c5: {  	[tilespmem:v19+s31+$0x0] =	vst.idx.msk $0xffff, v18  }
0x1c6: {  	v18 =	vld.idx.msk [tilespmem:v20+s26+$0x0], vm0  }
0x1c7: {  	v19 =	vor.u32 $0x1E, v17  }
0x1c8: {  	v16 =	vor.u32 $0xC380, v16;
	_ =	sdelay $0x3  }
0x1c9: {  	[tilespmem:v19+s31+$0x0] =	vst.idx.msk $0xffff, v18  }
0x1ca: {  	v16 =	vld.idx.msk [tilespmem:v16+s26+$0x0], vm0  }
0x1cb: {  	v17 =	vor.u32 $0x1F, v17  }
.Ltmp10:
0x1cc: {  	(pc) =	sbr.rel @!p0 .LBB2_12-.Ltmp10, $2  }
0x1cd: {  	_ =	sdelay $0x2  }
0x1ce: {  	[tilespmem:v17+s31+$0x0] =	vst.idx.msk $0xffff, v16  }
.LBB2_13:
0x1cf: {  	[tilespmem:s10+$0x0] =	vst v15  }
.LBB2_14:
0x1d0: {  	p0 =	slt.u32 s3, $0x200  }
.Ltmp11:
0x1d1: {  	_ = 	snop;
	(pc) =	sbr.rel @!p0 .LBB2_17-.Ltmp11, $1  }
0x1d2: {  	_ =	sdelay $0x3  }
0x1d3: {  	s1 =	smin.u32 s1, $0x20  }
0x1d4: {  	s3 =	sadd.s32 $0xFFFFFFFF, s1  }
0x1d5: {  	s3 =	sadd.s32 $0x1, s3  }
0x1d6: {  	p0 =	slt.u32 s3, $0x1F  }
.Ltmp12:
0x1d7: {  	_ = 	snop;
	(pc) =	sbr.rel @!p0 .LBB2_17-.Ltmp12, $4  }
0x1d8: {  	_ = 	snop  }
0x1d9: {  	s10 =	sshll.u32 s1, $0x4  }
0x1da: {  	s1 =	sadd.s32 $0x1C230, s10  }
0x1db: {  	[tilespmem:s1+$0x0] =	vst v5  }
.LBB2_16:
0x1dc: {  	s3 =	sadd.s32 $0x1, s3  }
0x1dd: {  	p0 =	slt.u32 s3, $0x1F  }
.Ltmp13:
0x1de: {  	_ = 	snop;
	(pc) =	sbr.rel @p0 .LBB2_16-.Ltmp13, $3  }
0x1df: {  	_ =	sdelay $0x1  }
0x1e0: {  	s1 =	sadd.s32 $0x10, s1  }
0x1e1: {  	[tilespmem:s1+$0x0] =	vst v5  }
.Ltmp14:
0x1e2: {  	_ = 	snop;
	(pc) =	sbr.rel .LBB2_17-.Ltmp14, $1  }
0x1e3: {  	_ =	sdelay $0x3  }
.LBB2_19:
0x1e4: {  	[bflag:$0x0] =	sbarrier.arrive $0xFFFF  }
0x1e5: {  	s12 =	rddreg [dreg:$0x0]  }
0x1e6: {  	s13 =	rddreg [dreg:$0x3]  }
0x1e7: {  	s0 =	simm.s32 $0x0;
	s14 =	rddreg [dreg:$0xa]  }
0x1e8: {  	s1 =	simm.s32 $0x0;
	s28 =	simm.s32 $0x9230;
	s15 =	rddreg [dreg:$0xb]  }
0x1e9: {  	s29 =	simm.s32 $0xA230;
	s30 =	simm.s32 $0xB230;
	s22 =	rddreg [dreg:$0xc]  }
.LBB2_20:
0x1ea: {  	s2 =	sshll.u32 s1, $0x2  }
0x1eb: {  	s3 =	sadd.s32 s14, s2  }
0x1ec: {  	s3 =	sshll.u32 s3, $0xC  }
0x1ed: {  	s3 =	sadd.s32 s15, s3  }
0x1ee: {  	s3 =	sshrl.u32 s3, $0x3  }
0x1ef: {  	s3 =	sadd.s32 s8, s3  }
0x1f0: {  	[tilespmem:s31], [sflag:$0x2] =	stream.linear.gather [hbm4b:s3+s0], $0x4000, $0x38;
	[tilespmem:$0x1E438] =	vst v63  }
0x1f1: {  	s5 =	sand.u32 $0xC00, s0;
	s6 =	sand.u32 $0x7F, s0;
	_ =	swait.ge [sflag:s21], $0x4000  }
0x1f2: {  	s10 =	sor.u32 s6, s5;
	s5 =	simm.s32 $0x1;
	[sflag:s21] =	ssyncset.done $0x0  }
0x1f3: {  	s6 =	simm.s32 $0x0;
	s3 =	simm.s32 $0x18240;
	[sflag:s21] =	ssyncadd.s32 $0xFFFFC000  }
.LBB2_21:
0x1f4: {  	p0 =	sne.s32 s5, $0x1FF;
	v14 =	vld [tilespmem:s3+$0xFFFFFFF0];
	v15 =	vor.u32 s10, v11  }
0x1f5: {  	v17 =	vor.u32 s10, v12;
	v16 =	vld [tilespmem:s3+$0x0]  }
.Ltmp15:
0x1f6: {  	(pc) =	sbr.rel @p0 .LBB2_21-.Ltmp15, $4  }
0x1f7: {  	_ = 	snop  }
0x1f8: {  	s6 =	sadd.s32 $0x8, s6  }
0x1f9: {  	s11 =	sand.u32 $0x7F, s5;
	s10 =	sand.u32 $0xC00, s6;
	[tilespmem:v15+s26+$0x0] =	vst.idx.msk $0xffff, v14  }
0x1fa: {  	s5 =	sadd.s32 $0x1, s5;
	s3 =	sadd.s32 $0x20, s3;
	s10 =	sor.u32 s11, s10;
	[tilespmem:v17+s26+$0x0] =	vst.idx.msk $0xffff, v16  }
0x1fb: {  	v14 =	vld [tilespmem:s3+$0xFFFFFFF0];
	v15 =	vor.u32 s10, v11  }
0x1fc: {  	v16 =	vld [tilespmem:s3+$0x0];
	v17 =	vor.u32 s10, v12;
	_ =	sdelay $0x1  }
0x1fd: {  	s2 =	sadd.s32 s22, s2  }
0x1fe: {  	s2 =	sshll.u32 s2, $0x7  }
0x1ff: {  	s2 =	sand.u32 $0x1FFF3E00, s2;
	[tilespmem:v15+s26+$0x0] =	vst.idx.msk $0xffff, v14  }
0x200: {  	s6 =	sadd.s32 s13, s2;
	[tilespmem:v17+s26+$0x0] =	vst.idx.msk $0xffff, v16  }
0x201: {  	[hbm4b:s6+s7] =	stream.linear.scatter [tilespmem:s26], [sflag:$0x2], $0x1000, $0x38;
	[tilespmem:$0x1E438] =	vst v63  }
0x202: {  	_ =	swait.ge [sflag:s21], $0x1000  }
0x203: {  	[sflag:s21] =	ssyncset.done $0x0  }
0x204: {  	s10 =	sadd.s32 s2, s16;
	[sflag:s21] =	ssyncadd.s32 $0xFFFFF000  }
0x205: {  	[hbm4b:s10+s7] =	stream.linear.scatter [tilespmem:s28], [sflag:$0x2], $0x1000, $0x38;
	[tilespmem:$0x1E438] =	vst v63  }
0x206: {  	_ =	swait.ge [sflag:s21], $0x1000  }
0x207: {  	[sflag:s21] =	ssyncset.done $0x0  }
0x208: {  	s11 =	sadd.s32 s2, s17;
	[sflag:s21] =	ssyncadd.s32 $0xFFFFF000  }
0x209: {  	[hbm4b:s11+s7] =	stream.linear.scatter [tilespmem:s29], [sflag:$0x2], $0x1000, $0x38;
	[tilespmem:$0x1E438] =	vst v63  }
0x20a: {  	s1 =	sadd.s32 $0x1, s1;
	_ =	swait.ge [sflag:s21], $0x1000  }
0x20b: {  	p0 =	sne.s32 s1, $0x8;
	[sflag:s21] =	ssyncset.done $0x0  }
.Ltmp16:
0x20c: {  	s2 =	sadd.s32 s2, s18;
	[sflag:s21] =	ssyncadd.s32 $0xFFFFF000;
	(pc) =	sbr.rel @p0 .LBB2_20-.Ltmp16, $4  }
0x20d: {  	[hbm4b:s2+s7] =	stream.linear.scatter [tilespmem:s30], [sflag:$0x2], $0x1000, $0x38;
	[tilespmem:$0x1E438] =	vst v63  }
0x20e: {  	_ =	swait.ge [sflag:s21], $0x1000  }
0x20f: {  	[sflag:s21] =	ssyncset.done $0x0  }
0x210: {  	[sflag:s21] =	ssyncadd.s32 $0xFFFFF000  }
0x211: {  	s1 =	rddreg [dreg:$0xe]  }
0x212: {  	s0 =	rddreg [dreg:$0xd];
	s1 =	sadd.s32 $0x1, s1  }
0x213: {  	p0 =	sne.s32 s1, s0  }
.Ltmp17:
0x214: {  	_ = 	snop;
	(pc) =	sbr.rel @p0 .LBB2_1-.Ltmp17, $2  }
0x215: {  	_ =	sdelay $0x2  }
0x216: {  	s6 =	simm.s32 $0x1C430  }
0x217: {  	_ =	sfence.sel $0x180000  }
0x218: {  	[bflag:$0x0] =	sbarrier.arrive $0xFFFF  }
0x219: {  	_ =	strace $0x90000047  }
0x21a: {  	s0 =	stileid.u32;
	[bflag:$0x2] =	sbarrier.arrive $0xFFFF  }
0x21b: {  	p0 =	sne.s32 s0, $0x0;
	s0 =	rddreg [dreg:$0x5]  }
0x21c: {  	s0 =	sadd.s32 @!p0 $0x100000, s0  }
0x21d: {  	[sflag:s0] =	ssyncadd.tile.s32 @!p0 $0x1;
	_ =	shalt  }
.Lfunc_end2:
_tile_overlayer_lowered:
.L_overlay_start_2:
0x21e: {  	(tag) =	ssettag $0x2  }
0x21f: {  	s0 =	rddreg [dreg:$0x0];
	s2 =	stileid.u32  }
0x220: {  	s1 =	rddreg [dreg:$0x1];
	p0 =	sne.s32 s2, $0x0  }
0x221: {  	s3 =	rddreg [dreg:$0x2];
	[bflag:$0x3] =	sbarrier.arrive $0xFFFF;
	s2 =	simm.s32 @!p0 $0x1C02  }
0x222: {  	[timem:s3], [sflag:s2] =	dma.local @!p0 [hbm:s0], s1  }
0x223: {  	s0 =	simm.s32 @!p0 $0x2  }
0x224: {  	_ =	swait.ge @!p0 [sflag:s0], s1  }
0x225: {  	s1 =	ssub.s32 @!p0 $0x0, s1;
	[sflag:s0] =	ssyncset.done @!p0 $0x0  }
0x226: {  	[sflag:s0] =	ssyncadd.s32 @!p0 s1  }
0x227: {  	[bflag:$0x3] =	sbarrier.arrive $0xFFFF  }
0x228: {  	_ =	shalt  }

</sc_bundles>
